<compile_context>
chip_gen: v7x
topology: tpu7x:2x2x1
jax: 0.10.2.dev20260603
libtpu: 0.0.44.dev20260713+nightly
codegen_flags: <defaults>
</compile_context>

<pallas_src>
import functools

import jax
import jax.numpy as jnp
from jax import lax
from jax.experimental import pallas as pl
from jax.experimental.pallas import tpu as pltpu
from jax.experimental.pallas import tpu_sc as plsc

N = 10000
E = 320000
D = 128
EPS = 0.1
GAMMA = 0.1

NC = 2
NS = 16
NW = NC * NS
EPT = E // NW
K = 80
CH = EPT // K
NACC = N
STRIPE = 624
TAIL = N - NS * STRIPE
TAIL0 = NS * STRIPE
ZR = 208

_F32 = jnp.float32
_I32 = jnp.int32


def _sc_mesh():
    return plsc.VectorSubcoreMesh(core_axis_name="c", subcore_axis_name="s")


def _zero_stripe(zeros_hbm, acc_sh, s):
    row0 = s * STRIPE
    for t in range(STRIPE // ZR):
        pltpu.sync_copy(zeros_hbm, acc_sh.at[pl.ds(row0 + t * ZR, ZR)])

    @pl.when(s == 0)
    def _():
        pltpu.sync_copy(zeros_hbm.at[pl.ds(0, TAIL)], acc_sh.at[pl.ds(TAIL0, TAIL)])


def _write_stripe(acc_sh, out_hbm, c, s):
    row0 = s * STRIPE
    pltpu.sync_copy(acc_sh.at[pl.ds(row0, STRIPE)],
                    out_hbm.at[c, pl.ds(row0, STRIPE)])

    @pl.when(s == 0)
    def _():
        pltpu.sync_copy(acc_sh.at[pl.ds(TAIL0, TAIL)],
                        out_hbm.at[c, pl.ds(TAIL0, TAIL)])


def _make_deg_kernel():
    @functools.partial(
        pl.kernel,
        mesh=_sc_mesh(),
        out_type=jax.ShapeDtypeStruct((NC, N, D), _F32),
        scratch_types=[
            pltpu.VMEM((CH, K), _I32),
            pltpu.VMEM((K, D), _F32),
            pltpu.VMEM_SHARED((NACC, D), _F32),
        ],
    )
    def deg_kernel(pk_hbm, ones_hbm, zeros_hbm, degp_hbm, dst_v, ones_v, acc_sh):
        c = lax.axis_index("c")
        s = lax.axis_index("s")
        w = s * NC + c
        _zero_stripe(zeros_hbm, acc_sh, s)
        pltpu.sync_copy(pk_hbm.at[w], dst_v)
        pltpu.sync_copy(ones_hbm, ones_v)

        def unpack(j, carry):
            for k in range(K // 16):
                sl = pl.ds(k * 16, 16)
                dst_v[j, sl] = dst_v[j, sl] >> 16
            return carry

        lax.fori_loop(0, CH, unpack, 0)
        plsc.subcore_barrier()

        def body(j, carry):
            pltpu.sync_copy(ones_v, acc_sh.at[dst_v.at[j]], add=True)
            return carry

        lax.fori_loop(0, CH, body, 0)
        plsc.subcore_barrier()
        _write_stripe(acc_sh, degp_hbm, c, s)

    return deg_kernel


def _make_agg_kernel():
    @functools.partial(
        pl.kernel,
        mesh=_sc_mesh(),
        out_type=jax.ShapeDtypeStruct((NC, N, D), _F32),
        scratch_types=[
            pltpu.VMEM((CH, K), _I32),
            pltpu.VMEM((2, K), _I32),
            pltpu.VMEM((2, K), _I32),
            pltpu.VMEM((2, K, D), _F32),
            pltpu.VMEM_SHARED((NACC, D), _F32),
            pltpu.SemaphoreType.DMA,
        ],
    )
    def agg_kernel(hs_hbm, pk_hbm, zeros_hbm, part_hbm, pk_v, src_c, dst_c,
                   rows_v, acc_sh, sem):
        c = lax.axis_index("c")
        s = lax.axis_index("s")
        w = s * NC + c
        row0 = s * STRIPE

        @pl.when(c == 0)
        def _():
            for t in range(STRIPE // ZR):
                sl = pl.ds(row0 + t * ZR, ZR)
                pltpu.sync_copy(hs_hbm.at[sl], acc_sh.at[sl])

            @pl.when(s == 0)
            def _():
                sl = pl.ds(TAIL0, TAIL)
                pltpu.sync_copy(hs_hbm.at[sl], acc_sh.at[sl])

        @pl.when(c == 1)
        def _():
            _zero_stripe(zeros_hbm, acc_sh, s)

        pltpu.sync_copy(pk_hbm.at[w], pk_v)

        def unpack(j, b):
            for k in range(K // 16):
                sl = pl.ds(k * 16, 16)
                v = pk_v[j, sl]
                src_c[b, sl] = v & 0xFFFF
                dst_c[b, sl] = v >> 16

        plsc.subcore_barrier()

        unpack(0, 0)
        pltpu.make_async_copy(hs_hbm.at[src_c.at[0]], rows_v.at[0], sem).start()

        def pair(jo, carry):
            j0 = 2 * jo
            unpack(j0 + 1, 1)
            pltpu.make_async_copy(hs_hbm.at[src_c.at[0]], rows_v.at[0], sem).wait()
            pltpu.make_async_copy(hs_hbm.at[src_c.at[1]], rows_v.at[1], sem).start()
            pltpu.sync_copy(rows_v.at[0], acc_sh.at[dst_c.at[0]], add=True)
            pltpu.make_async_copy(hs_hbm.at[src_c.at[1]], rows_v.at[1], sem).wait()

            @pl.when(j0 + 2 < CH)
            def _():
                unpack(j0 + 2, 0)
                pltpu.make_async_copy(hs_hbm.at[src_c.at[0]], rows_v.at[0], sem).start()

            pltpu.sync_copy(rows_v.at[1], acc_sh.at[dst_c.at[1]], add=True)
            return carry

        lax.fori_loop(0, CH // 2, pair, 0)
        if CH % 2:
            pltpu.make_async_copy(hs_hbm.at[src_c.at[0]], rows_v.at[0], sem).wait()
            pltpu.sync_copy(rows_v.at[0], acc_sh.at[dst_c.at[0]], add=True)
        plsc.subcore_barrier()
        _write_stripe(acc_sh, part_hbm, c, s)

    return agg_kernel


_deg_kernel = _make_deg_kernel()
_agg_kernel = _make_agg_kernel()

BN = 2000


def _tc1_body(x_ref, lin_ref, degp_ref, hs_ref, dinv_ref):
    deg = 1.0 + degp_ref[0] + degp_ref[1]
    dinv = lax.rsqrt(deg)
    h = jnp.dot(x_ref[...], lin_ref[...].T, preferred_element_type=_F32)
    hs_ref[...] = h * dinv
    dinv_ref[...] = dinv[:, 0:16]


def _tc2_body(x_ref, part_ref, dinv_ref, W_ref, b_ref, lin2_ref,
              x1_ref, hs2_ref):
    xx = x_ref[...]
    dinv = dinv_ref[:, 0:1]
    agg = part_ref[0] + part_ref[1]
    W = W_ref[...]
    z = (jnp.dot(xx, W.T, preferred_element_type=_F32)
         - jnp.dot(xx, W, preferred_element_type=_F32)
         - GAMMA * xx + dinv * agg + b_ref[...])
    x1 = jax.nn.relu(xx + EPS * jnp.tanh(z))
    x1_ref[...] = x1
    hs2_ref[...] = jnp.dot(x1, lin2_ref[...].T,
                           preferred_element_type=_F32) * dinv


def _tc3_body(x_ref, part_ref, dinv_ref, W_ref, b_ref, ow_ref, ob_ref,
              out_ref):
    xx = x_ref[...]
    dinv = dinv_ref[:, 0:1]
    agg = part_ref[0] + part_ref[1]
    W = W_ref[...]
    z = (jnp.dot(xx, W.T, preferred_element_type=_F32)
         - jnp.dot(xx, W, preferred_element_type=_F32)
         - GAMMA * xx + dinv * agg + b_ref[...])
    x2 = jax.nn.relu(xx + EPS * jnp.tanh(z))
    out_ref[...] = jnp.dot(x2, ow_ref[...], preferred_element_type=_F32) + ob_ref[0, 0]


def _row_spec(width):
    return pl.BlockSpec((BN, width), lambda i: (i, 0))


def _full_spec(shape):
    nd = len(shape)
    return pl.BlockSpec(shape, lambda i: (0,) * nd)


def _part_spec(width):
    return pl.BlockSpec((NC, BN, width), lambda i: (0, i, 0))


def kernel(x, edge_index, W1, b1, lin1, W2, b2, lin2, out_w, out_b):
    src = edge_index[0].astype(_I32)
    dst = edge_index[1].astype(_I32)
    pk = (src | (dst << 16)).reshape(NW, CH, K)
    onesD = jnp.ones((K, D), _F32)
    zerosD = jnp.zeros((ZR, D), _F32)
    b1r = b1.reshape(1, D)
    b2r = b2.reshape(1, D)
    obr = out_b.reshape(1, 1)
    grid = (N // BN,)

    degp = _deg_kernel(pk, onesD, zerosD)

    hs1, dinv16 = pl.pallas_call(
        _tc1_body,
        grid=grid,
        in_specs=[_row_spec(D), _full_spec((D, D)), _part_spec(D)],
        out_specs=[_row_spec(D), _row_spec(16)],
        out_shape=[jax.ShapeDtypeStruct((N, D), _F32),
                   jax.ShapeDtypeStruct((N, 16), _F32)],
    )(x, lin1, degp)

    part1 = _agg_kernel(hs1, pk, zerosD)

    x1, hs2 = pl.pallas_call(
        _tc2_body,
        grid=grid,
        in_specs=[_row_spec(D), _part_spec(D), _row_spec(16),
                  _full_spec((D, D)), _full_spec((1, D)), _full_spec((D, D))],
        out_specs=[_row_spec(D), _row_spec(D)],
        out_shape=[jax.ShapeDtypeStruct((N, D), _F32),
                   jax.ShapeDtypeStruct((N, D), _F32)],
    )(x, part1, dinv16, W1, b1r, lin2)

    part2 = _agg_kernel(hs2, pk, zerosD)

    out2d = pl.pallas_call(
        _tc3_body,
        grid=grid,
        in_specs=[_row_spec(D), _part_spec(D), _row_spec(16),
                  _full_spec((D, D)), _full_spec((1, D)), _full_spec((D, 1)),
                  pl.BlockSpec(memory_space=pltpu.SMEM)],
        out_specs=pl.BlockSpec((BN, 1), lambda i: (i, 0)),
        out_shape=jax.ShapeDtypeStruct((N, 1), _F32),
    )(x1, part2, dinv16, W2, b2r, out_w.reshape(D, 1), obr)

    return out2d[:, 0]

# --- scband reference (transcript-rebuilt; emitter-appended) ---
"""Pipeline reference for scband-gnnmodel-21105469292957 (READ-ONLY COPY).

The authoritative reference and input builder live on the scoring server;
editing this copy changes nothing except your own understanding.
"""

import jax, jax.numpy as jnp
import numpy as np

N = 10000
E = 320000
D = 128
EPS = 0.1
GAMMA = 0.1


def setup_inputs(seed: int = 0):
    key = jax.random.key(seed)
    ks = jax.random.split(key, 10)
    s = 1.0 / np.sqrt(D)
    x = jax.random.normal(ks[0], (N, D), dtype=jnp.float32)
    edge_index = jax.random.randint(ks[1], (2, E), 0, N)
    W1 = jax.random.uniform(ks[2], (D, D), minval=-s, maxval=s, dtype=jnp.float32)
    b1 = jax.random.uniform(ks[3], (D,), minval=-s, maxval=s, dtype=jnp.float32)
    lin1 = jax.random.uniform(ks[4], (D, D), minval=-s, maxval=s, dtype=jnp.float32)
    W2 = jax.random.uniform(ks[5], (D, D), minval=-s, maxval=s, dtype=jnp.float32)
    b2 = jax.random.uniform(ks[6], (D,), minval=-s, maxval=s, dtype=jnp.float32)
    lin2 = jax.random.uniform(ks[7], (D, D), minval=-s, maxval=s, dtype=jnp.float32)
    out_w = jax.random.uniform(ks[8], (1, D), minval=-s, maxval=s, dtype=jnp.float32)
    out_b = jax.random.uniform(ks[9], (1,), minval=-s, maxval=s, dtype=jnp.float32)
    return {"x": x, "edge_index": edge_index, "W1": W1, "b1": b1, "lin1": lin1,
            "W2": W2, "b2": b2, "lin2": lin2, "out_w": out_w, "out_b": out_b}


def _gcn_conv(x, src, dst, lin_w):
    # GCNConv with added self-loops and symmetric normalization, bias=False
    loop = jnp.arange(N)
    src2 = jnp.concatenate([src, loop])
    dst2 = jnp.concatenate([dst, loop])
    deg = jnp.zeros((N,), dtype=x.dtype).at[dst2].add(1.0)
    dinv = jnp.where(deg > 0, deg ** -0.5, 0.0)
    norm = dinv[src2] * dinv[dst2]
    h = x @ lin_w.T
    msg = h[src2] * norm[:, None]
    return jnp.zeros((N, h.shape[1]), dtype=x.dtype).at[dst2].add(msg)


def _antisym_conv(x, src, dst, W, bias, lin_w):
    # AntiSymmetricConv (num_iters=1, epsilon=0.1, gamma=0.1, act=tanh)
    aW = W - W.T - GAMMA * jnp.eye(D, dtype=x.dtype)
    h = _gcn_conv(x, src, dst, lin_w)
    h = x @ aW.T + h + bias
    h = jnp.tanh(h)
    return x + EPS * h


def reference(x, edge_index, W1, b1, lin1, W2, b2, lin2, out_w, out_b):
    src, dst = edge_index[0], edge_index[1]
    h = _antisym_conv(x, src, dst, W1, b1, lin1)
    h = jax.nn.relu(h)
    h = _antisym_conv(h, src, dst, W2, b2, lin2)
    h = jax.nn.relu(h)
    out = h @ out_w.T + out_b
    return out[:, 0]

if __name__ == "__main__":
    import jax
    _d = setup_inputs()
    print(jax.jit(kernel)(*tuple(_d.values())))

</pallas_src>

<mosaic_0001>
#map = affine_map<(d0, d1) -> (0, 0)>
#map1 = affine_map<(d0, d1) -> (0, 0, 0)>
module attributes {stable_mosaic.version = 14 : i64} {
  func.func @agg_kernel(%arg0: i32, %arg1: i32, %arg2: memref<10000x128xf32, #tpu.memory_space<hbm>>, %arg3: memref<32x125x80xi32, #tpu.memory_space<hbm>>, %arg4: memref<208x128xf32, #tpu.memory_space<hbm>>, %arg5: memref<2x10000x128xf32, #tpu.memory_space<hbm>>, %arg6: memref<125x80xi32, #tpu.memory_space<vmem>>, %arg7: memref<2x80xi32, #tpu.memory_space<vmem>>, %arg8: memref<2x80xi32, #tpu.memory_space<vmem>>, %arg9: memref<2x80x128xf32, #tpu.memory_space<vmem>>, %arg10: memref<10000x128xf32, #tpu.memory_space<vmem_shared>>, %arg11: memref<!tpu.dma_semaphore, #tpu.memory_space<semaphore_mem>>) attributes {dimension_semantics = [#tpu.dimension_semantics<core_parallel>, #tpu.dimension_semantics<subcore_parallel>], iteration_bounds = array<i64: 2, 16>, scalar_prefetch = 0 : i64, scratch_operands = 6 : i64, tpu.core_type = #tpu.core_type<sc_vector_subcore>, window_params = [{transform_indices = #map}, {transform_indices = #map1}, {transform_indices = #map}, {transform_indices = #map1}]} {
    %mul3A = arith.constant 2 : i32
    %mul3A_0 = arith.muli %arg1, %mul3A : i32
    %add3A = arith.addi %mul3A_0, %arg0 : i32
    %mul3A_1 = arith.constant 624 : i32
    %mul3A_2 = arith.muli %arg1, %mul3A_1 : i32
    %eq3A = arith.constant 0 : i32
    %eq3A_3 = arith.cmpi eq, %arg0, %eq3A : i32
    %convert_element_type3A = arith.extui %eq3A_3 : i1 to i32
    %cond3A = arith.constant 0 : i32
    %cond3A_4 = arith.cmpi ne, %convert_element_type3A, %cond3A : i32
    scf.if %cond3A_4 {
      %add3A_157 = arith.constant 0 : i32
      %add3A_158 = arith.addi %mul3A_2, %add3A_157 : i32
      "tpu.region"() ({
        %run_scoped3A_168 = tpu.sem_alloc : memref<!tpu.dma_semaphore, #tpu.memory_space<semaphore_mem>>
        %dma_start3A_169 = arith.constant 0 : i32
        %dma_start3A_170 = tpu.memref_slice %arg10[%add3A_158, %dma_start3A_169] : memref<10000x128xf32, #tpu.memory_space<vmem_shared>> -> memref<208x128xf32, #tpu.memory_space<vmem_shared>>
        %dma_start3A_171 = arith.constant 0 : i32
        %dma_start3A_172 = tpu.memref_slice %arg2[%add3A_158, %dma_start3A_171] : memref<10000x128xf32, #tpu.memory_space<hbm>> -> memref<208x128xf32, #tpu.memory_space<hbm>>
        tpu.enqueue_dma source(%dma_start3A_172 : memref<208x128xf32, #tpu.memory_space<hbm>>) target(%dma_start3A_170 : memref<208x128xf32, #tpu.memory_space<vmem_shared>>) target_semaphore(%run_scoped3A_168 : memref<!tpu.dma_semaphore, #tpu.memory_space<semaphore_mem>>)
        %dma_wait3A_173 = arith.constant 0 : i32
        %dma_wait3A_174 = tpu.memref_slice %arg10[%add3A_158, %dma_wait3A_173] : memref<10000x128xf32, #tpu.memory_space<vmem_shared>> -> memref<208x128xf32, #tpu.memory_space<vmem_shared>>
        %dma_wait3A_175 = arith.constant 0 : i32
        %dma_wait3A_176 = tpu.memref_slice %arg2[%add3A_158, %dma_wait3A_175] : memref<10000x128xf32, #tpu.memory_space<hbm>> -> memref<208x128xf32, #tpu.memory_space<hbm>>
        tpu.wait_dma2 semaphore(%run_scoped3A_168 : memref<!tpu.dma_semaphore, #tpu.memory_space<semaphore_mem>>) src(%dma_wait3A_176 : memref<208x128xf32, #tpu.memory_space<hbm>>) dst(%dma_wait3A_174 : memref<208x128xf32, #tpu.memory_space<vmem_shared>>)
        tpu.yield
      }) : () -> ()
      %add3A_159 = arith.constant 208 : i32
      %add3A_160 = arith.addi %mul3A_2, %add3A_159 : i32
      "tpu.region"() ({
        %run_scoped3A_168 = tpu.sem_alloc : memref<!tpu.dma_semaphore, #tpu.memory_space<semaphore_mem>>
        %dma_start3A_169 = arith.constant 0 : i32
        %dma_start3A_170 = tpu.memref_slice %arg10[%add3A_160, %dma_start3A_169] : memref<10000x128xf32, #tpu.memory_space<vmem_shared>> -> memref<208x128xf32, #tpu.memory_space<vmem_shared>>
        %dma_start3A_171 = arith.constant 0 : i32
        %dma_start3A_172 = tpu.memref_slice %arg2[%add3A_160, %dma_start3A_171] : memref<10000x128xf32, #tpu.memory_space<hbm>> -> memref<208x128xf32, #tpu.memory_space<hbm>>
        tpu.enqueue_dma source(%dma_start3A_172 : memref<208x128xf32, #tpu.memory_space<hbm>>) target(%dma_start3A_170 : memref<208x128xf32, #tpu.memory_space<vmem_shared>>) target_semaphore(%run_scoped3A_168 : memref<!tpu.dma_semaphore, #tpu.memory_space<semaphore_mem>>)
        %dma_wait3A_173 = arith.constant 0 : i32
        %dma_wait3A_174 = tpu.memref_slice %arg10[%add3A_160, %dma_wait3A_173] : memref<10000x128xf32, #tpu.memory_space<vmem_shared>> -> memref<208x128xf32, #tpu.memory_space<vmem_shared>>
        %dma_wait3A_175 = arith.constant 0 : i32
        %dma_wait3A_176 = tpu.memref_slice %arg2[%add3A_160, %dma_wait3A_175] : memref<10000x128xf32, #tpu.memory_space<hbm>> -> memref<208x128xf32, #tpu.memory_space<hbm>>
        tpu.wait_dma2 semaphore(%run_scoped3A_168 : memref<!tpu.dma_semaphore, #tpu.memory_space<semaphore_mem>>) src(%dma_wait3A_176 : memref<208x128xf32, #tpu.memory_space<hbm>>) dst(%dma_wait3A_174 : memref<208x128xf32, #tpu.memory_space<vmem_shared>>)
        tpu.yield
      }) : () -> ()
      %add3A_161 = arith.constant 416 : i32
      %add3A_162 = arith.addi %mul3A_2, %add3A_161 : i32
      "tpu.region"() ({
        %run_scoped3A_168 = tpu.sem_alloc : memref<!tpu.dma_semaphore, #tpu.memory_space<semaphore_mem>>
        %dma_start3A_169 = arith.constant 0 : i32
        %dma_start3A_170 = tpu.memref_slice %arg10[%add3A_162, %dma_start3A_169] : memref<10000x128xf32, #tpu.memory_space<vmem_shared>> -> memref<208x128xf32, #tpu.memory_space<vmem_shared>>
        %dma_start3A_171 = arith.constant 0 : i32
        %dma_start3A_172 = tpu.memref_slice %arg2[%add3A_162, %dma_start3A_171] : memref<10000x128xf32, #tpu.memory_space<hbm>> -> memref<208x128xf32, #tpu.memory_space<hbm>>
        tpu.enqueue_dma source(%dma_start3A_172 : memref<208x128xf32, #tpu.memory_space<hbm>>) target(%dma_start3A_170 : memref<208x128xf32, #tpu.memory_space<vmem_shared>>) target_semaphore(%run_scoped3A_168 : memref<!tpu.dma_semaphore, #tpu.memory_space<semaphore_mem>>)
        %dma_wait3A_173 = arith.constant 0 : i32
        %dma_wait3A_174 = tpu.memref_slice %arg10[%add3A_162, %dma_wait3A_173] : memref<10000x128xf32, #tpu.memory_space<vmem_shared>> -> memref<208x128xf32, #tpu.memory_space<vmem_shared>>
        %dma_wait3A_175 = arith.constant 0 : i32
        %dma_wait3A_176 = tpu.memref_slice %arg2[%add3A_162, %dma_wait3A_175] : memref<10000x128xf32, #tpu.memory_space<hbm>> -> memref<208x128xf32, #tpu.memory_space<hbm>>
        tpu.wait_dma2 semaphore(%run_scoped3A_168 : memref<!tpu.dma_semaphore, #tpu.memory_space<semaphore_mem>>) src(%dma_wait3A_176 : memref<208x128xf32, #tpu.memory_space<hbm>>) dst(%dma_wait3A_174 : memref<208x128xf32, #tpu.memory_space<vmem_shared>>)
        tpu.yield
      }) : () -> ()
      %eq3A_163 = arith.constant 0 : i32
      %eq3A_164 = arith.cmpi eq, %arg1, %eq3A_163 : i32
      %convert_element_type3A_165 = arith.extui %eq3A_164 : i1 to i32
      %cond3A_166 = arith.constant 0 : i32
      %cond3A_167 = arith.cmpi ne, %convert_element_type3A_165, %cond3A_166 : i32
      scf.if %cond3A_167 {
        "tpu.region"() ({
          %run_scoped3A_168 = tpu.sem_alloc : memref<!tpu.dma_semaphore, #tpu.memory_space<semaphore_mem>>
          %dma_start3A_169 = arith.constant 9984 : i32
          %dma_start3A_170 = arith.constant 0 : i32
          %dma_start3A_171 = tpu.memref_slice %arg10[%dma_start3A_169, %dma_start3A_170] : memref<10000x128xf32, #tpu.memory_space<vmem_shared>> -> memref<16x128xf32, #tpu.memory_space<vmem_shared>>
          %dma_start3A_172 = arith.constant 9984 : i32
          %dma_start3A_173 = arith.constant 0 : i32
          %dma_start3A_174 = tpu.memref_slice %arg2[%dma_start3A_172, %dma_start3A_173] : memref<10000x128xf32, #tpu.memory_space<hbm>> -> memref<16x128xf32, #tpu.memory_space<hbm>>
          tpu.enqueue_dma source(%dma_start3A_174 : memref<16x128xf32, #tpu.memory_space<hbm>>) target(%dma_start3A_171 : memref<16x128xf32, #tpu.memory_space<vmem_shared>>) target_semaphore(%run_scoped3A_168 : memref<!tpu.dma_semaphore, #tpu.memory_space<semaphore_mem>>)
          %dma_wait3A_175 = arith.constant 9984 : i32
          %dma_wait3A_176 = arith.constant 0 : i32
          %dma_wait3A_177 = tpu.memref_slice %arg10[%dma_wait3A_175, %dma_wait3A_176] : memref<10000x128xf32, #tpu.memory_space<vmem_shared>> -> memref<16x128xf32, #tpu.memory_space<vmem_shared>>
          %dma_wait3A_178 = arith.constant 9984 : i32
          %dma_wait3A_179 = arith.constant 0 : i32
          %dma_wait3A_180 = tpu.memref_slice %arg2[%dma_wait3A_178, %dma_wait3A_179] : memref<10000x128xf32, #tpu.memory_space<hbm>> -> memref<16x128xf32, #tpu.memory_space<hbm>>
          tpu.wait_dma2 semaphore(%run_scoped3A_168 : memref<!tpu.dma_semaphore, #tpu.memory_space<semaphore_mem>>) src(%dma_wait3A_180 : memref<16x128xf32, #tpu.memory_space<hbm>>) dst(%dma_wait3A_177 : memref<16x128xf32, #tpu.memory_space<vmem_shared>>)
          tpu.yield
        }) : () -> ()
      } else {
      }
    } else {
    }
    %eq3A_5 = arith.constant 1 : i32
    %eq3A_6 = arith.cmpi eq, %arg0, %eq3A_5 : i32
    %convert_element_type3A_7 = arith.extui %eq3A_6 : i1 to i32
    %cond3A_8 = arith.constant 0 : i32
    %cond3A_9 = arith.cmpi ne, %convert_element_type3A_7, %cond3A_8 : i32
    scf.if %cond3A_9 {
      %mul3A_157 = arith.constant 624 : i32
      %mul3A_158 = arith.muli %arg1, %mul3A_157 : i32
      %add3A_159 = arith.constant 0 : i32
      %add3A_160 = arith.addi %mul3A_158, %add3A_159 : i32
      "tpu.region"() ({
        %run_scoped3A_170 = tpu.sem_alloc : memref<!tpu.dma_semaphore, #tpu.memory_space<semaphore_mem>>
        %dma_start3A_171 = arith.constant 0 : i32
        %dma_start3A_172 = tpu.memref_slice %arg10[%add3A_160, %dma_start3A_171] : memref<10000x128xf32, #tpu.memory_space<vmem_shared>> -> memref<208x128xf32, #tpu.memory_space<vmem_shared>>
        tpu.enqueue_dma source(%arg4 : memref<208x128xf32, #tpu.memory_space<hbm>>) target(%dma_start3A_172 : memref<208x128xf32, #tpu.memory_space<vmem_shared>>) target_semaphore(%run_scoped3A_170 : memref<!tpu.dma_semaphore, #tpu.memory_space<semaphore_mem>>)
        %dma_wait3A_173 = arith.constant 0 : i32
        %dma_wait3A_174 = tpu.memref_slice %arg10[%add3A_160, %dma_wait3A_173] : memref<10000x128xf32, #tpu.memory_space<vmem_shared>> -> memref<208x128xf32, #tpu.memory_space<vmem_shared>>
        tpu.wait_dma2 semaphore(%run_scoped3A_170 : memref<!tpu.dma_semaphore, #tpu.memory_space<semaphore_mem>>) src(%arg4 : memref<208x128xf32, #tpu.memory_space<hbm>>) dst(%dma_wait3A_174 : memref<208x128xf32, #tpu.memory_space<vmem_shared>>)
        tpu.yield
      }) : () -> ()
      %add3A_161 = arith.constant 208 : i32
      %add3A_162 = arith.addi %mul3A_158, %add3A_161 : i32
      "tpu.region"() ({
        %run_scoped3A_170 = tpu.sem_alloc : memref<!tpu.dma_semaphore, #tpu.memory_space<semaphore_mem>>
        %dma_start3A_171 = arith.constant 0 : i32
        %dma_start3A_172 = tpu.memref_slice %arg10[%add3A_162, %dma_start3A_171] : memref<10000x128xf32, #tpu.memory_space<vmem_shared>> -> memref<208x128xf32, #tpu.memory_space<vmem_shared>>
        tpu.enqueue_dma source(%arg4 : memref<208x128xf32, #tpu.memory_space<hbm>>) target(%dma_start3A_172 : memref<208x128xf32, #tpu.memory_space<vmem_shared>>) target_semaphore(%run_scoped3A_170 : memref<!tpu.dma_semaphore, #tpu.memory_space<semaphore_mem>>)
        %dma_wait3A_173 = arith.constant 0 : i32
        %dma_wait3A_174 = tpu.memref_slice %arg10[%add3A_162, %dma_wait3A_173] : memref<10000x128xf32, #tpu.memory_space<vmem_shared>> -> memref<208x128xf32, #tpu.memory_space<vmem_shared>>
        tpu.wait_dma2 semaphore(%run_scoped3A_170 : memref<!tpu.dma_semaphore, #tpu.memory_space<semaphore_mem>>) src(%arg4 : memref<208x128xf32, #tpu.memory_space<hbm>>) dst(%dma_wait3A_174 : memref<208x128xf32, #tpu.memory_space<vmem_shared>>)
        tpu.yield
      }) : () -> ()
      %add3A_163 = arith.constant 416 : i32
      %add3A_164 = arith.addi %mul3A_158, %add3A_163 : i32
      "tpu.region"() ({
        %run_scoped3A_170 = tpu.sem_alloc : memref<!tpu.dma_semaphore, #tpu.memory_space<semaphore_mem>>
        %dma_start3A_171 = arith.constant 0 : i32
        %dma_start3A_172 = tpu.memref_slice %arg10[%add3A_164, %dma_start3A_171] : memref<10000x128xf32, #tpu.memory_space<vmem_shared>> -> memref<208x128xf32, #tpu.memory_space<vmem_shared>>
        tpu.enqueue_dma source(%arg4 : memref<208x128xf32, #tpu.memory_space<hbm>>) target(%dma_start3A_172 : memref<208x128xf32, #tpu.memory_space<vmem_shared>>) target_semaphore(%run_scoped3A_170 : memref<!tpu.dma_semaphore, #tpu.memory_space<semaphore_mem>>)
        %dma_wait3A_173 = arith.constant 0 : i32
        %dma_wait3A_174 = tpu.memref_slice %arg10[%add3A_164, %dma_wait3A_173] : memref<10000x128xf32, #tpu.memory_space<vmem_shared>> -> memref<208x128xf32, #tpu.memory_space<vmem_shared>>
        tpu.wait_dma2 semaphore(%run_scoped3A_170 : memref<!tpu.dma_semaphore, #tpu.memory_space<semaphore_mem>>) src(%arg4 : memref<208x128xf32, #tpu.memory_space<hbm>>) dst(%dma_wait3A_174 : memref<208x128xf32, #tpu.memory_space<vmem_shared>>)
        tpu.yield
      }) : () -> ()
      %eq3A_165 = arith.constant 0 : i32
      %eq3A_166 = arith.cmpi eq, %arg1, %eq3A_165 : i32
      %convert_element_type3A_167 = arith.extui %eq3A_166 : i1 to i32
      %cond3A_168 = arith.constant 0 : i32
      %cond3A_169 = arith.cmpi ne, %convert_element_type3A_167, %cond3A_168 : i32
      scf.if %cond3A_169 {
        "tpu.region"() ({
          %run_scoped3A_170 = tpu.sem_alloc : memref<!tpu.dma_semaphore, #tpu.memory_space<semaphore_mem>>
          %dma_start3A_171 = arith.constant 9984 : i32
          %dma_start3A_172 = arith.constant 0 : i32
          %dma_start3A_173 = tpu.memref_slice %arg10[%dma_start3A_171, %dma_start3A_172] : memref<10000x128xf32, #tpu.memory_space<vmem_shared>> -> memref<16x128xf32, #tpu.memory_space<vmem_shared>>
          %dma_start3A_174 = arith.constant 0 : i32
          %dma_start3A_175 = arith.constant 0 : i32
          %dma_start3A_176 = tpu.memref_slice %arg4[%dma_start3A_174, %dma_start3A_175] : memref<208x128xf32, #tpu.memory_space<hbm>> -> memref<16x128xf32, #tpu.memory_space<hbm>>
          tpu.enqueue_dma source(%dma_start3A_176 : memref<16x128xf32, #tpu.memory_space<hbm>>) target(%dma_start3A_173 : memref<16x128xf32, #tpu.memory_space<vmem_shared>>) target_semaphore(%run_scoped3A_170 : memref<!tpu.dma_semaphore, #tpu.memory_space<semaphore_mem>>)
          %dma_wait3A_177 = arith.constant 9984 : i32
          %dma_wait3A_178 = arith.constant 0 : i32
          %dma_wait3A_179 = tpu.memref_slice %arg10[%dma_wait3A_177, %dma_wait3A_178] : memref<10000x128xf32, #tpu.memory_space<vmem_shared>> -> memref<16x128xf32, #tpu.memory_space<vmem_shared>>
          %dma_wait3A_180 = arith.constant 0 : i32
          %dma_wait3A_181 = arith.constant 0 : i32
          %dma_wait3A_182 = tpu.memref_slice %arg4[%dma_wait3A_180, %dma_wait3A_181] : memref<208x128xf32, #tpu.memory_space<hbm>> -> memref<16x128xf32, #tpu.memory_space<hbm>>
          tpu.wait_dma2 semaphore(%run_scoped3A_170 : memref<!tpu.dma_semaphore, #tpu.memory_space<semaphore_mem>>) src(%dma_wait3A_182 : memref<16x128xf32, #tpu.memory_space<hbm>>) dst(%dma_wait3A_179 : memref<16x128xf32, #tpu.memory_space<vmem_shared>>)
          tpu.yield
        }) : () -> ()
      } else {
      }
    } else {
    }
    "tpu.region"() ({
      %run_scoped3A_157 = tpu.sem_alloc : memref<!tpu.dma_semaphore, #tpu.memory_space<semaphore_mem>>
      %dma_start3A_158 = arith.constant 0 : i32
      %dma_start3A_159 = arith.constant 0 : i32
      %dma_start3A_160 = tpu.memref_slice %arg3[%add3A, %dma_start3A_158, %dma_start3A_159] : memref<32x125x80xi32, #tpu.memory_space<hbm>> -> memref<1x125x80xi32, #tpu.memory_space<hbm>>
      %dma_start3A_161 = tpu.memref_squeeze %dma_start3A_160 : memref<1x125x80xi32, #tpu.memory_space<hbm>> -> memref<125x80xi32, #tpu.memory_space<hbm>>
      %dma_start3A_162 = arith.constant 0 : i32
      %dma_start3A_163 = arith.constant 0 : i32
      %dma_start3A_164 = tpu.memref_slice %arg3[%add3A, %dma_start3A_162, %dma_start3A_163] : memref<32x125x80xi32, #tpu.memory_space<hbm>> -> memref<1x125x80xi32, #tpu.memory_space<hbm>>
      %dma_start3A_165 = tpu.memref_squeeze %dma_start3A_164 : memref<1x125x80xi32, #tpu.memory_space<hbm>> -> memref<125x80xi32, #tpu.memory_space<hbm>>
      tpu.enqueue_dma source(%dma_start3A_165 : memref<125x80xi32, #tpu.memory_space<hbm>>) target(%arg6 : memref<125x80xi32, #tpu.memory_space<vmem>>) target_semaphore(%run_scoped3A_157 : memref<!tpu.dma_semaphore, #tpu.memory_space<semaphore_mem>>)
      %dma_wait3A_166 = arith.constant 0 : i32
      %dma_wait3A_167 = arith.constant 0 : i32
      %dma_wait3A_168 = tpu.memref_slice %arg3[%add3A, %dma_wait3A_166, %dma_wait3A_167] : memref<32x125x80xi32, #tpu.memory_space<hbm>> -> memref<1x125x80xi32, #tpu.memory_space<hbm>>
      %dma_wait3A_169 = tpu.memref_squeeze %dma_wait3A_168 : memref<1x125x80xi32, #tpu.memory_space<hbm>> -> memref<125x80xi32, #tpu.memory_space<hbm>>
      %dma_wait3A_170 = arith.constant 0 : i32
      %dma_wait3A_171 = arith.constant 0 : i32
      %dma_wait3A_172 = tpu.memref_slice %arg3[%add3A, %dma_wait3A_170, %dma_wait3A_171] : memref<32x125x80xi32, #tpu.memory_space<hbm>> -> memref<1x125x80xi32, #tpu.memory_space<hbm>>
      %dma_wait3A_173 = tpu.memref_squeeze %dma_wait3A_172 : memref<1x125x80xi32, #tpu.memory_space<hbm>> -> memref<125x80xi32, #tpu.memory_space<hbm>>
      tpu.wait_dma2 semaphore(%run_scoped3A_157 : memref<!tpu.dma_semaphore, #tpu.memory_space<semaphore_mem>>) src(%dma_wait3A_173 : memref<125x80xi32, #tpu.memory_space<hbm>>) dst(%arg6 : memref<125x80xi32, #tpu.memory_space<vmem>>)
      tpu.yield
    }) : () -> ()
    %barrier3A = arith.constant 0 : index
    tpu.barrier barrier_id(%barrier3A)
    %get3A = arith.constant 0 : i32
    %get3A_10 = arith.index_cast %get3A : i32 to index
    %get3A_11 = arith.constant 0 : index
    %get3A_12 = tpu.vector_load %arg6[%get3A_10, %get3A_11] {strides = array<i32>} : memref<125x80xi32, #tpu.memory_space<vmem>>, vector<1x16xi32>,
    %get3A_13 = vector.shape_cast %get3A_12 : vector<1x16xi32> to vector<16xi32>
    %and3A = arith.constant 65535 : i32
    %and3A_14 = vector.broadcast %and3A : i32 to vector<16xi32>
    %and3A_15 = arith.andi %get3A_13, %and3A_14 : vector<16xi32>
    %swap3A = arith.constant 0 : i32
    %swap3A_16 = arith.index_cast %swap3A : i32 to index
    %swap3A_17 = arith.constant 0 : index
    %swap3A_18 = tpu.vector_load %arg7[%swap3A_16, %swap3A_17] {strides = array<i32>} : memref<2x80xi32, #tpu.memory_space<vmem>>, vector<1x16xi32>,
    %swap3A_19 = vector.shape_cast %swap3A_18 : vector<1x16xi32> to vector<16xi32>
    %swap3A_20 = vector.shape_cast %and3A_15 : vector<16xi32> to vector<1x16xi32>
    tpu.vector_store %arg7[%swap3A_16, %swap3A_17], %swap3A_20 {strides = array<i32>} : memref<2x80xi32, #tpu.memory_space<vmem>>, vector<1x16xi32>,
    %shift_right_arithmetic3A = arith.constant 16 : i32
    %shift_right_arithmetic3A_21 = vector.broadcast %shift_right_arithmetic3A : i32 to vector<16xi32>
    %shift_right_arithmetic3A_22 = arith.shrsi %get3A_13, %shift_right_arithmetic3A_21 : vector<16xi32>
    %swap3A_23 = arith.constant 0 : i32
    %swap3A_24 = arith.index_cast %swap3A_23 : i32 to index
    %swap3A_25 = arith.constant 0 : index
    %swap3A_26 = tpu.vector_load %arg8[%swap3A_24, %swap3A_25] {strides = array<i32>} : memref<2x80xi32, #tpu.memory_space<vmem>>, vector<1x16xi32>,
    %swap3A_27 = vector.shape_cast %swap3A_26 : vector<1x16xi32> to vector<16xi32>
    %swap3A_28 = vector.shape_cast %shift_right_arithmetic3A_22 : vector<16xi32> to vector<1x16xi32>
    tpu.vector_store %arg8[%swap3A_24, %swap3A_25], %swap3A_28 {strides = array<i32>} : memref<2x80xi32, #tpu.memory_space<vmem>>, vector<1x16xi32>,
    %get3A_29 = arith.constant 0 : i32
    %get3A_30 = arith.index_cast %get3A_29 : i32 to index
    %get3A_31 = arith.constant 16 : index
    %get3A_32 = tpu.vector_load %arg6[%get3A_30, %get3A_31] {strides = array<i32>} : memref<125x80xi32, #tpu.memory_space<vmem>>, vector<1x16xi32>,
    %get3A_33 = vector.shape_cast %get3A_32 : vector<1x16xi32> to vector<16xi32>
    %and3A_34 = arith.constant 65535 : i32
    %and3A_35 = vector.broadcast %and3A_34 : i32 to vector<16xi32>
    %and3A_36 = arith.andi %get3A_33, %and3A_35 : vector<16xi32>
    %swap3A_37 = arith.constant 0 : i32
    %swap3A_38 = arith.index_cast %swap3A_37 : i32 to index
    %swap3A_39 = arith.constant 16 : index
    %swap3A_40 = tpu.vector_load %arg7[%swap3A_38, %swap3A_39] {strides = array<i32>} : memref<2x80xi32, #tpu.memory_space<vmem>>, vector<1x16xi32>,
    %swap3A_41 = vector.shape_cast %swap3A_40 : vector<1x16xi32> to vector<16xi32>
    %swap3A_42 = vector.shape_cast %and3A_36 : vector<16xi32> to vector<1x16xi32>
    tpu.vector_store %arg7[%swap3A_38, %swap3A_39], %swap3A_42 {strides = array<i32>} : memref<2x80xi32, #tpu.memory_space<vmem>>, vector<1x16xi32>,
    %shift_right_arithmetic3A_43 = arith.constant 16 : i32
    %shift_right_arithmetic3A_44 = vector.broadcast %shift_right_arithmetic3A_43 : i32 to vector<16xi32>
    %shift_right_arithmetic3A_45 = arith.shrsi %get3A_33, %shift_right_arithmetic3A_44 : vector<16xi32>
    %swap3A_46 = arith.constant 0 : i32
    %swap3A_47 = arith.index_cast %swap3A_46 : i32 to index
    %swap3A_48 = arith.constant 16 : index
    %swap3A_49 = tpu.vector_load %arg8[%swap3A_47, %swap3A_48] {strides = array<i32>} : memref<2x80xi32, #tpu.memory_space<vmem>>, vector<1x16xi32>,
    %swap3A_50 = vector.shape_cast %swap3A_49 : vector<1x16xi32> to vector<16xi32>
    %swap3A_51 = vector.shape_cast %shift_right_arithmetic3A_45 : vector<16xi32> to vector<1x16xi32>
    tpu.vector_store %arg8[%swap3A_47, %swap3A_48], %swap3A_51 {strides = array<i32>} : memref<2x80xi32, #tpu.memory_space<vmem>>, vector<1x16xi32>,
    %get3A_52 = arith.constant 0 : i32
    %get3A_53 = arith.index_cast %get3A_52 : i32 to index
    %get3A_54 = arith.constant 32 : index
    %get3A_55 = tpu.vector_load %arg6[%get3A_53, %get3A_54] {strides = array<i32>} : memref<125x80xi32, #tpu.memory_space<vmem>>, vector<1x16xi32>,
    %get3A_56 = vector.shape_cast %get3A_55 : vector<1x16xi32> to vector<16xi32>
    %and3A_57 = arith.constant 65535 : i32
    %and3A_58 = vector.broadcast %and3A_57 : i32 to vector<16xi32>
    %and3A_59 = arith.andi %get3A_56, %and3A_58 : vector<16xi32>
    %swap3A_60 = arith.constant 0 : i32
    %swap3A_61 = arith.index_cast %swap3A_60 : i32 to index
    %swap3A_62 = arith.constant 32 : index
    %swap3A_63 = tpu.vector_load %arg7[%swap3A_61, %swap3A_62] {strides = array<i32>} : memref<2x80xi32, #tpu.memory_space<vmem>>, vector<1x16xi32>,
    %swap3A_64 = vector.shape_cast %swap3A_63 : vector<1x16xi32> to vector<16xi32>
    %swap3A_65 = vector.shape_cast %and3A_59 : vector<16xi32> to vector<1x16xi32>
    tpu.vector_store %arg7[%swap3A_61, %swap3A_62], %swap3A_65 {strides = array<i32>} : memref<2x80xi32, #tpu.memory_space<vmem>>, vector<1x16xi32>,
    %shift_right_arithmetic3A_66 = arith.constant 16 : i32
    %shift_right_arithmetic3A_67 = vector.broadcast %shift_right_arithmetic3A_66 : i32 to vector<16xi32>
    %shift_right_arithmetic3A_68 = arith.shrsi %get3A_56, %shift_right_arithmetic3A_67 : vector<16xi32>
    %swap3A_69 = arith.constant 0 : i32
    %swap3A_70 = arith.index_cast %swap3A_69 : i32 to index
    %swap3A_71 = arith.constant 32 : index
    %swap3A_72 = tpu.vector_load %arg8[%swap3A_70, %swap3A_71] {strides = array<i32>} : memref<2x80xi32, #tpu.memory_space<vmem>>, vector<1x16xi32>,
    %swap3A_73 = vector.shape_cast %swap3A_72 : vector<1x16xi32> to vector<16xi32>
    %swap3A_74 = vector.shape_cast %shift_right_arithmetic3A_68 : vector<16xi32> to vector<1x16xi32>
    tpu.vector_store %arg8[%swap3A_70, %swap3A_71], %swap3A_74 {strides = array<i32>} : memref<2x80xi32, #tpu.memory_space<vmem>>, vector<1x16xi32>,
    %get3A_75 = arith.constant 0 : i32
    %get3A_76 = arith.index_cast %get3A_75 : i32 to index
    %get3A_77 = arith.constant 48 : index
    %get3A_78 = tpu.vector_load %arg6[%get3A_76, %get3A_77] {strides = array<i32>} : memref<125x80xi32, #tpu.memory_space<vmem>>, vector<1x16xi32>,
    %get3A_79 = vector.shape_cast %get3A_78 : vector<1x16xi32> to vector<16xi32>
    %and3A_80 = arith.constant 65535 : i32
    %and3A_81 = vector.broadcast %and3A_80 : i32 to vector<16xi32>
    %and3A_82 = arith.andi %get3A_79, %and3A_81 : vector<16xi32>
    %swap3A_83 = arith.constant 0 : i32
    %swap3A_84 = arith.index_cast %swap3A_83 : i32 to index
    %swap3A_85 = arith.constant 48 : index
    %swap3A_86 = tpu.vector_load %arg7[%swap3A_84, %swap3A_85] {strides = array<i32>} : memref<2x80xi32, #tpu.memory_space<vmem>>, vector<1x16xi32>,
    %swap3A_87 = vector.shape_cast %swap3A_86 : vector<1x16xi32> to vector<16xi32>
    %swap3A_88 = vector.shape_cast %and3A_82 : vector<16xi32> to vector<1x16xi32>
    tpu.vector_store %arg7[%swap3A_84, %swap3A_85], %swap3A_88 {strides = array<i32>} : memref<2x80xi32, #tpu.memory_space<vmem>>, vector<1x16xi32>,
    %shift_right_arithmetic3A_89 = arith.constant 16 : i32
    %shift_right_arithmetic3A_90 = vector.broadcast %shift_right_arithmetic3A_89 : i32 to vector<16xi32>
    %shift_right_arithmetic3A_91 = arith.shrsi %get3A_79, %shift_right_arithmetic3A_90 : vector<16xi32>
    %swap3A_92 = arith.constant 0 : i32
    %swap3A_93 = arith.index_cast %swap3A_92 : i32 to index
    %swap3A_94 = arith.constant 48 : index
    %swap3A_95 = tpu.vector_load %arg8[%swap3A_93, %swap3A_94] {strides = array<i32>} : memref<2x80xi32, #tpu.memory_space<vmem>>, vector<1x16xi32>,
    %swap3A_96 = vector.shape_cast %swap3A_95 : vector<1x16xi32> to vector<16xi32>
    %swap3A_97 = vector.shape_cast %shift_right_arithmetic3A_91 : vector<16xi32> to vector<1x16xi32>
    tpu.vector_store %arg8[%swap3A_93, %swap3A_94], %swap3A_97 {strides = array<i32>} : memref<2x80xi32, #tpu.memory_space<vmem>>, vector<1x16xi32>,
    %get3A_98 = arith.constant 0 : i32
    %get3A_99 = arith.index_cast %get3A_98 : i32 to index
    %get3A_100 = arith.constant 64 : index
    %get3A_101 = tpu.vector_load %arg6[%get3A_99, %get3A_100] {strides = array<i32>} : memref<125x80xi32, #tpu.memory_space<vmem>>, vector<1x16xi32>,
    %get3A_102 = vector.shape_cast %get3A_101 : vector<1x16xi32> to vector<16xi32>
    %and3A_103 = arith.constant 65535 : i32
    %and3A_104 = vector.broadcast %and3A_103 : i32 to vector<16xi32>
    %and3A_105 = arith.andi %get3A_102, %and3A_104 : vector<16xi32>
    %swap3A_106 = arith.constant 0 : i32
    %swap3A_107 = arith.index_cast %swap3A_106 : i32 to index
    %swap3A_108 = arith.constant 64 : index
    %swap3A_109 = tpu.vector_load %arg7[%swap3A_107, %swap3A_108] {strides = array<i32>} : memref<2x80xi32, #tpu.memory_space<vmem>>, vector<1x16xi32>,
    %swap3A_110 = vector.shape_cast %swap3A_109 : vector<1x16xi32> to vector<16xi32>
    %swap3A_111 = vector.shape_cast %and3A_105 : vector<16xi32> to vector<1x16xi32>
    tpu.vector_store %arg7[%swap3A_107, %swap3A_108], %swap3A_111 {strides = array<i32>} : memref<2x80xi32, #tpu.memory_space<vmem>>, vector<1x16xi32>,
    %shift_right_arithmetic3A_112 = arith.constant 16 : i32
    %shift_right_arithmetic3A_113 = vector.broadcast %shift_right_arithmetic3A_112 : i32 to vector<16xi32>
    %shift_right_arithmetic3A_114 = arith.shrsi %get3A_102, %shift_right_arithmetic3A_113 : vector<16xi32>
    %swap3A_115 = arith.constant 0 : i32
    %swap3A_116 = arith.index_cast %swap3A_115 : i32 to index
    %swap3A_117 = arith.constant 64 : index
    %swap3A_118 = tpu.vector_load %arg8[%swap3A_116, %swap3A_117] {strides = array<i32>} : memref<2x80xi32, #tpu.memory_space<vmem>>, vector<1x16xi32>,
    %swap3A_119 = vector.shape_cast %swap3A_118 : vector<1x16xi32> to vector<16xi32>
    %swap3A_120 = vector.shape_cast %shift_right_arithmetic3A_114 : vector<16xi32> to vector<1x16xi32>
    tpu.vector_store %arg8[%swap3A_116, %swap3A_117], %swap3A_120 {strides = array<i32>} : memref<2x80xi32, #tpu.memory_space<vmem>>, vector<1x16xi32>,
    %dma_start3A = arith.constant 0 : i32
    %dma_start3A_121 = arith.constant 0 : i32
    %dma_start3A_122 = arith.constant 0 : i32
    %dma_start3A_123 = arith.constant 0 : i32
    %dma_start3A_124 = tpu.memref_slice %arg9[%dma_start3A_121, %dma_start3A_122, %dma_start3A_123] : memref<2x80x128xf32, #tpu.memory_space<vmem>> -> memref<1x80x128xf32, #tpu.memory_space<vmem>>
    %dma_start3A_125 = tpu.memref_squeeze %dma_start3A_124 : memref<1x80x128xf32, #tpu.memory_space<vmem>> -> memref<80x128xf32, #tpu.memory_space<vmem>>
    %dma_start3A_126 = arith.constant 0 : i32
    %dma_start3A_127 = tpu.memref_slice %arg7[%dma_start3A, %dma_start3A_126] : memref<2x80xi32, #tpu.memory_space<vmem>> -> memref<1x80xi32, #tpu.memory_space<vmem>>
    %dma_start3A_128 = tpu.memref_squeeze %dma_start3A_127 : memref<1x80xi32, #tpu.memory_space<vmem>> -> memref<80xi32, #tpu.memory_space<vmem>>
    %dma_start3A_129 = arith.constant 0 : i32
    %dma_start3A_130 = arith.constant 0 : i32
    %dma_start3A_131 = tpu.memref_slice %arg2[%dma_start3A_129, %dma_start3A_130] : memref<10000x128xf32, #tpu.memory_space<hbm>> -> memref<10000x128xf32, #tpu.memory_space<hbm>>
    tpu.enqueue_indirect_dma source(%dma_start3A_131 : memref<10000x128xf32, #tpu.memory_space<hbm>>) target(%dma_start3A_125 : memref<80x128xf32, #tpu.memory_space<vmem>>) offsets(%dma_start3A_128 : memref<80xi32, #tpu.memory_space<vmem>>) semaphore(%arg11 : memref<!tpu.dma_semaphore, #tpu.memory_space<semaphore_mem>>)
    %scan3A = arith.constant 0 : i32
    %scan3A_132 = arith.constant 0 : i32
    %scan3A_133 = arith.constant 62 : i32
    %scan3A_134 = arith.addi %scan3A_132, %scan3A_133 : i32
    %scan3A_135 = arith.constant 1 : i32
    scf.for %scan3A_157 = %scan3A_132 to %scan3A_134 step %scan3A_135  : i32 {
      %mul3A_158 = arith.constant 2 : i32
      %mul3A_159 = arith.muli %mul3A_158, %scan3A_157 : i32
      %add3A_160 = arith.constant 1 : i32
      %add3A_161 = arith.addi %mul3A_159, %add3A_160 : i32
      %get3A_162 = arith.index_cast %add3A_161 : i32 to index
      %get3A_163 = arith.constant 0 : index
      %get3A_164 = tpu.vector_load %arg6[%get3A_162, %get3A_163] {strides = array<i32>} : memref<125x80xi32, #tpu.memory_space<vmem>>, vector<1x16xi32>,
      %get3A_165 = vector.shape_cast %get3A_164 : vector<1x16xi32> to vector<16xi32>
      %and3A_166 = arith.constant 65535 : i32
      %and3A_167 = vector.broadcast %and3A_166 : i32 to vector<16xi32>
      %and3A_168 = arith.andi %get3A_165, %and3A_167 : vector<16xi32>
      %swap3A_169 = arith.constant 1 : i32
      %swap3A_170 = arith.index_cast %swap3A_169 : i32 to index
      %swap3A_171 = arith.constant 0 : index
      %swap3A_172 = tpu.vector_load %arg7[%swap3A_170, %swap3A_171] {strides = array<i32>} : memref<2x80xi32, #tpu.memory_space<vmem>>, vector<1x16xi32>,
      %swap3A_173 = vector.shape_cast %swap3A_172 : vector<1x16xi32> to vector<16xi32>
      %swap3A_174 = vector.shape_cast %and3A_168 : vector<16xi32> to vector<1x16xi32>
      tpu.vector_store %arg7[%swap3A_170, %swap3A_171], %swap3A_174 {strides = array<i32>} : memref<2x80xi32, #tpu.memory_space<vmem>>, vector<1x16xi32>,
      %shift_right_arithmetic3A_175 = arith.constant 16 : i32
      %shift_right_arithmetic3A_176 = vector.broadcast %shift_right_arithmetic3A_175 : i32 to vector<16xi32>
      %shift_right_arithmetic3A_177 = arith.shrsi %get3A_165, %shift_right_arithmetic3A_176 : vector<16xi32>
      %swap3A_178 = arith.constant 1 : i32
      %swap3A_179 = arith.index_cast %swap3A_178 : i32 to index
      %swap3A_180 = arith.constant 0 : index
      %swap3A_181 = tpu.vector_load %arg8[%swap3A_179, %swap3A_180] {strides = array<i32>} : memref<2x80xi32, #tpu.memory_space<vmem>>, vector<1x16xi32>,
      %swap3A_182 = vector.shape_cast %swap3A_181 : vector<1x16xi32> to vector<16xi32>
      %swap3A_183 = vector.shape_cast %shift_right_arithmetic3A_177 : vector<16xi32> to vector<1x16xi32>
      tpu.vector_store %arg8[%swap3A_179, %swap3A_180], %swap3A_183 {strides = array<i32>} : memref<2x80xi32, #tpu.memory_space<vmem>>, vector<1x16xi32>,
      %get3A_184 = arith.index_cast %add3A_161 : i32 to index
      %get3A_185 = arith.constant 16 : index
      %get3A_186 = tpu.vector_load %arg6[%get3A_184, %get3A_185] {strides = array<i32>} : memref<125x80xi32, #tpu.memory_space<vmem>>, vector<1x16xi32>,
      %get3A_187 = vector.shape_cast %get3A_186 : vector<1x16xi32> to vector<16xi32>
      %and3A_188 = arith.constant 65535 : i32
      %and3A_189 = vector.broadcast %and3A_188 : i32 to vector<16xi32>
      %and3A_190 = arith.andi %get3A_187, %and3A_189 : vector<16xi32>
      %swap3A_191 = arith.constant 1 : i32
      %swap3A_192 = arith.index_cast %swap3A_191 : i32 to index
      %swap3A_193 = arith.constant 16 : index
      %swap3A_194 = tpu.vector_load %arg7[%swap3A_192, %swap3A_193] {strides = array<i32>} : memref<2x80xi32, #tpu.memory_space<vmem>>, vector<1x16xi32>,
      %swap3A_195 = vector.shape_cast %swap3A_194 : vector<1x16xi32> to vector<16xi32>
      %swap3A_196 = vector.shape_cast %and3A_190 : vector<16xi32> to vector<1x16xi32>
      tpu.vector_store %arg7[%swap3A_192, %swap3A_193], %swap3A_196 {strides = array<i32>} : memref<2x80xi32, #tpu.memory_space<vmem>>, vector<1x16xi32>,
      %shift_right_arithmetic3A_197 = arith.constant 16 : i32
      %shift_right_arithmetic3A_198 = vector.broadcast %shift_right_arithmetic3A_197 : i32 to vector<16xi32>
      %shift_right_arithmetic3A_199 = arith.shrsi %get3A_187, %shift_right_arithmetic3A_198 : vector<16xi32>
      %swap3A_200 = arith.constant 1 : i32
      %swap3A_201 = arith.index_cast %swap3A_200 : i32 to index
      %swap3A_202 = arith.constant 16 : index
      %swap3A_203 = tpu.vector_load %arg8[%swap3A_201, %swap3A_202] {strides = array<i32>} : memref<2x80xi32, #tpu.memory_space<vmem>>, vector<1x16xi32>,
      %swap3A_204 = vector.shape_cast %swap3A_203 : vector<1x16xi32> to vector<16xi32>
      %swap3A_205 = vector.shape_cast %shift_right_arithmetic3A_199 : vector<16xi32> to vector<1x16xi32>
      tpu.vector_store %arg8[%swap3A_201, %swap3A_202], %swap3A_205 {strides = array<i32>} : memref<2x80xi32, #tpu.memory_space<vmem>>, vector<1x16xi32>,
      %get3A_206 = arith.index_cast %add3A_161 : i32 to index
      %get3A_207 = arith.constant 32 : index
      %get3A_208 = tpu.vector_load %arg6[%get3A_206, %get3A_207] {strides = array<i32>} : memref<125x80xi32, #tpu.memory_space<vmem>>, vector<1x16xi32>,
      %get3A_209 = vector.shape_cast %get3A_208 : vector<1x16xi32> to vector<16xi32>
      %and3A_210 = arith.constant 65535 : i32
      %and3A_211 = vector.broadcast %and3A_210 : i32 to vector<16xi32>
      %and3A_212 = arith.andi %get3A_209, %and3A_211 : vector<16xi32>
      %swap3A_213 = arith.constant 1 : i32
      %swap3A_214 = arith.index_cast %swap3A_213 : i32 to index
      %swap3A_215 = arith.constant 32 : index
      %swap3A_216 = tpu.vector_load %arg7[%swap3A_214, %swap3A_215] {strides = array<i32>} : memref<2x80xi32, #tpu.memory_space<vmem>>, vector<1x16xi32>,
      %swap3A_217 = vector.shape_cast %swap3A_216 : vector<1x16xi32> to vector<16xi32>
      %swap3A_218 = vector.shape_cast %and3A_212 : vector<16xi32> to vector<1x16xi32>
      tpu.vector_store %arg7[%swap3A_214, %swap3A_215], %swap3A_218 {strides = array<i32>} : memref<2x80xi32, #tpu.memory_space<vmem>>, vector<1x16xi32>,
      %shift_right_arithmetic3A_219 = arith.constant 16 : i32
      %shift_right_arithmetic3A_220 = vector.broadcast %shift_right_arithmetic3A_219 : i32 to vector<16xi32>
      %shift_right_arithmetic3A_221 = arith.shrsi %get3A_209, %shift_right_arithmetic3A_220 : vector<16xi32>
      %swap3A_222 = arith.constant 1 : i32
      %swap3A_223 = arith.index_cast %swap3A_222 : i32 to index
      %swap3A_224 = arith.constant 32 : index
      %swap3A_225 = tpu.vector_load %arg8[%swap3A_223, %swap3A_224] {strides = array<i32>} : memref<2x80xi32, #tpu.memory_space<vmem>>, vector<1x16xi32>,
      %swap3A_226 = vector.shape_cast %swap3A_225 : vector<1x16xi32> to vector<16xi32>
      %swap3A_227 = vector.shape_cast %shift_right_arithmetic3A_221 : vector<16xi32> to vector<1x16xi32>
      tpu.vector_store %arg8[%swap3A_223, %swap3A_224], %swap3A_227 {strides = array<i32>} : memref<2x80xi32, #tpu.memory_space<vmem>>, vector<1x16xi32>,
      %get3A_228 = arith.index_cast %add3A_161 : i32 to index
      %get3A_229 = arith.constant 48 : index
      %get3A_230 = tpu.vector_load %arg6[%get3A_228, %get3A_229] {strides = array<i32>} : memref<125x80xi32, #tpu.memory_space<vmem>>, vector<1x16xi32>,
      %get3A_231 = vector.shape_cast %get3A_230 : vector<1x16xi32> to vector<16xi32>
      %and3A_232 = arith.constant 65535 : i32
      %and3A_233 = vector.broadcast %and3A_232 : i32 to vector<16xi32>
      %and3A_234 = arith.andi %get3A_231, %and3A_233 : vector<16xi32>
      %swap3A_235 = arith.constant 1 : i32
      %swap3A_236 = arith.index_cast %swap3A_235 : i32 to index
      %swap3A_237 = arith.constant 48 : index
      %swap3A_238 = tpu.vector_load %arg7[%swap3A_236, %swap3A_237] {strides = array<i32>} : memref<2x80xi32, #tpu.memory_space<vmem>>, vector<1x16xi32>,
      %swap3A_239 = vector.shape_cast %swap3A_238 : vector<1x16xi32> to vector<16xi32>
      %swap3A_240 = vector.shape_cast %and3A_234 : vector<16xi32> to vector<1x16xi32>
      tpu.vector_store %arg7[%swap3A_236, %swap3A_237], %swap3A_240 {strides = array<i32>} : memref<2x80xi32, #tpu.memory_space<vmem>>, vector<1x16xi32>,
      %shift_right_arithmetic3A_241 = arith.constant 16 : i32
      %shift_right_arithmetic3A_242 = vector.broadcast %shift_right_arithmetic3A_241 : i32 to vector<16xi32>
      %shift_right_arithmetic3A_243 = arith.shrsi %get3A_231, %shift_right_arithmetic3A_242 : vector<16xi32>
      %swap3A_244 = arith.constant 1 : i32
      %swap3A_245 = arith.index_cast %swap3A_244 : i32 to index
      %swap3A_246 = arith.constant 48 : index
      %swap3A_247 = tpu.vector_load %arg8[%swap3A_245, %swap3A_246] {strides = array<i32>} : memref<2x80xi32, #tpu.memory_space<vmem>>, vector<1x16xi32>,
      %swap3A_248 = vector.shape_cast %swap3A_247 : vector<1x16xi32> to vector<16xi32>
      %swap3A_249 = vector.shape_cast %shift_right_arithmetic3A_243 : vector<16xi32> to vector<1x16xi32>
      tpu.vector_store %arg8[%swap3A_245, %swap3A_246], %swap3A_249 {strides = array<i32>} : memref<2x80xi32, #tpu.memory_space<vmem>>, vector<1x16xi32>,
      %get3A_250 = arith.index_cast %add3A_161 : i32 to index
      %get3A_251 = arith.constant 64 : index
      %get3A_252 = tpu.vector_load %arg6[%get3A_250, %get3A_251] {strides = array<i32>} : memref<125x80xi32, #tpu.memory_space<vmem>>, vector<1x16xi32>,
      %get3A_253 = vector.shape_cast %get3A_252 : vector<1x16xi32> to vector<16xi32>
      %and3A_254 = arith.constant 65535 : i32
      %and3A_255 = vector.broadcast %and3A_254 : i32 to vector<16xi32>
      %and3A_256 = arith.andi %get3A_253, %and3A_255 : vector<16xi32>
      %swap3A_257 = arith.constant 1 : i32
      %swap3A_258 = arith.index_cast %swap3A_257 : i32 to index
      %swap3A_259 = arith.constant 64 : index
      %swap3A_260 = tpu.vector_load %arg7[%swap3A_258, %swap3A_259] {strides = array<i32>} : memref<2x80xi32, #tpu.memory_space<vmem>>, vector<1x16xi32>,
      %swap3A_261 = vector.shape_cast %swap3A_260 : vector<1x16xi32> to vector<16xi32>
      %swap3A_262 = vector.shape_cast %and3A_256 : vector<16xi32> to vector<1x16xi32>
      tpu.vector_store %arg7[%swap3A_258, %swap3A_259], %swap3A_262 {strides = array<i32>} : memref<2x80xi32, #tpu.memory_space<vmem>>, vector<1x16xi32>,
      %shift_right_arithmetic3A_263 = arith.constant 16 : i32
      %shift_right_arithmetic3A_264 = vector.broadcast %shift_right_arithmetic3A_263 : i32 to vector<16xi32>
      %shift_right_arithmetic3A_265 = arith.shrsi %get3A_253, %shift_right_arithmetic3A_264 : vector<16xi32>
      %swap3A_266 = arith.constant 1 : i32
      %swap3A_267 = arith.index_cast %swap3A_266 : i32 to index
      %swap3A_268 = arith.constant 64 : index
      %swap3A_269 = tpu.vector_load %arg8[%swap3A_267, %swap3A_268] {strides = array<i32>} : memref<2x80xi32, #tpu.memory_space<vmem>>, vector<1x16xi32>,
      %swap3A_270 = vector.shape_cast %swap3A_269 : vector<1x16xi32> to vector<16xi32>
      %swap3A_271 = vector.shape_cast %shift_right_arithmetic3A_265 : vector<16xi32> to vector<1x16xi32>
      tpu.vector_store %arg8[%swap3A_267, %swap3A_268], %swap3A_271 {strides = array<i32>} : memref<2x80xi32, #tpu.memory_space<vmem>>, vector<1x16xi32>,
      %dma_wait3A_272 = arith.constant 0 : i32
      %dma_wait3A_273 = arith.constant 0 : i32
      %dma_wait3A_274 = arith.constant 0 : i32
      %dma_wait3A_275 = arith.constant 0 : i32
      %dma_wait3A_276 = tpu.memref_slice %arg9[%dma_wait3A_273, %dma_wait3A_274, %dma_wait3A_275] : memref<2x80x128xf32, #tpu.memory_space<vmem>> -> memref<1x80x128xf32, #tpu.memory_space<vmem>>
      %dma_wait3A_277 = tpu.memref_squeeze %dma_wait3A_276 : memref<1x80x128xf32, #tpu.memory_space<vmem>> -> memref<80x128xf32, #tpu.memory_space<vmem>>
      %dma_wait3A_278 = arith.constant 0 : i32
      %dma_wait3A_279 = tpu.memref_slice %arg7[%dma_wait3A_272, %dma_wait3A_278] : memref<2x80xi32, #tpu.memory_space<vmem>> -> memref<1x80xi32, #tpu.memory_space<vmem>>
      %dma_wait3A_280 = tpu.memref_squeeze %dma_wait3A_279 : memref<1x80xi32, #tpu.memory_space<vmem>> -> memref<80xi32, #tpu.memory_space<vmem>>
      %dma_wait3A_281 = arith.constant 0 : i32
      %dma_wait3A_282 = arith.constant 0 : i32
      %dma_wait3A_283 = tpu.memref_slice %arg2[%dma_wait3A_281, %dma_wait3A_282] : memref<10000x128xf32, #tpu.memory_space<hbm>> -> memref<10000x128xf32, #tpu.memory_space<hbm>>
      tpu.wait_indirect_dma semaphore(%arg11 : memref<!tpu.dma_semaphore, #tpu.memory_space<semaphore_mem>>) src(%dma_wait3A_283 : memref<10000x128xf32, #tpu.memory_space<hbm>>) dst(%dma_wait3A_277 : memref<80x128xf32, #tpu.memory_space<vmem>>)
      %dma_start3A_284 = arith.constant 1 : i32
      %dma_start3A_285 = arith.constant 1 : i32
      %dma_start3A_286 = arith.constant 0 : i32
      %dma_start3A_287 = arith.constant 0 : i32
      %dma_start3A_288 = tpu.memref_slice %arg9[%dma_start3A_285, %dma_start3A_286, %dma_start3A_287] : memref<2x80x128xf32, #tpu.memory_space<vmem>> -> memref<1x80x128xf32, #tpu.memory_space<vmem>>
      %dma_start3A_289 = tpu.memref_squeeze %dma_start3A_288 : memref<1x80x128xf32, #tpu.memory_space<vmem>> -> memref<80x128xf32, #tpu.memory_space<vmem>>
      %dma_start3A_290 = arith.constant 0 : i32
      %dma_start3A_291 = tpu.memref_slice %arg7[%dma_start3A_284, %dma_start3A_290] : memref<2x80xi32, #tpu.memory_space<vmem>> -> memref<1x80xi32, #tpu.memory_space<vmem>>
      %dma_start3A_292 = tpu.memref_squeeze %dma_start3A_291 : memref<1x80xi32, #tpu.memory_space<vmem>> -> memref<80xi32, #tpu.memory_space<vmem>>
      %dma_start3A_293 = arith.constant 0 : i32
      %dma_start3A_294 = arith.constant 0 : i32
      %dma_start3A_295 = tpu.memref_slice %arg2[%dma_start3A_293, %dma_start3A_294] : memref<10000x128xf32, #tpu.memory_space<hbm>> -> memref<10000x128xf32, #tpu.memory_space<hbm>>
      tpu.enqueue_indirect_dma source(%dma_start3A_295 : memref<10000x128xf32, #tpu.memory_space<hbm>>) target(%dma_start3A_289 : memref<80x128xf32, #tpu.memory_space<vmem>>) offsets(%dma_start3A_292 : memref<80xi32, #tpu.memory_space<vmem>>) semaphore(%arg11 : memref<!tpu.dma_semaphore, #tpu.memory_space<semaphore_mem>>)
      %run_scoped3A_296 = arith.constant 0 : i32
      %run_scoped3A_297 = arith.constant 0 : i32
      "tpu.region"() ({
        %run_scoped3A_318 = tpu.sem_alloc : memref<!tpu.dma_semaphore, #tpu.memory_space<semaphore_mem>>
        %dma_start3A_319 = arith.constant 0 : i32
        %dma_start3A_320 = arith.constant 0 : i32
        %dma_start3A_321 = tpu.memref_slice %arg9[%run_scoped3A_296, %dma_start3A_319, %dma_start3A_320] : memref<2x80x128xf32, #tpu.memory_space<vmem>> -> memref<1x80x128xf32, #tpu.memory_space<vmem>>
        %dma_start3A_322 = tpu.memref_squeeze %dma_start3A_321 : memref<1x80x128xf32, #tpu.memory_space<vmem>> -> memref<80x128xf32, #tpu.memory_space<vmem>>
        %dma_start3A_323 = arith.constant 0 : i32
        %dma_start3A_324 = tpu.memref_slice %arg8[%run_scoped3A_297, %dma_start3A_323] : memref<2x80xi32, #tpu.memory_space<vmem>> -> memref<1x80xi32, #tpu.memory_space<vmem>>
        %dma_start3A_325 = tpu.memref_squeeze %dma_start3A_324 : memref<1x80xi32, #tpu.memory_space<vmem>> -> memref<80xi32, #tpu.memory_space<vmem>>
        %dma_start3A_326 = arith.constant 0 : i32
        %dma_start3A_327 = arith.constant 0 : i32
        %dma_start3A_328 = tpu.memref_slice %arg10[%dma_start3A_326, %dma_start3A_327] : memref<10000x128xf32, #tpu.memory_space<vmem_shared>> -> memref<10000x128xf32, #tpu.memory_space<vmem_shared>>
        tpu.enqueue_indirect_dma source(%dma_start3A_322 : memref<80x128xf32, #tpu.memory_space<vmem>>) target(%dma_start3A_328 : memref<10000x128xf32, #tpu.memory_space<vmem_shared>>) offsets(%dma_start3A_325 : memref<80xi32, #tpu.memory_space<vmem>>) semaphore(%run_scoped3A_318 : memref<!tpu.dma_semaphore, #tpu.memory_space<semaphore_mem>>) {add = true}
        %dma_wait3A_329 = arith.constant 0 : i32
        %dma_wait3A_330 = arith.constant 0 : i32
        %dma_wait3A_331 = tpu.memref_slice %arg9[%run_scoped3A_296, %dma_wait3A_329, %dma_wait3A_330] : memref<2x80x128xf32, #tpu.memory_space<vmem>> -> memref<1x80x128xf32, #tpu.memory_space<vmem>>
        %dma_wait3A_332 = tpu.memref_squeeze %dma_wait3A_331 : memref<1x80x128xf32, #tpu.memory_space<vmem>> -> memref<80x128xf32, #tpu.memory_space<vmem>>
        %dma_wait3A_333 = arith.constant 0 : i32
        %dma_wait3A_334 = tpu.memref_slice %arg8[%run_scoped3A_297, %dma_wait3A_333] : memref<2x80xi32, #tpu.memory_space<vmem>> -> memref<1x80xi32, #tpu.memory_space<vmem>>
        %dma_wait3A_335 = tpu.memref_squeeze %dma_wait3A_334 : memref<1x80xi32, #tpu.memory_space<vmem>> -> memref<80xi32, #tpu.memory_space<vmem>>
        %dma_wait3A_336 = arith.constant 0 : i32
        %dma_wait3A_337 = arith.constant 0 : i32
        %dma_wait3A_338 = tpu.memref_slice %arg10[%dma_wait3A_336, %dma_wait3A_337] : memref<10000x128xf32, #tpu.memory_space<vmem_shared>> -> memref<10000x128xf32, #tpu.memory_space<vmem_shared>>
        tpu.wait_indirect_dma semaphore(%run_scoped3A_318 : memref<!tpu.dma_semaphore, #tpu.memory_space<semaphore_mem>>) src(%dma_wait3A_332 : memref<80x128xf32, #tpu.memory_space<vmem>>) dst(%dma_wait3A_338 : memref<10000x128xf32, #tpu.memory_space<vmem_shared>>)
        tpu.yield
      }) : () -> ()
      %dma_wait3A_298 = arith.constant 1 : i32
      %dma_wait3A_299 = arith.constant 1 : i32
      %dma_wait3A_300 = arith.constant 0 : i32
      %dma_wait3A_301 = arith.constant 0 : i32
      %dma_wait3A_302 = tpu.memref_slice %arg9[%dma_wait3A_299, %dma_wait3A_300, %dma_wait3A_301] : memref<2x80x128xf32, #tpu.memory_space<vmem>> -> memref<1x80x128xf32, #tpu.memory_space<vmem>>
      %dma_wait3A_303 = tpu.memref_squeeze %dma_wait3A_302 : memref<1x80x128xf32, #tpu.memory_space<vmem>> -> memref<80x128xf32, #tpu.memory_space<vmem>>
      %dma_wait3A_304 = arith.constant 0 : i32
      %dma_wait3A_305 = tpu.memref_slice %arg7[%dma_wait3A_298, %dma_wait3A_304] : memref<2x80xi32, #tpu.memory_space<vmem>> -> memref<1x80xi32, #tpu.memory_space<vmem>>
      %dma_wait3A_306 = tpu.memref_squeeze %dma_wait3A_305 : memref<1x80xi32, #tpu.memory_space<vmem>> -> memref<80xi32, #tpu.memory_space<vmem>>
      %dma_wait3A_307 = arith.constant 0 : i32
      %dma_wait3A_308 = arith.constant 0 : i32
      %dma_wait3A_309 = tpu.memref_slice %arg2[%dma_wait3A_307, %dma_wait3A_308] : memref<10000x128xf32, #tpu.memory_space<hbm>> -> memref<10000x128xf32, #tpu.memory_space<hbm>>
      tpu.wait_indirect_dma semaphore(%arg11 : memref<!tpu.dma_semaphore, #tpu.memory_space<semaphore_mem>>) src(%dma_wait3A_309 : memref<10000x128xf32, #tpu.memory_space<hbm>>) dst(%dma_wait3A_303 : memref<80x128xf32, #tpu.memory_space<vmem>>)
      %add3A_310 = arith.constant 2 : i32
      %add3A_311 = arith.addi %mul3A_159, %add3A_310 : i32
      %lt3A = arith.constant 125 : i32
      %lt3A_312 = arith.cmpi slt, %add3A_311, %lt3A : i32
      %convert_element_type3A_313 = arith.extui %lt3A_312 : i1 to i32
      %cond3A_314 = arith.constant 0 : i32
      %cond3A_315 = arith.cmpi ne, %convert_element_type3A_313, %cond3A_314 : i32
      scf.if %cond3A_315 {
        %add3A_318 = arith.constant 2 : i32
        %add3A_319 = arith.addi %mul3A_159, %add3A_318 : i32
        %get3A_320 = arith.index_cast %add3A_319 : i32 to index
        %get3A_321 = arith.constant 0 : index
        %get3A_322 = tpu.vector_load %arg6[%get3A_320, %get3A_321] {strides = array<i32>} : memref<125x80xi32, #tpu.memory_space<vmem>>, vector<1x16xi32>,
        %get3A_323 = vector.shape_cast %get3A_322 : vector<1x16xi32> to vector<16xi32>
        %and3A_324 = arith.constant 65535 : i32
        %and3A_325 = vector.broadcast %and3A_324 : i32 to vector<16xi32>
        %and3A_326 = arith.andi %get3A_323, %and3A_325 : vector<16xi32>
        %swap3A_327 = arith.constant 0 : i32
        %swap3A_328 = arith.index_cast %swap3A_327 : i32 to index
        %swap3A_329 = arith.constant 0 : index
        %swap3A_330 = tpu.vector_load %arg7[%swap3A_328, %swap3A_329] {strides = array<i32>} : memref<2x80xi32, #tpu.memory_space<vmem>>, vector<1x16xi32>,
        %swap3A_331 = vector.shape_cast %swap3A_330 : vector<1x16xi32> to vector<16xi32>
        %swap3A_332 = vector.shape_cast %and3A_326 : vector<16xi32> to vector<1x16xi32>
        tpu.vector_store %arg7[%swap3A_328, %swap3A_329], %swap3A_332 {strides = array<i32>} : memref<2x80xi32, #tpu.memory_space<vmem>>, vector<1x16xi32>,
        %shift_right_arithmetic3A_333 = arith.constant 16 : i32
        %shift_right_arithmetic3A_334 = vector.broadcast %shift_right_arithmetic3A_333 : i32 to vector<16xi32>
        %shift_right_arithmetic3A_335 = arith.shrsi %get3A_323, %shift_right_arithmetic3A_334 : vector<16xi32>
        %swap3A_336 = arith.constant 0 : i32
        %swap3A_337 = arith.index_cast %swap3A_336 : i32 to index
        %swap3A_338 = arith.constant 0 : index
        %swap3A_339 = tpu.vector_load %arg8[%swap3A_337, %swap3A_338] {strides = array<i32>} : memref<2x80xi32, #tpu.memory_space<vmem>>, vector<1x16xi32>,
        %swap3A_340 = vector.shape_cast %swap3A_339 : vector<1x16xi32> to vector<16xi32>
        %swap3A_341 = vector.shape_cast %shift_right_arithmetic3A_335 : vector<16xi32> to vector<1x16xi32>
        tpu.vector_store %arg8[%swap3A_337, %swap3A_338], %swap3A_341 {strides = array<i32>} : memref<2x80xi32, #tpu.memory_space<vmem>>, vector<1x16xi32>,
        %get3A_342 = arith.index_cast %add3A_319 : i32 to index
        %get3A_343 = arith.constant 16 : index
        %get3A_344 = tpu.vector_load %arg6[%get3A_342, %get3A_343] {strides = array<i32>} : memref<125x80xi32, #tpu.memory_space<vmem>>, vector<1x16xi32>,
        %get3A_345 = vector.shape_cast %get3A_344 : vector<1x16xi32> to vector<16xi32>
        %and3A_346 = arith.constant 65535 : i32
        %and3A_347 = vector.broadcast %and3A_346 : i32 to vector<16xi32>
        %and3A_348 = arith.andi %get3A_345, %and3A_347 : vector<16xi32>
        %swap3A_349 = arith.constant 0 : i32
        %swap3A_350 = arith.index_cast %swap3A_349 : i32 to index
        %swap3A_351 = arith.constant 16 : index
        %swap3A_352 = tpu.vector_load %arg7[%swap3A_350, %swap3A_351] {strides = array<i32>} : memref<2x80xi32, #tpu.memory_space<vmem>>, vector<1x16xi32>,
        %swap3A_353 = vector.shape_cast %swap3A_352 : vector<1x16xi32> to vector<16xi32>
        %swap3A_354 = vector.shape_cast %and3A_348 : vector<16xi32> to vector<1x16xi32>
        tpu.vector_store %arg7[%swap3A_350, %swap3A_351], %swap3A_354 {strides = array<i32>} : memref<2x80xi32, #tpu.memory_space<vmem>>, vector<1x16xi32>,
        %shift_right_arithmetic3A_355 = arith.constant 16 : i32
        %shift_right_arithmetic3A_356 = vector.broadcast %shift_right_arithmetic3A_355 : i32 to vector<16xi32>
        %shift_right_arithmetic3A_357 = arith.shrsi %get3A_345, %shift_right_arithmetic3A_356 : vector<16xi32>
        %swap3A_358 = arith.constant 0 : i32
        %swap3A_359 = arith.index_cast %swap3A_358 : i32 to index
        %swap3A_360 = arith.constant 16 : index
        %swap3A_361 = tpu.vector_load %arg8[%swap3A_359, %swap3A_360] {strides = array<i32>} : memref<2x80xi32, #tpu.memory_space<vmem>>, vector<1x16xi32>,
        %swap3A_362 = vector.shape_cast %swap3A_361 : vector<1x16xi32> to vector<16xi32>
        %swap3A_363 = vector.shape_cast %shift_right_arithmetic3A_357 : vector<16xi32> to vector<1x16xi32>
        tpu.vector_store %arg8[%swap3A_359, %swap3A_360], %swap3A_363 {strides = array<i32>} : memref<2x80xi32, #tpu.memory_space<vmem>>, vector<1x16xi32>,
        %get3A_364 = arith.index_cast %add3A_319 : i32 to index
        %get3A_365 = arith.constant 32 : index
        %get3A_366 = tpu.vector_load %arg6[%get3A_364, %get3A_365] {strides = array<i32>} : memref<125x80xi32, #tpu.memory_space<vmem>>, vector<1x16xi32>,
        %get3A_367 = vector.shape_cast %get3A_366 : vector<1x16xi32> to vector<16xi32>
        %and3A_368 = arith.constant 65535 : i32
        %and3A_369 = vector.broadcast %and3A_368 : i32 to vector<16xi32>
        %and3A_370 = arith.andi %get3A_367, %and3A_369 : vector<16xi32>
        %swap3A_371 = arith.constant 0 : i32
        %swap3A_372 = arith.index_cast %swap3A_371 : i32 to index
        %swap3A_373 = arith.constant 32 : index
        %swap3A_374 = tpu.vector_load %arg7[%swap3A_372, %swap3A_373] {strides = array<i32>} : memref<2x80xi32, #tpu.memory_space<vmem>>, vector<1x16xi32>,
        %swap3A_375 = vector.shape_cast %swap3A_374 : vector<1x16xi32> to vector<16xi32>
        %swap3A_376 = vector.shape_cast %and3A_370 : vector<16xi32> to vector<1x16xi32>
        tpu.vector_store %arg7[%swap3A_372, %swap3A_373], %swap3A_376 {strides = array<i32>} : memref<2x80xi32, #tpu.memory_space<vmem>>, vector<1x16xi32>,
        %shift_right_arithmetic3A_377 = arith.constant 16 : i32
        %shift_right_arithmetic3A_378 = vector.broadcast %shift_right_arithmetic3A_377 : i32 to vector<16xi32>
        %shift_right_arithmetic3A_379 = arith.shrsi %get3A_367, %shift_right_arithmetic3A_378 : vector<16xi32>
        %swap3A_380 = arith.constant 0 : i32
        %swap3A_381 = arith.index_cast %swap3A_380 : i32 to index
        %swap3A_382 = arith.constant 32 : index
        %swap3A_383 = tpu.vector_load %arg8[%swap3A_381, %swap3A_382] {strides = array<i32>} : memref<2x80xi32, #tpu.memory_space<vmem>>, vector<1x16xi32>,
        %swap3A_384 = vector.shape_cast %swap3A_383 : vector<1x16xi32> to vector<16xi32>
        %swap3A_385 = vector.shape_cast %shift_right_arithmetic3A_379 : vector<16xi32> to vector<1x16xi32>
        tpu.vector_store %arg8[%swap3A_381, %swap3A_382], %swap3A_385 {strides = array<i32>} : memref<2x80xi32, #tpu.memory_space<vmem>>, vector<1x16xi32>,
        %get3A_386 = arith.index_cast %add3A_319 : i32 to index
        %get3A_387 = arith.constant 48 : index
        %get3A_388 = tpu.vector_load %arg6[%get3A_386, %get3A_387] {strides = array<i32>} : memref<125x80xi32, #tpu.memory_space<vmem>>, vector<1x16xi32>,
        %get3A_389 = vector.shape_cast %get3A_388 : vector<1x16xi32> to vector<16xi32>
        %and3A_390 = arith.constant 65535 : i32
        %and3A_391 = vector.broadcast %and3A_390 : i32 to vector<16xi32>
        %and3A_392 = arith.andi %get3A_389, %and3A_391 : vector<16xi32>
        %swap3A_393 = arith.constant 0 : i32
        %swap3A_394 = arith.index_cast %swap3A_393 : i32 to index
        %swap3A_395 = arith.constant 48 : index
        %swap3A_396 = tpu.vector_load %arg7[%swap3A_394, %swap3A_395] {strides = array<i32>} : memref<2x80xi32, #tpu.memory_space<vmem>>, vector<1x16xi32>,
        %swap3A_397 = vector.shape_cast %swap3A_396 : vector<1x16xi32> to vector<16xi32>
        %swap3A_398 = vector.shape_cast %and3A_392 : vector<16xi32> to vector<1x16xi32>
        tpu.vector_store %arg7[%swap3A_394, %swap3A_395], %swap3A_398 {strides = array<i32>} : memref<2x80xi32, #tpu.memory_space<vmem>>, vector<1x16xi32>,
        %shift_right_arithmetic3A_399 = arith.constant 16 : i32
        %shift_right_arithmetic3A_400 = vector.broadcast %shift_right_arithmetic3A_399 : i32 to vector<16xi32>
        %shift_right_arithmetic3A_401 = arith.shrsi %get3A_389, %shift_right_arithmetic3A_400 : vector<16xi32>
        %swap3A_402 = arith.constant 0 : i32
        %swap3A_403 = arith.index_cast %swap3A_402 : i32 to index
        %swap3A_404 = arith.constant 48 : index
        %swap3A_405 = tpu.vector_load %arg8[%swap3A_403, %swap3A_404] {strides = array<i32>} : memref<2x80xi32, #tpu.memory_space<vmem>>, vector<1x16xi32>,
        %swap3A_406 = vector.shape_cast %swap3A_405 : vector<1x16xi32> to vector<16xi32>
        %swap3A_407 = vector.shape_cast %shift_right_arithmetic3A_401 : vector<16xi32> to vector<1x16xi32>
        tpu.vector_store %arg8[%swap3A_403, %swap3A_404], %swap3A_407 {strides = array<i32>} : memref<2x80xi32, #tpu.memory_space<vmem>>, vector<1x16xi32>,
        %get3A_408 = arith.index_cast %add3A_319 : i32 to index
        %get3A_409 = arith.constant 64 : index
        %get3A_410 = tpu.vector_load %arg6[%get3A_408, %get3A_409] {strides = array<i32>} : memref<125x80xi32, #tpu.memory_space<vmem>>, vector<1x16xi32>,
        %get3A_411 = vector.shape_cast %get3A_410 : vector<1x16xi32> to vector<16xi32>
        %and3A_412 = arith.constant 65535 : i32
        %and3A_413 = vector.broadcast %and3A_412 : i32 to vector<16xi32>
        %and3A_414 = arith.andi %get3A_411, %and3A_413 : vector<16xi32>
        %swap3A_415 = arith.constant 0 : i32
        %swap3A_416 = arith.index_cast %swap3A_415 : i32 to index
        %swap3A_417 = arith.constant 64 : index
        %swap3A_418 = tpu.vector_load %arg7[%swap3A_416, %swap3A_417] {strides = array<i32>} : memref<2x80xi32, #tpu.memory_space<vmem>>, vector<1x16xi32>,
        %swap3A_419 = vector.shape_cast %swap3A_418 : vector<1x16xi32> to vector<16xi32>
        %swap3A_420 = vector.shape_cast %and3A_414 : vector<16xi32> to vector<1x16xi32>
        tpu.vector_store %arg7[%swap3A_416, %swap3A_417], %swap3A_420 {strides = array<i32>} : memref<2x80xi32, #tpu.memory_space<vmem>>, vector<1x16xi32>,
        %shift_right_arithmetic3A_421 = arith.constant 16 : i32
        %shift_right_arithmetic3A_422 = vector.broadcast %shift_right_arithmetic3A_421 : i32 to vector<16xi32>
        %shift_right_arithmetic3A_423 = arith.shrsi %get3A_411, %shift_right_arithmetic3A_422 : vector<16xi32>
        %swap3A_424 = arith.constant 0 : i32
        %swap3A_425 = arith.index_cast %swap3A_424 : i32 to index
        %swap3A_426 = arith.constant 64 : index
        %swap3A_427 = tpu.vector_load %arg8[%swap3A_425, %swap3A_426] {strides = array<i32>} : memref<2x80xi32, #tpu.memory_space<vmem>>, vector<1x16xi32>,
        %swap3A_428 = vector.shape_cast %swap3A_427 : vector<1x16xi32> to vector<16xi32>
        %swap3A_429 = vector.shape_cast %shift_right_arithmetic3A_423 : vector<16xi32> to vector<1x16xi32>
        tpu.vector_store %arg8[%swap3A_425, %swap3A_426], %swap3A_429 {strides = array<i32>} : memref<2x80xi32, #tpu.memory_space<vmem>>, vector<1x16xi32>,
        %dma_start3A_430 = arith.constant 0 : i32
        %dma_start3A_431 = arith.constant 0 : i32
        %dma_start3A_432 = arith.constant 0 : i32
        %dma_start3A_433 = arith.constant 0 : i32
        %dma_start3A_434 = tpu.memref_slice %arg9[%dma_start3A_431, %dma_start3A_432, %dma_start3A_433] : memref<2x80x128xf32, #tpu.memory_space<vmem>> -> memref<1x80x128xf32, #tpu.memory_space<vmem>>
        %dma_start3A_435 = tpu.memref_squeeze %dma_start3A_434 : memref<1x80x128xf32, #tpu.memory_space<vmem>> -> memref<80x128xf32, #tpu.memory_space<vmem>>
        %dma_start3A_436 = arith.constant 0 : i32
        %dma_start3A_437 = tpu.memref_slice %arg7[%dma_start3A_430, %dma_start3A_436] : memref<2x80xi32, #tpu.memory_space<vmem>> -> memref<1x80xi32, #tpu.memory_space<vmem>>
        %dma_start3A_438 = tpu.memref_squeeze %dma_start3A_437 : memref<1x80xi32, #tpu.memory_space<vmem>> -> memref<80xi32, #tpu.memory_space<vmem>>
        %dma_start3A_439 = arith.constant 0 : i32
        %dma_start3A_440 = arith.constant 0 : i32
        %dma_start3A_441 = tpu.memref_slice %arg2[%dma_start3A_439, %dma_start3A_440] : memref<10000x128xf32, #tpu.memory_space<hbm>> -> memref<10000x128xf32, #tpu.memory_space<hbm>>
        tpu.enqueue_indirect_dma source(%dma_start3A_441 : memref<10000x128xf32, #tpu.memory_space<hbm>>) target(%dma_start3A_435 : memref<80x128xf32, #tpu.memory_space<vmem>>) offsets(%dma_start3A_438 : memref<80xi32, #tpu.memory_space<vmem>>) semaphore(%arg11 : memref<!tpu.dma_semaphore, #tpu.memory_space<semaphore_mem>>)
      } else {
      }
      %run_scoped3A_316 = arith.constant 1 : i32
      %run_scoped3A_317 = arith.constant 1 : i32
      "tpu.region"() ({
        %run_scoped3A_318 = tpu.sem_alloc : memref<!tpu.dma_semaphore, #tpu.memory_space<semaphore_mem>>
        %dma_start3A_319 = arith.constant 0 : i32
        %dma_start3A_320 = arith.constant 0 : i32
        %dma_start3A_321 = tpu.memref_slice %arg9[%run_scoped3A_316, %dma_start3A_319, %dma_start3A_320] : memref<2x80x128xf32, #tpu.memory_space<vmem>> -> memref<1x80x128xf32, #tpu.memory_space<vmem>>
        %dma_start3A_322 = tpu.memref_squeeze %dma_start3A_321 : memref<1x80x128xf32, #tpu.memory_space<vmem>> -> memref<80x128xf32, #tpu.memory_space<vmem>>
        %dma_start3A_323 = arith.constant 0 : i32
        %dma_start3A_324 = tpu.memref_slice %arg8[%run_scoped3A_317, %dma_start3A_323] : memref<2x80xi32, #tpu.memory_space<vmem>> -> memref<1x80xi32, #tpu.memory_space<vmem>>
        %dma_start3A_325 = tpu.memref_squeeze %dma_start3A_324 : memref<1x80xi32, #tpu.memory_space<vmem>> -> memref<80xi32, #tpu.memory_space<vmem>>
        %dma_start3A_326 = arith.constant 0 : i32
        %dma_start3A_327 = arith.constant 0 : i32
        %dma_start3A_328 = tpu.memref_slice %arg10[%dma_start3A_326, %dma_start3A_327] : memref<10000x128xf32, #tpu.memory_space<vmem_shared>> -> memref<10000x128xf32, #tpu.memory_space<vmem_shared>>
        tpu.enqueue_indirect_dma source(%dma_start3A_322 : memref<80x128xf32, #tpu.memory_space<vmem>>) target(%dma_start3A_328 : memref<10000x128xf32, #tpu.memory_space<vmem_shared>>) offsets(%dma_start3A_325 : memref<80xi32, #tpu.memory_space<vmem>>) semaphore(%run_scoped3A_318 : memref<!tpu.dma_semaphore, #tpu.memory_space<semaphore_mem>>) {add = true}
        %dma_wait3A_329 = arith.constant 0 : i32
        %dma_wait3A_330 = arith.constant 0 : i32
        %dma_wait3A_331 = tpu.memref_slice %arg9[%run_scoped3A_316, %dma_wait3A_329, %dma_wait3A_330] : memref<2x80x128xf32, #tpu.memory_space<vmem>> -> memref<1x80x128xf32, #tpu.memory_space<vmem>>
        %dma_wait3A_332 = tpu.memref_squeeze %dma_wait3A_331 : memref<1x80x128xf32, #tpu.memory_space<vmem>> -> memref<80x128xf32, #tpu.memory_space<vmem>>
        %dma_wait3A_333 = arith.constant 0 : i32
        %dma_wait3A_334 = tpu.memref_slice %arg8[%run_scoped3A_317, %dma_wait3A_333] : memref<2x80xi32, #tpu.memory_space<vmem>> -> memref<1x80xi32, #tpu.memory_space<vmem>>
        %dma_wait3A_335 = tpu.memref_squeeze %dma_wait3A_334 : memref<1x80xi32, #tpu.memory_space<vmem>> -> memref<80xi32, #tpu.memory_space<vmem>>
        %dma_wait3A_336 = arith.constant 0 : i32
        %dma_wait3A_337 = arith.constant 0 : i32
        %dma_wait3A_338 = tpu.memref_slice %arg10[%dma_wait3A_336, %dma_wait3A_337] : memref<10000x128xf32, #tpu.memory_space<vmem_shared>> -> memref<10000x128xf32, #tpu.memory_space<vmem_shared>>
        tpu.wait_indirect_dma semaphore(%run_scoped3A_318 : memref<!tpu.dma_semaphore, #tpu.memory_space<semaphore_mem>>) src(%dma_wait3A_332 : memref<80x128xf32, #tpu.memory_space<vmem>>) dst(%dma_wait3A_338 : memref<10000x128xf32, #tpu.memory_space<vmem_shared>>)
        tpu.yield
      }) : () -> ()
    }
    %scan3A_136 = arith.constant 62 : i32
    %dma_wait3A = arith.constant 0 : i32
    %dma_wait3A_137 = arith.constant 0 : i32
    %dma_wait3A_138 = arith.constant 0 : i32
    %dma_wait3A_139 = arith.constant 0 : i32
    %dma_wait3A_140 = tpu.memref_slice %arg9[%dma_wait3A_137, %dma_wait3A_138, %dma_wait3A_139] : memref<2x80x128xf32, #tpu.memory_space<vmem>> -> memref<1x80x128xf32, #tpu.memory_space<vmem>>
    %dma_wait3A_141 = tpu.memref_squeeze %dma_wait3A_140 : memref<1x80x128xf32, #tpu.memory_space<vmem>> -> memref<80x128xf32, #tpu.memory_space<vmem>>
    %dma_wait3A_142 = arith.constant 0 : i32
    %dma_wait3A_143 = tpu.memref_slice %arg7[%dma_wait3A, %dma_wait3A_142] : memref<2x80xi32, #tpu.memory_space<vmem>> -> memref<1x80xi32, #tpu.memory_space<vmem>>
    %dma_wait3A_144 = tpu.memref_squeeze %dma_wait3A_143 : memref<1x80xi32, #tpu.memory_space<vmem>> -> memref<80xi32, #tpu.memory_space<vmem>>
    %dma_wait3A_145 = arith.constant 0 : i32
    %dma_wait3A_146 = arith.constant 0 : i32
    %dma_wait3A_147 = tpu.memref_slice %arg2[%dma_wait3A_145, %dma_wait3A_146] : memref<10000x128xf32, #tpu.memory_space<hbm>> -> memref<10000x128xf32, #tpu.memory_space<hbm>>
    tpu.wait_indirect_dma semaphore(%arg11 : memref<!tpu.dma_semaphore, #tpu.memory_space<semaphore_mem>>) src(%dma_wait3A_147 : memref<10000x128xf32, #tpu.memory_space<hbm>>) dst(%dma_wait3A_141 : memref<80x128xf32, #tpu.memory_space<vmem>>)
    %run_scoped3A = arith.constant 0 : i32
    %run_scoped3A_148 = arith.constant 0 : i32
    "tpu.region"() ({
      %run_scoped3A_157 = tpu.sem_alloc : memref<!tpu.dma_semaphore, #tpu.memory_space<semaphore_mem>>
      %dma_start3A_158 = arith.constant 0 : i32
      %dma_start3A_159 = arith.constant 0 : i32
      %dma_start3A_160 = tpu.memref_slice %arg9[%run_scoped3A, %dma_start3A_158, %dma_start3A_159] : memref<2x80x128xf32, #tpu.memory_space<vmem>> -> memref<1x80x128xf32, #tpu.memory_space<vmem>>
      %dma_start3A_161 = tpu.memref_squeeze %dma_start3A_160 : memref<1x80x128xf32, #tpu.memory_space<vmem>> -> memref<80x128xf32, #tpu.memory_space<vmem>>
      %dma_start3A_162 = arith.constant 0 : i32
      %dma_start3A_163 = tpu.memref_slice %arg8[%run_scoped3A_148, %dma_start3A_162] : memref<2x80xi32, #tpu.memory_space<vmem>> -> memref<1x80xi32, #tpu.memory_space<vmem>>
      %dma_start3A_164 = tpu.memref_squeeze %dma_start3A_163 : memref<1x80xi32, #tpu.memory_space<vmem>> -> memref<80xi32, #tpu.memory_space<vmem>>
      %dma_start3A_165 = arith.constant 0 : i32
      %dma_start3A_166 = arith.constant 0 : i32
      %dma_start3A_167 = tpu.memref_slice %arg10[%dma_start3A_165, %dma_start3A_166] : memref<10000x128xf32, #tpu.memory_space<vmem_shared>> -> memref<10000x128xf32, #tpu.memory_space<vmem_shared>>
      tpu.enqueue_indirect_dma source(%dma_start3A_161 : memref<80x128xf32, #tpu.memory_space<vmem>>) target(%dma_start3A_167 : memref<10000x128xf32, #tpu.memory_space<vmem_shared>>) offsets(%dma_start3A_164 : memref<80xi32, #tpu.memory_space<vmem>>) semaphore(%run_scoped3A_157 : memref<!tpu.dma_semaphore, #tpu.memory_space<semaphore_mem>>) {add = true}
      %dma_wait3A_168 = arith.constant 0 : i32
      %dma_wait3A_169 = arith.constant 0 : i32
      %dma_wait3A_170 = tpu.memref_slice %arg9[%run_scoped3A, %dma_wait3A_168, %dma_wait3A_169] : memref<2x80x128xf32, #tpu.memory_space<vmem>> -> memref<1x80x128xf32, #tpu.memory_space<vmem>>
      %dma_wait3A_171 = tpu.memref_squeeze %dma_wait3A_170 : memref<1x80x128xf32, #tpu.memory_space<vmem>> -> memref<80x128xf32, #tpu.memory_space<vmem>>
      %dma_wait3A_172 = arith.constant 0 : i32
      %dma_wait3A_173 = tpu.memref_slice %arg8[%run_scoped3A_148, %dma_wait3A_172] : memref<2x80xi32, #tpu.memory_space<vmem>> -> memref<1x80xi32, #tpu.memory_space<vmem>>
      %dma_wait3A_174 = tpu.memref_squeeze %dma_wait3A_173 : memref<1x80xi32, #tpu.memory_space<vmem>> -> memref<80xi32, #tpu.memory_space<vmem>>
      %dma_wait3A_175 = arith.constant 0 : i32
      %dma_wait3A_176 = arith.constant 0 : i32
      %dma_wait3A_177 = tpu.memref_slice %arg10[%dma_wait3A_175, %dma_wait3A_176] : memref<10000x128xf32, #tpu.memory_space<vmem_shared>> -> memref<10000x128xf32, #tpu.memory_space<vmem_shared>>
      tpu.wait_indirect_dma semaphore(%run_scoped3A_157 : memref<!tpu.dma_semaphore, #tpu.memory_space<semaphore_mem>>) src(%dma_wait3A_171 : memref<80x128xf32, #tpu.memory_space<vmem>>) dst(%dma_wait3A_177 : memref<10000x128xf32, #tpu.memory_space<vmem_shared>>)
      tpu.yield
    }) : () -> ()
    %barrier3A_149 = arith.constant 0 : index
    tpu.barrier barrier_id(%barrier3A_149)
    %mul3A_150 = arith.constant 624 : i32
    %mul3A_151 = arith.muli %arg1, %mul3A_150 : i32
    "tpu.region"() ({
      %run_scoped3A_157 = tpu.sem_alloc : memref<!tpu.dma_semaphore, #tpu.memory_space<semaphore_mem>>
      %dma_start3A_158 = arith.constant 0 : i32
      %dma_start3A_159 = tpu.memref_slice %arg5[%arg0, %mul3A_151, %dma_start3A_158] : memref<2x10000x128xf32, #tpu.memory_space<hbm>> -> memref<1x624x128xf32, #tpu.memory_space<hbm>>
      %dma_start3A_160 = tpu.memref_squeeze %dma_start3A_159 : memref<1x624x128xf32, #tpu.memory_space<hbm>> -> memref<624x128xf32, #tpu.memory_space<hbm>>
      %dma_start3A_161 = arith.constant 0 : i32
      %dma_start3A_162 = tpu.memref_slice %arg10[%mul3A_151, %dma_start3A_161] : memref<10000x128xf32, #tpu.memory_space<vmem_shared>> -> memref<624x128xf32, #tpu.memory_space<vmem_shared>>
      tpu.enqueue_dma source(%dma_start3A_162 : memref<624x128xf32, #tpu.memory_space<vmem_shared>>) target(%dma_start3A_160 : memref<624x128xf32, #tpu.memory_space<hbm>>) target_semaphore(%run_scoped3A_157 : memref<!tpu.dma_semaphore, #tpu.memory_space<semaphore_mem>>)
      %dma_wait3A_163 = arith.constant 0 : i32
      %dma_wait3A_164 = tpu.memref_slice %arg5[%arg0, %mul3A_151, %dma_wait3A_163] : memref<2x10000x128xf32, #tpu.memory_space<hbm>> -> memref<1x624x128xf32, #tpu.memory_space<hbm>>
      %dma_wait3A_165 = tpu.memref_squeeze %dma_wait3A_164 : memref<1x624x128xf32, #tpu.memory_space<hbm>> -> memref<624x128xf32, #tpu.memory_space<hbm>>
      %dma_wait3A_166 = arith.constant 0 : i32
      %dma_wait3A_167 = tpu.memref_slice %arg10[%mul3A_151, %dma_wait3A_166] : memref<10000x128xf32, #tpu.memory_space<vmem_shared>> -> memref<624x128xf32, #tpu.memory_space<vmem_shared>>
      tpu.wait_dma2 semaphore(%run_scoped3A_157 : memref<!tpu.dma_semaphore, #tpu.memory_space<semaphore_mem>>) src(%dma_wait3A_167 : memref<624x128xf32, #tpu.memory_space<vmem_shared>>) dst(%dma_wait3A_165 : memref<624x128xf32, #tpu.memory_space<hbm>>)
      tpu.yield
    }) : () -> ()
    %eq3A_152 = arith.constant 0 : i32
    %eq3A_153 = arith.cmpi eq, %arg1, %eq3A_152 : i32
    %convert_element_type3A_154 = arith.extui %eq3A_153 : i1 to i32
    %cond3A_155 = arith.constant 0 : i32
    %cond3A_156 = arith.cmpi ne, %convert_element_type3A_154, %cond3A_155 : i32
    scf.if %cond3A_156 {
      "tpu.region"() ({
        %run_scoped3A_157 = tpu.sem_alloc : memref<!tpu.dma_semaphore, #tpu.memory_space<semaphore_mem>>
        %dma_start3A_158 = arith.constant 9984 : i32
        %dma_start3A_159 = arith.constant 0 : i32
        %dma_start3A_160 = tpu.memref_slice %arg5[%arg0, %dma_start3A_158, %dma_start3A_159] : memref<2x10000x128xf32, #tpu.memory_space<hbm>> -> memref<1x16x128xf32, #tpu.memory_space<hbm>>
        %dma_start3A_161 = tpu.memref_squeeze %dma_start3A_160 : memref<1x16x128xf32, #tpu.memory_space<hbm>> -> memref<16x128xf32, #tpu.memory_space<hbm>>
        %dma_start3A_162 = arith.constant 9984 : i32
        %dma_start3A_163 = arith.constant 0 : i32
        %dma_start3A_164 = tpu.memref_slice %arg10[%dma_start3A_162, %dma_start3A_163] : memref<10000x128xf32, #tpu.memory_space<vmem_shared>> -> memref<16x128xf32, #tpu.memory_space<vmem_shared>>
        tpu.enqueue_dma source(%dma_start3A_164 : memref<16x128xf32, #tpu.memory_space<vmem_shared>>) target(%dma_start3A_161 : memref<16x128xf32, #tpu.memory_space<hbm>>) target_semaphore(%run_scoped3A_157 : memref<!tpu.dma_semaphore, #tpu.memory_space<semaphore_mem>>)
        %dma_wait3A_165 = arith.constant 9984 : i32
        %dma_wait3A_166 = arith.constant 0 : i32
        %dma_wait3A_167 = tpu.memref_slice %arg5[%arg0, %dma_wait3A_165, %dma_wait3A_166] : memref<2x10000x128xf32, #tpu.memory_space<hbm>> -> memref<1x16x128xf32, #tpu.memory_space<hbm>>
        %dma_wait3A_168 = tpu.memref_squeeze %dma_wait3A_167 : memref<1x16x128xf32, #tpu.memory_space<hbm>> -> memref<16x128xf32, #tpu.memory_space<hbm>>
        %dma_wait3A_169 = arith.constant 9984 : i32
        %dma_wait3A_170 = arith.constant 0 : i32
        %dma_wait3A_171 = tpu.memref_slice %arg10[%dma_wait3A_169, %dma_wait3A_170] : memref<10000x128xf32, #tpu.memory_space<vmem_shared>> -> memref<16x128xf32, #tpu.memory_space<vmem_shared>>
        tpu.wait_dma2 semaphore(%run_scoped3A_157 : memref<!tpu.dma_semaphore, #tpu.memory_space<semaphore_mem>>) src(%dma_wait3A_171 : memref<16x128xf32, #tpu.memory_space<vmem_shared>>) dst(%dma_wait3A_168 : memref<16x128xf32, #tpu.memory_space<hbm>>)
        tpu.yield
      }) : () -> ()
    } else {
    }
    return
  }
}

#map = affine_map<(d0, d1) -> (0, 0, 0)>
#map1 = affine_map<(d0, d1) -> (0, 0)>
module attributes {stable_mosaic.version = 14 : i64} {
  func.func @deg_kernel(%arg0: i32, %arg1: i32, %arg2: memref<32x125x80xi32, #tpu.memory_space<hbm>>, %arg3: memref<80x128xf32, #tpu.memory_space<hbm>>, %arg4: memref<208x128xf32, #tpu.memory_space<hbm>>, %arg5: memref<2x10000x128xf32, #tpu.memory_space<hbm>>, %arg6: memref<125x80xi32, #tpu.memory_space<vmem>>, %arg7: memref<80x128xf32, #tpu.memory_space<vmem>>, %arg8: memref<10000x128xf32, #tpu.memory_space<vmem_shared>>) attributes {dimension_semantics = [#tpu.dimension_semantics<core_parallel>, #tpu.dimension_semantics<subcore_parallel>], iteration_bounds = array<i64: 2, 16>, scalar_prefetch = 0 : i64, scratch_operands = 3 : i64, tpu.core_type = #tpu.core_type<sc_vector_subcore>, window_params = [{transform_indices = #map}, {transform_indices = #map1}, {transform_indices = #map1}, {transform_indices = #map}]} {
    %mul3A = arith.constant 2 : i32
    %mul3A_0 = arith.muli %arg1, %mul3A : i32
    %add3A = arith.addi %mul3A_0, %arg0 : i32
    %mul3A_1 = arith.constant 624 : i32
    %mul3A_2 = arith.muli %arg1, %mul3A_1 : i32
    %add3A_3 = arith.constant 0 : i32
    %add3A_4 = arith.addi %mul3A_2, %add3A_3 : i32
    "tpu.region"() ({
      %run_scoped3A = tpu.sem_alloc : memref<!tpu.dma_semaphore, #tpu.memory_space<semaphore_mem>>
      %dma_start3A = arith.constant 0 : i32
      %dma_start3A_30 = tpu.memref_slice %arg8[%add3A_4, %dma_start3A] : memref<10000x128xf32, #tpu.memory_space<vmem_shared>> -> memref<208x128xf32, #tpu.memory_space<vmem_shared>>
      tpu.enqueue_dma source(%arg4 : memref<208x128xf32, #tpu.memory_space<hbm>>) target(%dma_start3A_30 : memref<208x128xf32, #tpu.memory_space<vmem_shared>>) target_semaphore(%run_scoped3A : memref<!tpu.dma_semaphore, #tpu.memory_space<semaphore_mem>>)
      %dma_wait3A = arith.constant 0 : i32
      %dma_wait3A_31 = tpu.memref_slice %arg8[%add3A_4, %dma_wait3A] : memref<10000x128xf32, #tpu.memory_space<vmem_shared>> -> memref<208x128xf32, #tpu.memory_space<vmem_shared>>
      tpu.wait_dma2 semaphore(%run_scoped3A : memref<!tpu.dma_semaphore, #tpu.memory_space<semaphore_mem>>) src(%arg4 : memref<208x128xf32, #tpu.memory_space<hbm>>) dst(%dma_wait3A_31 : memref<208x128xf32, #tpu.memory_space<vmem_shared>>)
      tpu.yield
    }) : () -> ()
    %add3A_5 = arith.constant 208 : i32
    %add3A_6 = arith.addi %mul3A_2, %add3A_5 : i32
    "tpu.region"() ({
      %run_scoped3A = tpu.sem_alloc : memref<!tpu.dma_semaphore, #tpu.memory_space<semaphore_mem>>
      %dma_start3A = arith.constant 0 : i32
      %dma_start3A_30 = tpu.memref_slice %arg8[%add3A_6, %dma_start3A] : memref<10000x128xf32, #tpu.memory_space<vmem_shared>> -> memref<208x128xf32, #tpu.memory_space<vmem_shared>>
      tpu.enqueue_dma source(%arg4 : memref<208x128xf32, #tpu.memory_space<hbm>>) target(%dma_start3A_30 : memref<208x128xf32, #tpu.memory_space<vmem_shared>>) target_semaphore(%run_scoped3A : memref<!tpu.dma_semaphore, #tpu.memory_space<semaphore_mem>>)
      %dma_wait3A = arith.constant 0 : i32
      %dma_wait3A_31 = tpu.memref_slice %arg8[%add3A_6, %dma_wait3A] : memref<10000x128xf32, #tpu.memory_space<vmem_shared>> -> memref<208x128xf32, #tpu.memory_space<vmem_shared>>
      tpu.wait_dma2 semaphore(%run_scoped3A : memref<!tpu.dma_semaphore, #tpu.memory_space<semaphore_mem>>) src(%arg4 : memref<208x128xf32, #tpu.memory_space<hbm>>) dst(%dma_wait3A_31 : memref<208x128xf32, #tpu.memory_space<vmem_shared>>)
      tpu.yield
    }) : () -> ()
    %add3A_7 = arith.constant 416 : i32
    %add3A_8 = arith.addi %mul3A_2, %add3A_7 : i32
    "tpu.region"() ({
      %run_scoped3A = tpu.sem_alloc : memref<!tpu.dma_semaphore, #tpu.memory_space<semaphore_mem>>
      %dma_start3A = arith.constant 0 : i32
      %dma_start3A_30 = tpu.memref_slice %arg8[%add3A_8, %dma_start3A] : memref<10000x128xf32, #tpu.memory_space<vmem_shared>> -> memref<208x128xf32, #tpu.memory_space<vmem_shared>>
      tpu.enqueue_dma source(%arg4 : memref<208x128xf32, #tpu.memory_space<hbm>>) target(%dma_start3A_30 : memref<208x128xf32, #tpu.memory_space<vmem_shared>>) target_semaphore(%run_scoped3A : memref<!tpu.dma_semaphore, #tpu.memory_space<semaphore_mem>>)
      %dma_wait3A = arith.constant 0 : i32
      %dma_wait3A_31 = tpu.memref_slice %arg8[%add3A_8, %dma_wait3A] : memref<10000x128xf32, #tpu.memory_space<vmem_shared>> -> memref<208x128xf32, #tpu.memory_space<vmem_shared>>
      tpu.wait_dma2 semaphore(%run_scoped3A : memref<!tpu.dma_semaphore, #tpu.memory_space<semaphore_mem>>) src(%arg4 : memref<208x128xf32, #tpu.memory_space<hbm>>) dst(%dma_wait3A_31 : memref<208x128xf32, #tpu.memory_space<vmem_shared>>)
      tpu.yield
    }) : () -> ()
    %eq3A = arith.constant 0 : i32
    %eq3A_9 = arith.cmpi eq, %arg1, %eq3A : i32
    %convert_element_type3A = arith.extui %eq3A_9 : i1 to i32
    %cond3A = arith.constant 0 : i32
    %cond3A_10 = arith.cmpi ne, %convert_element_type3A, %cond3A : i32
    scf.if %cond3A_10 {
      "tpu.region"() ({
        %run_scoped3A = tpu.sem_alloc : memref<!tpu.dma_semaphore, #tpu.memory_space<semaphore_mem>>
        %dma_start3A = arith.constant 9984 : i32
        %dma_start3A_30 = arith.constant 0 : i32
        %dma_start3A_31 = tpu.memref_slice %arg8[%dma_start3A, %dma_start3A_30] : memref<10000x128xf32, #tpu.memory_space<vmem_shared>> -> memref<16x128xf32, #tpu.memory_space<vmem_shared>>
        %dma_start3A_32 = arith.constant 0 : i32
        %dma_start3A_33 = arith.constant 0 : i32
        %dma_start3A_34 = tpu.memref_slice %arg4[%dma_start3A_32, %dma_start3A_33] : memref<208x128xf32, #tpu.memory_space<hbm>> -> memref<16x128xf32, #tpu.memory_space<hbm>>
        tpu.enqueue_dma source(%dma_start3A_34 : memref<16x128xf32, #tpu.memory_space<hbm>>) target(%dma_start3A_31 : memref<16x128xf32, #tpu.memory_space<vmem_shared>>) target_semaphore(%run_scoped3A : memref<!tpu.dma_semaphore, #tpu.memory_space<semaphore_mem>>)
        %dma_wait3A = arith.constant 9984 : i32
        %dma_wait3A_35 = arith.constant 0 : i32
        %dma_wait3A_36 = tpu.memref_slice %arg8[%dma_wait3A, %dma_wait3A_35] : memref<10000x128xf32, #tpu.memory_space<vmem_shared>> -> memref<16x128xf32, #tpu.memory_space<vmem_shared>>
        %dma_wait3A_37 = arith.constant 0 : i32
        %dma_wait3A_38 = arith.constant 0 : i32
        %dma_wait3A_39 = tpu.memref_slice %arg4[%dma_wait3A_37, %dma_wait3A_38] : memref<208x128xf32, #tpu.memory_space<hbm>> -> memref<16x128xf32, #tpu.memory_space<hbm>>
        tpu.wait_dma2 semaphore(%run_scoped3A : memref<!tpu.dma_semaphore, #tpu.memory_space<semaphore_mem>>) src(%dma_wait3A_39 : memref<16x128xf32, #tpu.memory_space<hbm>>) dst(%dma_wait3A_36 : memref<16x128xf32, #tpu.memory_space<vmem_shared>>)
        tpu.yield
      }) : () -> ()
    } else {
    }
    "tpu.region"() ({
      %run_scoped3A = tpu.sem_alloc : memref<!tpu.dma_semaphore, #tpu.memory_space<semaphore_mem>>
      %dma_start3A = arith.constant 0 : i32
      %dma_start3A_30 = arith.constant 0 : i32
      %dma_start3A_31 = tpu.memref_slice %arg2[%add3A, %dma_start3A, %dma_start3A_30] : memref<32x125x80xi32, #tpu.memory_space<hbm>> -> memref<1x125x80xi32, #tpu.memory_space<hbm>>
      %dma_start3A_32 = tpu.memref_squeeze %dma_start3A_31 : memref<1x125x80xi32, #tpu.memory_space<hbm>> -> memref<125x80xi32, #tpu.memory_space<hbm>>
      %dma_start3A_33 = arith.constant 0 : i32
      %dma_start3A_34 = arith.constant 0 : i32
      %dma_start3A_35 = tpu.memref_slice %arg2[%add3A, %dma_start3A_33, %dma_start3A_34] : memref<32x125x80xi32, #tpu.memory_space<hbm>> -> memref<1x125x80xi32, #tpu.memory_space<hbm>>
      %dma_start3A_36 = tpu.memref_squeeze %dma_start3A_35 : memref<1x125x80xi32, #tpu.memory_space<hbm>> -> memref<125x80xi32, #tpu.memory_space<hbm>>
      tpu.enqueue_dma source(%dma_start3A_36 : memref<125x80xi32, #tpu.memory_space<hbm>>) target(%arg6 : memref<125x80xi32, #tpu.memory_space<vmem>>) target_semaphore(%run_scoped3A : memref<!tpu.dma_semaphore, #tpu.memory_space<semaphore_mem>>)
      %dma_wait3A = arith.constant 0 : i32
      %dma_wait3A_37 = arith.constant 0 : i32
      %dma_wait3A_38 = tpu.memref_slice %arg2[%add3A, %dma_wait3A, %dma_wait3A_37] : memref<32x125x80xi32, #tpu.memory_space<hbm>> -> memref<1x125x80xi32, #tpu.memory_space<hbm>>
      %dma_wait3A_39 = tpu.memref_squeeze %dma_wait3A_38 : memref<1x125x80xi32, #tpu.memory_space<hbm>> -> memref<125x80xi32, #tpu.memory_space<hbm>>
      %dma_wait3A_40 = arith.constant 0 : i32
      %dma_wait3A_41 = arith.constant 0 : i32
      %dma_wait3A_42 = tpu.memref_slice %arg2[%add3A, %dma_wait3A_40, %dma_wait3A_41] : memref<32x125x80xi32, #tpu.memory_space<hbm>> -> memref<1x125x80xi32, #tpu.memory_space<hbm>>
      %dma_wait3A_43 = tpu.memref_squeeze %dma_wait3A_42 : memref<1x125x80xi32, #tpu.memory_space<hbm>> -> memref<125x80xi32, #tpu.memory_space<hbm>>
      tpu.wait_dma2 semaphore(%run_scoped3A : memref<!tpu.dma_semaphore, #tpu.memory_space<semaphore_mem>>) src(%dma_wait3A_43 : memref<125x80xi32, #tpu.memory_space<hbm>>) dst(%arg6 : memref<125x80xi32, #tpu.memory_space<vmem>>)
      tpu.yield
    }) : () -> ()
    "tpu.region"() ({
      %run_scoped3A = tpu.sem_alloc : memref<!tpu.dma_semaphore, #tpu.memory_space<semaphore_mem>>
      tpu.enqueue_dma source(%arg3 : memref<80x128xf32, #tpu.memory_space<hbm>>) target(%arg7 : memref<80x128xf32, #tpu.memory_space<vmem>>) target_semaphore(%run_scoped3A : memref<!tpu.dma_semaphore, #tpu.memory_space<semaphore_mem>>)
      tpu.wait_dma2 semaphore(%run_scoped3A : memref<!tpu.dma_semaphore, #tpu.memory_space<semaphore_mem>>) src(%arg3 : memref<80x128xf32, #tpu.memory_space<hbm>>) dst(%arg7 : memref<80x128xf32, #tpu.memory_space<vmem>>)
      tpu.yield
    }) : () -> ()
    %scan3A = arith.constant 0 : i32
    %scan3A_11 = arith.constant 0 : i32
    %scan3A_12 = arith.constant 125 : i32
    %scan3A_13 = arith.addi %scan3A_11, %scan3A_12 : i32
    %scan3A_14 = arith.constant 1 : i32
    scf.for %scan3A_30 = %scan3A_11 to %scan3A_13 step %scan3A_14  : i32 {
      %get3A = arith.index_cast %scan3A_30 : i32 to index
      %get3A_31 = arith.constant 0 : index
      %get3A_32 = tpu.vector_load %arg6[%get3A, %get3A_31] {strides = array<i32>} : memref<125x80xi32, #tpu.memory_space<vmem>>, vector<1x16xi32>,
      %get3A_33 = vector.shape_cast %get3A_32 : vector<1x16xi32> to vector<16xi32>
      %shift_right_arithmetic3A = arith.constant 16 : i32
      %shift_right_arithmetic3A_34 = vector.broadcast %shift_right_arithmetic3A : i32 to vector<16xi32>
      %shift_right_arithmetic3A_35 = arith.shrsi %get3A_33, %shift_right_arithmetic3A_34 : vector<16xi32>
      %swap3A = arith.index_cast %scan3A_30 : i32 to index
      %swap3A_36 = arith.constant 0 : index
      %swap3A_37 = tpu.vector_load %arg6[%swap3A, %swap3A_36] {strides = array<i32>} : memref<125x80xi32, #tpu.memory_space<vmem>>, vector<1x16xi32>,
      %swap3A_38 = vector.shape_cast %swap3A_37 : vector<1x16xi32> to vector<16xi32>
      %swap3A_39 = vector.shape_cast %shift_right_arithmetic3A_35 : vector<16xi32> to vector<1x16xi32>
      tpu.vector_store %arg6[%swap3A, %swap3A_36], %swap3A_39 {strides = array<i32>} : memref<125x80xi32, #tpu.memory_space<vmem>>, vector<1x16xi32>,
      %get3A_40 = arith.index_cast %scan3A_30 : i32 to index
      %get3A_41 = arith.constant 16 : index
      %get3A_42 = tpu.vector_load %arg6[%get3A_40, %get3A_41] {strides = array<i32>} : memref<125x80xi32, #tpu.memory_space<vmem>>, vector<1x16xi32>,
      %get3A_43 = vector.shape_cast %get3A_42 : vector<1x16xi32> to vector<16xi32>
      %shift_right_arithmetic3A_44 = arith.constant 16 : i32
      %shift_right_arithmetic3A_45 = vector.broadcast %shift_right_arithmetic3A_44 : i32 to vector<16xi32>
      %shift_right_arithmetic3A_46 = arith.shrsi %get3A_43, %shift_right_arithmetic3A_45 : vector<16xi32>
      %swap3A_47 = arith.index_cast %scan3A_30 : i32 to index
      %swap3A_48 = arith.constant 16 : index
      %swap3A_49 = tpu.vector_load %arg6[%swap3A_47, %swap3A_48] {strides = array<i32>} : memref<125x80xi32, #tpu.memory_space<vmem>>, vector<1x16xi32>,
      %swap3A_50 = vector.shape_cast %swap3A_49 : vector<1x16xi32> to vector<16xi32>
      %swap3A_51 = vector.shape_cast %shift_right_arithmetic3A_46 : vector<16xi32> to vector<1x16xi32>
      tpu.vector_store %arg6[%swap3A_47, %swap3A_48], %swap3A_51 {strides = array<i32>} : memref<125x80xi32, #tpu.memory_space<vmem>>, vector<1x16xi32>,
      %get3A_52 = arith.index_cast %scan3A_30 : i32 to index
      %get3A_53 = arith.constant 32 : index
      %get3A_54 = tpu.vector_load %arg6[%get3A_52, %get3A_53] {strides = array<i32>} : memref<125x80xi32, #tpu.memory_space<vmem>>, vector<1x16xi32>,
      %get3A_55 = vector.shape_cast %get3A_54 : vector<1x16xi32> to vector<16xi32>
      %shift_right_arithmetic3A_56 = arith.constant 16 : i32
      %shift_right_arithmetic3A_57 = vector.broadcast %shift_right_arithmetic3A_56 : i32 to vector<16xi32>
      %shift_right_arithmetic3A_58 = arith.shrsi %get3A_55, %shift_right_arithmetic3A_57 : vector<16xi32>
      %swap3A_59 = arith.index_cast %scan3A_30 : i32 to index
      %swap3A_60 = arith.constant 32 : index
      %swap3A_61 = tpu.vector_load %arg6[%swap3A_59, %swap3A_60] {strides = array<i32>} : memref<125x80xi32, #tpu.memory_space<vmem>>, vector<1x16xi32>,
      %swap3A_62 = vector.shape_cast %swap3A_61 : vector<1x16xi32> to vector<16xi32>
      %swap3A_63 = vector.shape_cast %shift_right_arithmetic3A_58 : vector<16xi32> to vector<1x16xi32>
      tpu.vector_store %arg6[%swap3A_59, %swap3A_60], %swap3A_63 {strides = array<i32>} : memref<125x80xi32, #tpu.memory_space<vmem>>, vector<1x16xi32>,
      %get3A_64 = arith.index_cast %scan3A_30 : i32 to index
      %get3A_65 = arith.constant 48 : index
      %get3A_66 = tpu.vector_load %arg6[%get3A_64, %get3A_65] {strides = array<i32>} : memref<125x80xi32, #tpu.memory_space<vmem>>, vector<1x16xi32>,
      %get3A_67 = vector.shape_cast %get3A_66 : vector<1x16xi32> to vector<16xi32>
      %shift_right_arithmetic3A_68 = arith.constant 16 : i32
      %shift_right_arithmetic3A_69 = vector.broadcast %shift_right_arithmetic3A_68 : i32 to vector<16xi32>
      %shift_right_arithmetic3A_70 = arith.shrsi %get3A_67, %shift_right_arithmetic3A_69 : vector<16xi32>
      %swap3A_71 = arith.index_cast %scan3A_30 : i32 to index
      %swap3A_72 = arith.constant 48 : index
      %swap3A_73 = tpu.vector_load %arg6[%swap3A_71, %swap3A_72] {strides = array<i32>} : memref<125x80xi32, #tpu.memory_space<vmem>>, vector<1x16xi32>,
      %swap3A_74 = vector.shape_cast %swap3A_73 : vector<1x16xi32> to vector<16xi32>
      %swap3A_75 = vector.shape_cast %shift_right_arithmetic3A_70 : vector<16xi32> to vector<1x16xi32>
      tpu.vector_store %arg6[%swap3A_71, %swap3A_72], %swap3A_75 {strides = array<i32>} : memref<125x80xi32, #tpu.memory_space<vmem>>, vector<1x16xi32>,
      %get3A_76 = arith.index_cast %scan3A_30 : i32 to index
      %get3A_77 = arith.constant 64 : index
      %get3A_78 = tpu.vector_load %arg6[%get3A_76, %get3A_77] {strides = array<i32>} : memref<125x80xi32, #tpu.memory_space<vmem>>, vector<1x16xi32>,
      %get3A_79 = vector.shape_cast %get3A_78 : vector<1x16xi32> to vector<16xi32>
      %shift_right_arithmetic3A_80 = arith.constant 16 : i32
      %shift_right_arithmetic3A_81 = vector.broadcast %shift_right_arithmetic3A_80 : i32 to vector<16xi32>
      %shift_right_arithmetic3A_82 = arith.shrsi %get3A_79, %shift_right_arithmetic3A_81 : vector<16xi32>
      %swap3A_83 = arith.index_cast %scan3A_30 : i32 to index
      %swap3A_84 = arith.constant 64 : index
      %swap3A_85 = tpu.vector_load %arg6[%swap3A_83, %swap3A_84] {strides = array<i32>} : memref<125x80xi32, #tpu.memory_space<vmem>>, vector<1x16xi32>,
      %swap3A_86 = vector.shape_cast %swap3A_85 : vector<1x16xi32> to vector<16xi32>
      %swap3A_87 = vector.shape_cast %shift_right_arithmetic3A_82 : vector<16xi32> to vector<1x16xi32>
      tpu.vector_store %arg6[%swap3A_83, %swap3A_84], %swap3A_87 {strides = array<i32>} : memref<125x80xi32, #tpu.memory_space<vmem>>, vector<1x16xi32>,
    }
    %scan3A_15 = arith.constant 125 : i32
    %barrier3A = arith.constant 0 : index
    tpu.barrier barrier_id(%barrier3A)
    %scan3A_16 = arith.constant 0 : i32
    %scan3A_17 = arith.constant 0 : i32
    %scan3A_18 = arith.constant 125 : i32
    %scan3A_19 = arith.addi %scan3A_17, %scan3A_18 : i32
    %scan3A_20 = arith.constant 1 : i32
    scf.for %scan3A_30 = %scan3A_17 to %scan3A_19 step %scan3A_20  : i32 {
      "tpu.region"() ({
        %run_scoped3A = tpu.sem_alloc : memref<!tpu.dma_semaphore, #tpu.memory_space<semaphore_mem>>
        %dma_start3A = arith.constant 0 : i32
        %dma_start3A_31 = tpu.memref_slice %arg6[%scan3A_30, %dma_start3A] : memref<125x80xi32, #tpu.memory_space<vmem>> -> memref<1x80xi32, #tpu.memory_space<vmem>>
        %dma_start3A_32 = tpu.memref_squeeze %dma_start3A_31 : memref<1x80xi32, #tpu.memory_space<vmem>> -> memref<80xi32, #tpu.memory_space<vmem>>
        %dma_start3A_33 = arith.constant 0 : i32
        %dma_start3A_34 = arith.constant 0 : i32
        %dma_start3A_35 = tpu.memref_slice %arg8[%dma_start3A_33, %dma_start3A_34] : memref<10000x128xf32, #tpu.memory_space<vmem_shared>> -> memref<10000x128xf32, #tpu.memory_space<vmem_shared>>
        tpu.enqueue_indirect_dma source(%arg7 : memref<80x128xf32, #tpu.memory_space<vmem>>) target(%dma_start3A_35 : memref<10000x128xf32, #tpu.memory_space<vmem_shared>>) offsets(%dma_start3A_32 : memref<80xi32, #tpu.memory_space<vmem>>) semaphore(%run_scoped3A : memref<!tpu.dma_semaphore, #tpu.memory_space<semaphore_mem>>) {add = true}
        %dma_wait3A = arith.constant 0 : i32
        %dma_wait3A_36 = tpu.memref_slice %arg6[%scan3A_30, %dma_wait3A] : memref<125x80xi32, #tpu.memory_space<vmem>> -> memref<1x80xi32, #tpu.memory_space<vmem>>
        %dma_wait3A_37 = tpu.memref_squeeze %dma_wait3A_36 : memref<1x80xi32, #tpu.memory_space<vmem>> -> memref<80xi32, #tpu.memory_space<vmem>>
        %dma_wait3A_38 = arith.constant 0 : i32
        %dma_wait3A_39 = arith.constant 0 : i32
        %dma_wait3A_40 = tpu.memref_slice %arg8[%dma_wait3A_38, %dma_wait3A_39] : memref<10000x128xf32, #tpu.memory_space<vmem_shared>> -> memref<10000x128xf32, #tpu.memory_space<vmem_shared>>
        tpu.wait_indirect_dma semaphore(%run_scoped3A : memref<!tpu.dma_semaphore, #tpu.memory_space<semaphore_mem>>) src(%arg7 : memref<80x128xf32, #tpu.memory_space<vmem>>) dst(%dma_wait3A_40 : memref<10000x128xf32, #tpu.memory_space<vmem_shared>>)
        tpu.yield
      }) : () -> ()
    }
    %scan3A_21 = arith.constant 125 : i32
    %barrier3A_22 = arith.constant 0 : index
    tpu.barrier barrier_id(%barrier3A_22)
    %mul3A_23 = arith.constant 624 : i32
    %mul3A_24 = arith.muli %arg1, %mul3A_23 : i32
    "tpu.region"() ({
      %run_scoped3A = tpu.sem_alloc : memref<!tpu.dma_semaphore, #tpu.memory_space<semaphore_mem>>
      %dma_start3A = arith.constant 0 : i32
      %dma_start3A_30 = tpu.memref_slice %arg5[%arg0, %mul3A_24, %dma_start3A] : memref<2x10000x128xf32, #tpu.memory_space<hbm>> -> memref<1x624x128xf32, #tpu.memory_space<hbm>>
      %dma_start3A_31 = tpu.memref_squeeze %dma_start3A_30 : memref<1x624x128xf32, #tpu.memory_space<hbm>> -> memref<624x128xf32, #tpu.memory_space<hbm>>
      %dma_start3A_32 = arith.constant 0 : i32
      %dma_start3A_33 = tpu.memref_slice %arg8[%mul3A_24, %dma_start3A_32] : memref<10000x128xf32, #tpu.memory_space<vmem_shared>> -> memref<624x128xf32, #tpu.memory_space<vmem_shared>>
      tpu.enqueue_dma source(%dma_start3A_33 : memref<624x128xf32, #tpu.memory_space<vmem_shared>>) target(%dma_start3A_31 : memref<624x128xf32, #tpu.memory_space<hbm>>) target_semaphore(%run_scoped3A : memref<!tpu.dma_semaphore, #tpu.memory_space<semaphore_mem>>)
      %dma_wait3A = arith.constant 0 : i32
      %dma_wait3A_34 = tpu.memref_slice %arg5[%arg0, %mul3A_24, %dma_wait3A] : memref<2x10000x128xf32, #tpu.memory_space<hbm>> -> memref<1x624x128xf32, #tpu.memory_space<hbm>>
      %dma_wait3A_35 = tpu.memref_squeeze %dma_wait3A_34 : memref<1x624x128xf32, #tpu.memory_space<hbm>> -> memref<624x128xf32, #tpu.memory_space<hbm>>
      %dma_wait3A_36 = arith.constant 0 : i32
      %dma_wait3A_37 = tpu.memref_slice %arg8[%mul3A_24, %dma_wait3A_36] : memref<10000x128xf32, #tpu.memory_space<vmem_shared>> -> memref<624x128xf32, #tpu.memory_space<vmem_shared>>
      tpu.wait_dma2 semaphore(%run_scoped3A : memref<!tpu.dma_semaphore, #tpu.memory_space<semaphore_mem>>) src(%dma_wait3A_37 : memref<624x128xf32, #tpu.memory_space<vmem_shared>>) dst(%dma_wait3A_35 : memref<624x128xf32, #tpu.memory_space<hbm>>)
      tpu.yield
    }) : () -> ()
    %eq3A_25 = arith.constant 0 : i32
    %eq3A_26 = arith.cmpi eq, %arg1, %eq3A_25 : i32
    %convert_element_type3A_27 = arith.extui %eq3A_26 : i1 to i32
    %cond3A_28 = arith.constant 0 : i32
    %cond3A_29 = arith.cmpi ne, %convert_element_type3A_27, %cond3A_28 : i32
    scf.if %cond3A_29 {
      "tpu.region"() ({
        %run_scoped3A = tpu.sem_alloc : memref<!tpu.dma_semaphore, #tpu.memory_space<semaphore_mem>>
        %dma_start3A = arith.constant 9984 : i32
        %dma_start3A_30 = arith.constant 0 : i32
        %dma_start3A_31 = tpu.memref_slice %arg5[%arg0, %dma_start3A, %dma_start3A_30] : memref<2x10000x128xf32, #tpu.memory_space<hbm>> -> memref<1x16x128xf32, #tpu.memory_space<hbm>>
        %dma_start3A_32 = tpu.memref_squeeze %dma_start3A_31 : memref<1x16x128xf32, #tpu.memory_space<hbm>> -> memref<16x128xf32, #tpu.memory_space<hbm>>
        %dma_start3A_33 = arith.constant 9984 : i32
        %dma_start3A_34 = arith.constant 0 : i32
        %dma_start3A_35 = tpu.memref_slice %arg8[%dma_start3A_33, %dma_start3A_34] : memref<10000x128xf32, #tpu.memory_space<vmem_shared>> -> memref<16x128xf32, #tpu.memory_space<vmem_shared>>
        tpu.enqueue_dma source(%dma_start3A_35 : memref<16x128xf32, #tpu.memory_space<vmem_shared>>) target(%dma_start3A_32 : memref<16x128xf32, #tpu.memory_space<hbm>>) target_semaphore(%run_scoped3A : memref<!tpu.dma_semaphore, #tpu.memory_space<semaphore_mem>>)
        %dma_wait3A = arith.constant 9984 : i32
        %dma_wait3A_36 = arith.constant 0 : i32
        %dma_wait3A_37 = tpu.memref_slice %arg5[%arg0, %dma_wait3A, %dma_wait3A_36] : memref<2x10000x128xf32, #tpu.memory_space<hbm>> -> memref<1x16x128xf32, #tpu.memory_space<hbm>>
        %dma_wait3A_38 = tpu.memref_squeeze %dma_wait3A_37 : memref<1x16x128xf32, #tpu.memory_space<hbm>> -> memref<16x128xf32, #tpu.memory_space<hbm>>
        %dma_wait3A_39 = arith.constant 9984 : i32
        %dma_wait3A_40 = arith.constant 0 : i32
        %dma_wait3A_41 = tpu.memref_slice %arg8[%dma_wait3A_39, %dma_wait3A_40] : memref<10000x128xf32, #tpu.memory_space<vmem_shared>> -> memref<16x128xf32, #tpu.memory_space<vmem_shared>>
        tpu.wait_dma2 semaphore(%run_scoped3A : memref<!tpu.dma_semaphore, #tpu.memory_space<semaphore_mem>>) src(%dma_wait3A_41 : memref<16x128xf32, #tpu.memory_space<vmem_shared>>) dst(%dma_wait3A_38 : memref<16x128xf32, #tpu.memory_space<hbm>>)
        tpu.yield
      }) : () -> ()
    } else {
    }
    return
  }
}

#map = affine_map<(d0, d1) -> (0, 0)>
#map1 = affine_map<(d0, d1) -> (0, 0, 0)>
module attributes {stable_mosaic.version = 14 : i64} {
  func.func @agg_kernel(%arg0: i32, %arg1: i32, %arg2: memref<10000x128xf32, #tpu.memory_space<hbm>>, %arg3: memref<32x125x80xi32, #tpu.memory_space<hbm>>, %arg4: memref<208x128xf32, #tpu.memory_space<hbm>>, %arg5: memref<2x10000x128xf32, #tpu.memory_space<hbm>>, %arg6: memref<125x80xi32, #tpu.memory_space<vmem>>, %arg7: memref<2x80xi32, #tpu.memory_space<vmem>>, %arg8: memref<2x80xi32, #tpu.memory_space<vmem>>, %arg9: memref<2x80x128xf32, #tpu.memory_space<vmem>>, %arg10: memref<10000x128xf32, #tpu.memory_space<vmem_shared>>, %arg11: memref<!tpu.dma_semaphore, #tpu.memory_space<semaphore_mem>>) attributes {dimension_semantics = [#tpu.dimension_semantics<core_parallel>, #tpu.dimension_semantics<subcore_parallel>], iteration_bounds = array<i64: 2, 16>, scalar_prefetch = 0 : i64, scratch_operands = 6 : i64, tpu.core_type = #tpu.core_type<sc_vector_subcore>, window_params = [{transform_indices = #map}, {transform_indices = #map1}, {transform_indices = #map}, {transform_indices = #map1}]} {
    %mul3A = arith.constant 2 : i32
    %mul3A_0 = arith.muli %arg1, %mul3A : i32
    %add3A = arith.addi %mul3A_0, %arg0 : i32
    %mul3A_1 = arith.constant 624 : i32
    %mul3A_2 = arith.muli %arg1, %mul3A_1 : i32
    %eq3A = arith.constant 0 : i32
    %eq3A_3 = arith.cmpi eq, %arg0, %eq3A : i32
    %convert_element_type3A = arith.extui %eq3A_3 : i1 to i32
    %cond3A = arith.constant 0 : i32
    %cond3A_4 = arith.cmpi ne, %convert_element_type3A, %cond3A : i32
    scf.if %cond3A_4 {
      %add3A_157 = arith.constant 0 : i32
      %add3A_158 = arith.addi %mul3A_2, %add3A_157 : i32
      "tpu.region"() ({
        %run_scoped3A_168 = tpu.sem_alloc : memref<!tpu.dma_semaphore, #tpu.memory_space<semaphore_mem>>
        %dma_start3A_169 = arith.constant 0 : i32
        %dma_start3A_170 = tpu.memref_slice %arg10[%add3A_158, %dma_start3A_169] : memref<10000x128xf32, #tpu.memory_space<vmem_shared>> -> memref<208x128xf32, #tpu.memory_space<vmem_shared>>
        %dma_start3A_171 = arith.constant 0 : i32
        %dma_start3A_172 = tpu.memref_slice %arg2[%add3A_158, %dma_start3A_171] : memref<10000x128xf32, #tpu.memory_space<hbm>> -> memref<208x128xf32, #tpu.memory_space<hbm>>
        tpu.enqueue_dma source(%dma_start3A_172 : memref<208x128xf32, #tpu.memory_space<hbm>>) target(%dma_start3A_170 : memref<208x128xf32, #tpu.memory_space<vmem_shared>>) target_semaphore(%run_scoped3A_168 : memref<!tpu.dma_semaphore, #tpu.memory_space<semaphore_mem>>)
        %dma_wait3A_173 = arith.constant 0 : i32
        %dma_wait3A_174 = tpu.memref_slice %arg10[%add3A_158, %dma_wait3A_173] : memref<10000x128xf32, #tpu.memory_space<vmem_shared>> -> memref<208x128xf32, #tpu.memory_space<vmem_shared>>
        %dma_wait3A_175 = arith.constant 0 : i32
        %dma_wait3A_176 = tpu.memref_slice %arg2[%add3A_158, %dma_wait3A_175] : memref<10000x128xf32, #tpu.memory_space<hbm>> -> memref<208x128xf32, #tpu.memory_space<hbm>>
        tpu.wait_dma2 semaphore(%run_scoped3A_168 : memref<!tpu.dma_semaphore, #tpu.memory_space<semaphore_mem>>) src(%dma_wait3A_176 : memref<208x128xf32, #tpu.memory_space<hbm>>) dst(%dma_wait3A_174 : memref<208x128xf32, #tpu.memory_space<vmem_shared>>)
        tpu.yield
      }) : () -> ()
      %add3A_159 = arith.constant 208 : i32
      %add3A_160 = arith.addi %mul3A_2, %add3A_159 : i32
      "tpu.region"() ({
        %run_scoped3A_168 = tpu.sem_alloc : memref<!tpu.dma_semaphore, #tpu.memory_space<semaphore_mem>>
        %dma_start3A_169 = arith.constant 0 : i32
        %dma_start3A_170 = tpu.memref_slice %arg10[%add3A_160, %dma_start3A_169] : memref<10000x128xf32, #tpu.memory_space<vmem_shared>> -> memref<208x128xf32, #tpu.memory_space<vmem_shared>>
        %dma_start3A_171 = arith.constant 0 : i32
        %dma_start3A_172 = tpu.memref_slice %arg2[%add3A_160, %dma_start3A_171] : memref<10000x128xf32, #tpu.memory_space<hbm>> -> memref<208x128xf32, #tpu.memory_space<hbm>>
        tpu.enqueue_dma source(%dma_start3A_172 : memref<208x128xf32, #tpu.memory_space<hbm>>) target(%dma_start3A_170 : memref<208x128xf32, #tpu.memory_space<vmem_shared>>) target_semaphore(%run_scoped3A_168 : memref<!tpu.dma_semaphore, #tpu.memory_space<semaphore_mem>>)
        %dma_wait3A_173 = arith.constant 0 : i32
        %dma_wait3A_174 = tpu.memref_slice %arg10[%add3A_160, %dma_wait3A_173] : memref<10000x128xf32, #tpu.memory_space<vmem_shared>> -> memref<208x128xf32, #tpu.memory_space<vmem_shared>>
        %dma_wait3A_175 = arith.constant 0 : i32
        %dma_wait3A_176 = tpu.memref_slice %arg2[%add3A_160, %dma_wait3A_175] : memref<10000x128xf32, #tpu.memory_space<hbm>> -> memref<208x128xf32, #tpu.memory_space<hbm>>
        tpu.wait_dma2 semaphore(%run_scoped3A_168 : memref<!tpu.dma_semaphore, #tpu.memory_space<semaphore_mem>>) src(%dma_wait3A_176 : memref<208x128xf32, #tpu.memory_space<hbm>>) dst(%dma_wait3A_174 : memref<208x128xf32, #tpu.memory_space<vmem_shared>>)
        tpu.yield
      }) : () -> ()
      %add3A_161 = arith.constant 416 : i32
      %add3A_162 = arith.addi %mul3A_2, %add3A_161 : i32
      "tpu.region"() ({
        %run_scoped3A_168 = tpu.sem_alloc : memref<!tpu.dma_semaphore, #tpu.memory_space<semaphore_mem>>
        %dma_start3A_169 = arith.constant 0 : i32
        %dma_start3A_170 = tpu.memref_slice %arg10[%add3A_162, %dma_start3A_169] : memref<10000x128xf32, #tpu.memory_space<vmem_shared>> -> memref<208x128xf32, #tpu.memory_space<vmem_shared>>
        %dma_start3A_171 = arith.constant 0 : i32
        %dma_start3A_172 = tpu.memref_slice %arg2[%add3A_162, %dma_start3A_171] : memref<10000x128xf32, #tpu.memory_space<hbm>> -> memref<208x128xf32, #tpu.memory_space<hbm>>
        tpu.enqueue_dma source(%dma_start3A_172 : memref<208x128xf32, #tpu.memory_space<hbm>>) target(%dma_start3A_170 : memref<208x128xf32, #tpu.memory_space<vmem_shared>>) target_semaphore(%run_scoped3A_168 : memref<!tpu.dma_semaphore, #tpu.memory_space<semaphore_mem>>)
        %dma_wait3A_173 = arith.constant 0 : i32
        %dma_wait3A_174 = tpu.memref_slice %arg10[%add3A_162, %dma_wait3A_173] : memref<10000x128xf32, #tpu.memory_space<vmem_shared>> -> memref<208x128xf32, #tpu.memory_space<vmem_shared>>
        %dma_wait3A_175 = arith.constant 0 : i32
        %dma_wait3A_176 = tpu.memref_slice %arg2[%add3A_162, %dma_wait3A_175] : memref<10000x128xf32, #tpu.memory_space<hbm>> -> memref<208x128xf32, #tpu.memory_space<hbm>>
        tpu.wait_dma2 semaphore(%run_scoped3A_168 : memref<!tpu.dma_semaphore, #tpu.memory_space<semaphore_mem>>) src(%dma_wait3A_176 : memref<208x128xf32, #tpu.memory_space<hbm>>) dst(%dma_wait3A_174 : memref<208x128xf32, #tpu.memory_space<vmem_shared>>)
        tpu.yield
      }) : () -> ()
      %eq3A_163 = arith.constant 0 : i32
      %eq3A_164 = arith.cmpi eq, %arg1, %eq3A_163 : i32
      %convert_element_type3A_165 = arith.extui %eq3A_164 : i1 to i32
      %cond3A_166 = arith.constant 0 : i32
      %cond3A_167 = arith.cmpi ne, %convert_element_type3A_165, %cond3A_166 : i32
      scf.if %cond3A_167 {
        "tpu.region"() ({
          %run_scoped3A_168 = tpu.sem_alloc : memref<!tpu.dma_semaphore, #tpu.memory_space<semaphore_mem>>
          %dma_start3A_169 = arith.constant 9984 : i32
          %dma_start3A_170 = arith.constant 0 : i32
          %dma_start3A_171 = tpu.memref_slice %arg10[%dma_start3A_169, %dma_start3A_170] : memref<10000x128xf32, #tpu.memory_space<vmem_shared>> -> memref<16x128xf32, #tpu.memory_space<vmem_shared>>
          %dma_start3A_172 = arith.constant 9984 : i32
          %dma_start3A_173 = arith.constant 0 : i32
          %dma_start3A_174 = tpu.memref_slice %arg2[%dma_start3A_172, %dma_start3A_173] : memref<10000x128xf32, #tpu.memory_space<hbm>> -> memref<16x128xf32, #tpu.memory_space<hbm>>
          tpu.enqueue_dma source(%dma_start3A_174 : memref<16x128xf32, #tpu.memory_space<hbm>>) target(%dma_start3A_171 : memref<16x128xf32, #tpu.memory_space<vmem_shared>>) target_semaphore(%run_scoped3A_168 : memref<!tpu.dma_semaphore, #tpu.memory_space<semaphore_mem>>)
          %dma_wait3A_175 = arith.constant 9984 : i32
          %dma_wait3A_176 = arith.constant 0 : i32
          %dma_wait3A_177 = tpu.memref_slice %arg10[%dma_wait3A_175, %dma_wait3A_176] : memref<10000x128xf32, #tpu.memory_space<vmem_shared>> -> memref<16x128xf32, #tpu.memory_space<vmem_shared>>
          %dma_wait3A_178 = arith.constant 9984 : i32
          %dma_wait3A_179 = arith.constant 0 : i32
          %dma_wait3A_180 = tpu.memref_slice %arg2[%dma_wait3A_178, %dma_wait3A_179] : memref<10000x128xf32, #tpu.memory_space<hbm>> -> memref<16x128xf32, #tpu.memory_space<hbm>>
          tpu.wait_dma2 semaphore(%run_scoped3A_168 : memref<!tpu.dma_semaphore, #tpu.memory_space<semaphore_mem>>) src(%dma_wait3A_180 : memref<16x128xf32, #tpu.memory_space<hbm>>) dst(%dma_wait3A_177 : memref<16x128xf32, #tpu.memory_space<vmem_shared>>)
          tpu.yield
        }) : () -> ()
      } else {
      }
    } else {
    }
    %eq3A_5 = arith.constant 1 : i32
    %eq3A_6 = arith.cmpi eq, %arg0, %eq3A_5 : i32
    %convert_element_type3A_7 = arith.extui %eq3A_6 : i1 to i32
    %cond3A_8 = arith.constant 0 : i32
    %cond3A_9 = arith.cmpi ne, %convert_element_type3A_7, %cond3A_8 : i32
    scf.if %cond3A_9 {
      %mul3A_157 = arith.constant 624 : i32
      %mul3A_158 = arith.muli %arg1, %mul3A_157 : i32
      %add3A_159 = arith.constant 0 : i32
      %add3A_160 = arith.addi %mul3A_158, %add3A_159 : i32
      "tpu.region"() ({
        %run_scoped3A_170 = tpu.sem_alloc : memref<!tpu.dma_semaphore, #tpu.memory_space<semaphore_mem>>
        %dma_start3A_171 = arith.constant 0 : i32
        %dma_start3A_172 = tpu.memref_slice %arg10[%add3A_160, %dma_start3A_171] : memref<10000x128xf32, #tpu.memory_space<vmem_shared>> -> memref<208x128xf32, #tpu.memory_space<vmem_shared>>
        tpu.enqueue_dma source(%arg4 : memref<208x128xf32, #tpu.memory_space<hbm>>) target(%dma_start3A_172 : memref<208x128xf32, #tpu.memory_space<vmem_shared>>) target_semaphore(%run_scoped3A_170 : memref<!tpu.dma_semaphore, #tpu.memory_space<semaphore_mem>>)
        %dma_wait3A_173 = arith.constant 0 : i32
        %dma_wait3A_174 = tpu.memref_slice %arg10[%add3A_160, %dma_wait3A_173] : memref<10000x128xf32, #tpu.memory_space<vmem_shared>> -> memref<208x128xf32, #tpu.memory_space<vmem_shared>>
        tpu.wait_dma2 semaphore(%run_scoped3A_170 : memref<!tpu.dma_semaphore, #tpu.memory_space<semaphore_mem>>) src(%arg4 : memref<208x128xf32, #tpu.memory_space<hbm>>) dst(%dma_wait3A_174 : memref<208x128xf32, #tpu.memory_space<vmem_shared>>)
        tpu.yield
      }) : () -> ()
      %add3A_161 = arith.constant 208 : i32
      %add3A_162 = arith.addi %mul3A_158, %add3A_161 : i32
      "tpu.region"() ({
        %run_scoped3A_170 = tpu.sem_alloc : memref<!tpu.dma_semaphore, #tpu.memory_space<semaphore_mem>>
        %dma_start3A_171 = arith.constant 0 : i32
        %dma_start3A_172 = tpu.memref_slice %arg10[%add3A_162, %dma_start3A_171] : memref<10000x128xf32, #tpu.memory_space<vmem_shared>> -> memref<208x128xf32, #tpu.memory_space<vmem_shared>>
        tpu.enqueue_dma source(%arg4 : memref<208x128xf32, #tpu.memory_space<hbm>>) target(%dma_start3A_172 : memref<208x128xf32, #tpu.memory_space<vmem_shared>>) target_semaphore(%run_scoped3A_170 : memref<!tpu.dma_semaphore, #tpu.memory_space<semaphore_mem>>)
        %dma_wait3A_173 = arith.constant 0 : i32
        %dma_wait3A_174 = tpu.memref_slice %arg10[%add3A_162, %dma_wait3A_173] : memref<10000x128xf32, #tpu.memory_space<vmem_shared>> -> memref<208x128xf32, #tpu.memory_space<vmem_shared>>
        tpu.wait_dma2 semaphore(%run_scoped3A_170 : memref<!tpu.dma_semaphore, #tpu.memory_space<semaphore_mem>>) src(%arg4 : memref<208x128xf32, #tpu.memory_space<hbm>>) dst(%dma_wait3A_174 : memref<208x128xf32, #tpu.memory_space<vmem_shared>>)
        tpu.yield
      }) : () -> ()
      %add3A_163 = arith.constant 416 : i32
      %add3A_164 = arith.addi %mul3A_158, %add3A_163 : i32
      "tpu.region"() ({
        %run_scoped3A_170 = tpu.sem_alloc : memref<!tpu.dma_semaphore, #tpu.memory_space<semaphore_mem>>
        %dma_start3A_171 = arith.constant 0 : i32
        %dma_start3A_172 = tpu.memref_slice %arg10[%add3A_164, %dma_start3A_171] : memref<10000x128xf32, #tpu.memory_space<vmem_shared>> -> memref<208x128xf32, #tpu.memory_space<vmem_shared>>
        tpu.enqueue_dma source(%arg4 : memref<208x128xf32, #tpu.memory_space<hbm>>) target(%dma_start3A_172 : memref<208x128xf32, #tpu.memory_space<vmem_shared>>) target_semaphore(%run_scoped3A_170 : memref<!tpu.dma_semaphore, #tpu.memory_space<semaphore_mem>>)
        %dma_wait3A_173 = arith.constant 0 : i32
        %dma_wait3A_174 = tpu.memref_slice %arg10[%add3A_164, %dma_wait3A_173] : memref<10000x128xf32, #tpu.memory_space<vmem_shared>> -> memref<208x128xf32, #tpu.memory_space<vmem_shared>>
        tpu.wait_dma2 semaphore(%run_scoped3A_170 : memref<!tpu.dma_semaphore, #tpu.memory_space<semaphore_mem>>) src(%arg4 : memref<208x128xf32, #tpu.memory_space<hbm>>) dst(%dma_wait3A_174 : memref<208x128xf32, #tpu.memory_space<vmem_shared>>)
        tpu.yield
      }) : () -> ()
      %eq3A_165 = arith.constant 0 : i32
      %eq3A_166 = arith.cmpi eq, %arg1, %eq3A_165 : i32
      %convert_element_type3A_167 = arith.extui %eq3A_166 : i1 to i32
      %cond3A_168 = arith.constant 0 : i32
      %cond3A_169 = arith.cmpi ne, %convert_element_type3A_167, %cond3A_168 : i32
      scf.if %cond3A_169 {
        "tpu.region"() ({
          %run_scoped3A_170 = tpu.sem_alloc : memref<!tpu.dma_semaphore, #tpu.memory_space<semaphore_mem>>
          %dma_start3A_171 = arith.constant 9984 : i32
          %dma_start3A_172 = arith.constant 0 : i32
          %dma_start3A_173 = tpu.memref_slice %arg10[%dma_start3A_171, %dma_start3A_172] : memref<10000x128xf32, #tpu.memory_space<vmem_shared>> -> memref<16x128xf32, #tpu.memory_space<vmem_shared>>
          %dma_start3A_174 = arith.constant 0 : i32
          %dma_start3A_175 = arith.constant 0 : i32
          %dma_start3A_176 = tpu.memref_slice %arg4[%dma_start3A_174, %dma_start3A_175] : memref<208x128xf32, #tpu.memory_space<hbm>> -> memref<16x128xf32, #tpu.memory_space<hbm>>
          tpu.enqueue_dma source(%dma_start3A_176 : memref<16x128xf32, #tpu.memory_space<hbm>>) target(%dma_start3A_173 : memref<16x128xf32, #tpu.memory_space<vmem_shared>>) target_semaphore(%run_scoped3A_170 : memref<!tpu.dma_semaphore, #tpu.memory_space<semaphore_mem>>)
          %dma_wait3A_177 = arith.constant 9984 : i32
          %dma_wait3A_178 = arith.constant 0 : i32
          %dma_wait3A_179 = tpu.memref_slice %arg10[%dma_wait3A_177, %dma_wait3A_178] : memref<10000x128xf32, #tpu.memory_space<vmem_shared>> -> memref<16x128xf32, #tpu.memory_space<vmem_shared>>
          %dma_wait3A_180 = arith.constant 0 : i32
          %dma_wait3A_181 = arith.constant 0 : i32
          %dma_wait3A_182 = tpu.memref_slice %arg4[%dma_wait3A_180, %dma_wait3A_181] : memref<208x128xf32, #tpu.memory_space<hbm>> -> memref<16x128xf32, #tpu.memory_space<hbm>>
          tpu.wait_dma2 semaphore(%run_scoped3A_170 : memref<!tpu.dma_semaphore, #tpu.memory_space<semaphore_mem>>) src(%dma_wait3A_182 : memref<16x128xf32, #tpu.memory_space<hbm>>) dst(%dma_wait3A_179 : memref<16x128xf32, #tpu.memory_space<vmem_shared>>)
          tpu.yield
        }) : () -> ()
      } else {
      }
    } else {
    }
    "tpu.region"() ({
      %run_scoped3A_157 = tpu.sem_alloc : memref<!tpu.dma_semaphore, #tpu.memory_space<semaphore_mem>>
      %dma_start3A_158 = arith.constant 0 : i32
      %dma_start3A_159 = arith.constant 0 : i32
      %dma_start3A_160 = tpu.memref_slice %arg3[%add3A, %dma_start3A_158, %dma_start3A_159] : memref<32x125x80xi32, #tpu.memory_space<hbm>> -> memref<1x125x80xi32, #tpu.memory_space<hbm>>
      %dma_start3A_161 = tpu.memref_squeeze %dma_start3A_160 : memref<1x125x80xi32, #tpu.memory_space<hbm>> -> memref<125x80xi32, #tpu.memory_space<hbm>>
      %dma_start3A_162 = arith.constant 0 : i32
      %dma_start3A_163 = arith.constant 0 : i32
      %dma_start3A_164 = tpu.memref_slice %arg3[%add3A, %dma_start3A_162, %dma_start3A_163] : memref<32x125x80xi32, #tpu.memory_space<hbm>> -> memref<1x125x80xi32, #tpu.memory_space<hbm>>
      %dma_start3A_165 = tpu.memref_squeeze %dma_start3A_164 : memref<1x125x80xi32, #tpu.memory_space<hbm>> -> memref<125x80xi32, #tpu.memory_space<hbm>>
      tpu.enqueue_dma source(%dma_start3A_165 : memref<125x80xi32, #tpu.memory_space<hbm>>) target(%arg6 : memref<125x80xi32, #tpu.memory_space<vmem>>) target_semaphore(%run_scoped3A_157 : memref<!tpu.dma_semaphore, #tpu.memory_space<semaphore_mem>>)
      %dma_wait3A_166 = arith.constant 0 : i32
      %dma_wait3A_167 = arith.constant 0 : i32
      %dma_wait3A_168 = tpu.memref_slice %arg3[%add3A, %dma_wait3A_166, %dma_wait3A_167] : memref<32x125x80xi32, #tpu.memory_space<hbm>> -> memref<1x125x80xi32, #tpu.memory_space<hbm>>
      %dma_wait3A_169 = tpu.memref_squeeze %dma_wait3A_168 : memref<1x125x80xi32, #tpu.memory_space<hbm>> -> memref<125x80xi32, #tpu.memory_space<hbm>>
      %dma_wait3A_170 = arith.constant 0 : i32
      %dma_wait3A_171 = arith.constant 0 : i32
      %dma_wait3A_172 = tpu.memref_slice %arg3[%add3A, %dma_wait3A_170, %dma_wait3A_171] : memref<32x125x80xi32, #tpu.memory_space<hbm>> -> memref<1x125x80xi32, #tpu.memory_space<hbm>>
      %dma_wait3A_173 = tpu.memref_squeeze %dma_wait3A_172 : memref<1x125x80xi32, #tpu.memory_space<hbm>> -> memref<125x80xi32, #tpu.memory_space<hbm>>
      tpu.wait_dma2 semaphore(%run_scoped3A_157 : memref<!tpu.dma_semaphore, #tpu.memory_space<semaphore_mem>>) src(%dma_wait3A_173 : memref<125x80xi32, #tpu.memory_space<hbm>>) dst(%arg6 : memref<125x80xi32, #tpu.memory_space<vmem>>)
      tpu.yield
    }) : () -> ()
    %barrier3A = arith.constant 0 : index
    tpu.barrier barrier_id(%barrier3A)
    %get3A = arith.constant 0 : i32
    %get3A_10 = arith.index_cast %get3A : i32 to index
    %get3A_11 = arith.constant 0 : index
    %get3A_12 = tpu.vector_load %arg6[%get3A_10, %get3A_11] {strides = array<i32>} : memref<125x80xi32, #tpu.memory_space<vmem>>, vector<1x16xi32>,
    %get3A_13 = vector.shape_cast %get3A_12 : vector<1x16xi32> to vector<16xi32>
    %and3A = arith.constant 65535 : i32
    %and3A_14 = vector.broadcast %and3A : i32 to vector<16xi32>
    %and3A_15 = arith.andi %get3A_13, %and3A_14 : vector<16xi32>
    %swap3A = arith.constant 0 : i32
    %swap3A_16 = arith.index_cast %swap3A : i32 to index
    %swap3A_17 = arith.constant 0 : index
    %swap3A_18 = tpu.vector_load %arg7[%swap3A_16, %swap3A_17] {strides = array<i32>} : memref<2x80xi32, #tpu.memory_space<vmem>>, vector<1x16xi32>,
    %swap3A_19 = vector.shape_cast %swap3A_18 : vector<1x16xi32> to vector<16xi32>
    %swap3A_20 = vector.shape_cast %and3A_15 : vector<16xi32> to vector<1x16xi32>
    tpu.vector_store %arg7[%swap3A_16, %swap3A_17], %swap3A_20 {strides = array<i32>} : memref<2x80xi32, #tpu.memory_space<vmem>>, vector<1x16xi32>,
    %shift_right_arithmetic3A = arith.constant 16 : i32
    %shift_right_arithmetic3A_21 = vector.broadcast %shift_right_arithmetic3A : i32 to vector<16xi32>
    %shift_right_arithmetic3A_22 = arith.shrsi %get3A_13, %shift_right_arithmetic3A_21 : vector<16xi32>
    %swap3A_23 = arith.constant 0 : i32
    %swap3A_24 = arith.index_cast %swap3A_23 : i32 to index
    %swap3A_25 = arith.constant 0 : index
    %swap3A_26 = tpu.vector_load %arg8[%swap3A_24, %swap3A_25] {strides = array<i32>} : memref<2x80xi32, #tpu.memory_space<vmem>>, vector<1x16xi32>,
    %swap3A_27 = vector.shape_cast %swap3A_26 : vector<1x16xi32> to vector<16xi32>
    %swap3A_28 = vector.shape_cast %shift_right_arithmetic3A_22 : vector<16xi32> to vector<1x16xi32>
    tpu.vector_store %arg8[%swap3A_24, %swap3A_25], %swap3A_28 {strides = array<i32>} : memref<2x80xi32, #tpu.memory_space<vmem>>, vector<1x16xi32>,
    %get3A_29 = arith.constant 0 : i32
    %get3A_30 = arith.index_cast %get3A_29 : i32 to index
    %get3A_31 = arith.constant 16 : index
    %get3A_32 = tpu.vector_load %arg6[%get3A_30, %get3A_31] {strides = array<i32>} : memref<125x80xi32, #tpu.memory_space<vmem>>, vector<1x16xi32>,
    %get3A_33 = vector.shape_cast %get3A_32 : vector<1x16xi32> to vector<16xi32>
    %and3A_34 = arith.constant 65535 : i32
    %and3A_35 = vector.broadcast %and3A_34 : i32 to vector<16xi32>
    %and3A_36 = arith.andi %get3A_33, %and3A_35 : vector<16xi32>
    %swap3A_37 = arith.constant 0 : i32
    %swap3A_38 = arith.index_cast %swap3A_37 : i32 to index
    %swap3A_39 = arith.constant 16 : index
    %swap3A_40 = tpu.vector_load %arg7[%swap3A_38, %swap3A_39] {strides = array<i32>} : memref<2x80xi32, #tpu.memory_space<vmem>>, vector<1x16xi32>,
    %swap3A_41 = vector.shape_cast %swap3A_40 : vector<1x16xi32> to vector<16xi32>
    %swap3A_42 = vector.shape_cast %and3A_36 : vector<16xi32> to vector<1x16xi32>
    tpu.vector_store %arg7[%swap3A_38, %swap3A_39], %swap3A_42 {strides = array<i32>} : memref<2x80xi32, #tpu.memory_space<vmem>>, vector<1x16xi32>,
    %shift_right_arithmetic3A_43 = arith.constant 16 : i32
    %shift_right_arithmetic3A_44 = vector.broadcast %shift_right_arithmetic3A_43 : i32 to vector<16xi32>
    %shift_right_arithmetic3A_45 = arith.shrsi %get3A_33, %shift_right_arithmetic3A_44 : vector<16xi32>
    %swap3A_46 = arith.constant 0 : i32
    %swap3A_47 = arith.index_cast %swap3A_46 : i32 to index
    %swap3A_48 = arith.constant 16 : index
    %swap3A_49 = tpu.vector_load %arg8[%swap3A_47, %swap3A_48] {strides = array<i32>} : memref<2x80xi32, #tpu.memory_space<vmem>>, vector<1x16xi32>,
    %swap3A_50 = vector.shape_cast %swap3A_49 : vector<1x16xi32> to vector<16xi32>
    %swap3A_51 = vector.shape_cast %shift_right_arithmetic3A_45 : vector<16xi32> to vector<1x16xi32>
    tpu.vector_store %arg8[%swap3A_47, %swap3A_48], %swap3A_51 {strides = array<i32>} : memref<2x80xi32, #tpu.memory_space<vmem>>, vector<1x16xi32>,
    %get3A_52 = arith.constant 0 : i32
    %get3A_53 = arith.index_cast %get3A_52 : i32 to index
    %get3A_54 = arith.constant 32 : index
    %get3A_55 = tpu.vector_load %arg6[%get3A_53, %get3A_54] {strides = array<i32>} : memref<125x80xi32, #tpu.memory_space<vmem>>, vector<1x16xi32>,
    %get3A_56 = vector.shape_cast %get3A_55 : vector<1x16xi32> to vector<16xi32>
    %and3A_57 = arith.constant 65535 : i32
    %and3A_58 = vector.broadcast %and3A_57 : i32 to vector<16xi32>
    %and3A_59 = arith.andi %get3A_56, %and3A_58 : vector<16xi32>
    %swap3A_60 = arith.constant 0 : i32
    %swap3A_61 = arith.index_cast %swap3A_60 : i32 to index
    %swap3A_62 = arith.constant 32 : index
    %swap3A_63 = tpu.vector_load %arg7[%swap3A_61, %swap3A_62] {strides = array<i32>} : memref<2x80xi32, #tpu.memory_space<vmem>>, vector<1x16xi32>,
    %swap3A_64 = vector.shape_cast %swap3A_63 : vector<1x16xi32> to vector<16xi32>
    %swap3A_65 = vector.shape_cast %and3A_59 : vector<16xi32> to vector<1x16xi32>
    tpu.vector_store %arg7[%swap3A_61, %swap3A_62], %swap3A_65 {strides = array<i32>} : memref<2x80xi32, #tpu.memory_space<vmem>>, vector<1x16xi32>,
    %shift_right_arithmetic3A_66 = arith.constant 16 : i32
    %shift_right_arithmetic3A_67 = vector.broadcast %shift_right_arithmetic3A_66 : i32 to vector<16xi32>
    %shift_right_arithmetic3A_68 = arith.shrsi %get3A_56, %shift_right_arithmetic3A_67 : vector<16xi32>
    %swap3A_69 = arith.constant 0 : i32
    %swap3A_70 = arith.index_cast %swap3A_69 : i32 to index
    %swap3A_71 = arith.constant 32 : index
    %swap3A_72 = tpu.vector_load %arg8[%swap3A_70, %swap3A_71] {strides = array<i32>} : memref<2x80xi32, #tpu.memory_space<vmem>>, vector<1x16xi32>,
    %swap3A_73 = vector.shape_cast %swap3A_72 : vector<1x16xi32> to vector<16xi32>
    %swap3A_74 = vector.shape_cast %shift_right_arithmetic3A_68 : vector<16xi32> to vector<1x16xi32>
    tpu.vector_store %arg8[%swap3A_70, %swap3A_71], %swap3A_74 {strides = array<i32>} : memref<2x80xi32, #tpu.memory_space<vmem>>, vector<1x16xi32>,
    %get3A_75 = arith.constant 0 : i32
    %get3A_76 = arith.index_cast %get3A_75 : i32 to index
    %get3A_77 = arith.constant 48 : index
    %get3A_78 = tpu.vector_load %arg6[%get3A_76, %get3A_77] {strides = array<i32>} : memref<125x80xi32, #tpu.memory_space<vmem>>, vector<1x16xi32>,
    %get3A_79 = vector.shape_cast %get3A_78 : vector<1x16xi32> to vector<16xi32>
    %and3A_80 = arith.constant 65535 : i32
    %and3A_81 = vector.broadcast %and3A_80 : i32 to vector<16xi32>
    %and3A_82 = arith.andi %get3A_79, %and3A_81 : vector<16xi32>
    %swap3A_83 = arith.constant 0 : i32
    %swap3A_84 = arith.index_cast %swap3A_83 : i32 to index
    %swap3A_85 = arith.constant 48 : index
    %swap3A_86 = tpu.vector_load %arg7[%swap3A_84, %swap3A_85] {strides = array<i32>} : memref<2x80xi32, #tpu.memory_space<vmem>>, vector<1x16xi32>,
    %swap3A_87 = vector.shape_cast %swap3A_86 : vector<1x16xi32> to vector<16xi32>
    %swap3A_88 = vector.shape_cast %and3A_82 : vector<16xi32> to vector<1x16xi32>
    tpu.vector_store %arg7[%swap3A_84, %swap3A_85], %swap3A_88 {strides = array<i32>} : memref<2x80xi32, #tpu.memory_space<vmem>>, vector<1x16xi32>,
    %shift_right_arithmetic3A_89 = arith.constant 16 : i32
    %shift_right_arithmetic3A_90 = vector.broadcast %shift_right_arithmetic3A_89 : i32 to vector<16xi32>
    %shift_right_arithmetic3A_91 = arith.shrsi %get3A_79, %shift_right_arithmetic3A_90 : vector<16xi32>
    %swap3A_92 = arith.constant 0 : i32
    %swap3A_93 = arith.index_cast %swap3A_92 : i32 to index
    %swap3A_94 = arith.constant 48 : index
    %swap3A_95 = tpu.vector_load %arg8[%swap3A_93, %swap3A_94] {strides = array<i32>} : memref<2x80xi32, #tpu.memory_space<vmem>>, vector<1x16xi32>,
    %swap3A_96 = vector.shape_cast %swap3A_95 : vector<1x16xi32> to vector<16xi32>
    %swap3A_97 = vector.shape_cast %shift_right_arithmetic3A_91 : vector<16xi32> to vector<1x16xi32>
    tpu.vector_store %arg8[%swap3A_93, %swap3A_94], %swap3A_97 {strides = array<i32>} : memref<2x80xi32, #tpu.memory_space<vmem>>, vector<1x16xi32>,
    %get3A_98 = arith.constant 0 : i32
    %get3A_99 = arith.index_cast %get3A_98 : i32 to index
    %get3A_100 = arith.constant 64 : index
    %get3A_101 = tpu.vector_load %arg6[%get3A_99, %get3A_100] {strides = array<i32>} : memref<125x80xi32, #tpu.memory_space<vmem>>, vector<1x16xi32>,
    %get3A_102 = vector.shape_cast %get3A_101 : vector<1x16xi32> to vector<16xi32>
    %and3A_103 = arith.constant 65535 : i32
    %and3A_104 = vector.broadcast %and3A_103 : i32 to vector<16xi32>
    %and3A_105 = arith.andi %get3A_102, %and3A_104 : vector<16xi32>
    %swap3A_106 = arith.constant 0 : i32
    %swap3A_107 = arith.index_cast %swap3A_106 : i32 to index
    %swap3A_108 = arith.constant 64 : index
    %swap3A_109 = tpu.vector_load %arg7[%swap3A_107, %swap3A_108] {strides = array<i32>} : memref<2x80xi32, #tpu.memory_space<vmem>>, vector<1x16xi32>,
    %swap3A_110 = vector.shape_cast %swap3A_109 : vector<1x16xi32> to vector<16xi32>
    %swap3A_111 = vector.shape_cast %and3A_105 : vector<16xi32> to vector<1x16xi32>
    tpu.vector_store %arg7[%swap3A_107, %swap3A_108], %swap3A_111 {strides = array<i32>} : memref<2x80xi32, #tpu.memory_space<vmem>>, vector<1x16xi32>,
    %shift_right_arithmetic3A_112 = arith.constant 16 : i32
    %shift_right_arithmetic3A_113 = vector.broadcast %shift_right_arithmetic3A_112 : i32 to vector<16xi32>
    %shift_right_arithmetic3A_114 = arith.shrsi %get3A_102, %shift_right_arithmetic3A_113 : vector<16xi32>
    %swap3A_115 = arith.constant 0 : i32
    %swap3A_116 = arith.index_cast %swap3A_115 : i32 to index
    %swap3A_117 = arith.constant 64 : index
    %swap3A_118 = tpu.vector_load %arg8[%swap3A_116, %swap3A_117] {strides = array<i32>} : memref<2x80xi32, #tpu.memory_space<vmem>>, vector<1x16xi32>,
    %swap3A_119 = vector.shape_cast %swap3A_118 : vector<1x16xi32> to vector<16xi32>
    %swap3A_120 = vector.shape_cast %shift_right_arithmetic3A_114 : vector<16xi32> to vector<1x16xi32>
    tpu.vector_store %arg8[%swap3A_116, %swap3A_117], %swap3A_120 {strides = array<i32>} : memref<2x80xi32, #tpu.memory_space<vmem>>, vector<1x16xi32>,
    %dma_start3A = arith.constant 0 : i32
    %dma_start3A_121 = arith.constant 0 : i32
    %dma_start3A_122 = arith.constant 0 : i32
    %dma_start3A_123 = arith.constant 0 : i32
    %dma_start3A_124 = tpu.memref_slice %arg9[%dma_start3A_121, %dma_start3A_122, %dma_start3A_123] : memref<2x80x128xf32, #tpu.memory_space<vmem>> -> memref<1x80x128xf32, #tpu.memory_space<vmem>>
    %dma_start3A_125 = tpu.memref_squeeze %dma_start3A_124 : memref<1x80x128xf32, #tpu.memory_space<vmem>> -> memref<80x128xf32, #tpu.memory_space<vmem>>
    %dma_start3A_126 = arith.constant 0 : i32
    %dma_start3A_127 = tpu.memref_slice %arg7[%dma_start3A, %dma_start3A_126] : memref<2x80xi32, #tpu.memory_space<vmem>> -> memref<1x80xi32, #tpu.memory_space<vmem>>
    %dma_start3A_128 = tpu.memref_squeeze %dma_start3A_127 : memref<1x80xi32, #tpu.memory_space<vmem>> -> memref<80xi32, #tpu.memory_space<vmem>>
    %dma_start3A_129 = arith.constant 0 : i32
    %dma_start3A_130 = arith.constant 0 : i32
    %dma_start3A_131 = tpu.memref_slice %arg2[%dma_start3A_129, %dma_start3A_130] : memref<10000x128xf32, #tpu.memory_space<hbm>> -> memref<10000x128xf32, #tpu.memory_space<hbm>>
    tpu.enqueue_indirect_dma source(%dma_start3A_131 : memref<10000x128xf32, #tpu.memory_space<hbm>>) target(%dma_start3A_125 : memref<80x128xf32, #tpu.memory_space<vmem>>) offsets(%dma_start3A_128 : memref<80xi32, #tpu.memory_space<vmem>>) semaphore(%arg11 : memref<!tpu.dma_semaphore, #tpu.memory_space<semaphore_mem>>)
    %scan3A = arith.constant 0 : i32
    %scan3A_132 = arith.constant 0 : i32
    %scan3A_133 = arith.constant 62 : i32
    %scan3A_134 = arith.addi %scan3A_132, %scan3A_133 : i32
    %scan3A_135 = arith.constant 1 : i32
    scf.for %scan3A_157 = %scan3A_132 to %scan3A_134 step %scan3A_135  : i32 {
      %mul3A_158 = arith.constant 2 : i32
      %mul3A_159 = arith.muli %mul3A_158, %scan3A_157 : i32
      %add3A_160 = arith.constant 1 : i32
      %add3A_161 = arith.addi %mul3A_159, %add3A_160 : i32
      %get3A_162 = arith.index_cast %add3A_161 : i32 to index
      %get3A_163 = arith.constant 0 : index
      %get3A_164 = tpu.vector_load %arg6[%get3A_162, %get3A_163] {strides = array<i32>} : memref<125x80xi32, #tpu.memory_space<vmem>>, vector<1x16xi32>,
      %get3A_165 = vector.shape_cast %get3A_164 : vector<1x16xi32> to vector<16xi32>
      %and3A_166 = arith.constant 65535 : i32
      %and3A_167 = vector.broadcast %and3A_166 : i32 to vector<16xi32>
      %and3A_168 = arith.andi %get3A_165, %and3A_167 : vector<16xi32>
      %swap3A_169 = arith.constant 1 : i32
      %swap3A_170 = arith.index_cast %swap3A_169 : i32 to index
      %swap3A_171 = arith.constant 0 : index
      %swap3A_172 = tpu.vector_load %arg7[%swap3A_170, %swap3A_171] {strides = array<i32>} : memref<2x80xi32, #tpu.memory_space<vmem>>, vector<1x16xi32>,
      %swap3A_173 = vector.shape_cast %swap3A_172 : vector<1x16xi32> to vector<16xi32>
      %swap3A_174 = vector.shape_cast %and3A_168 : vector<16xi32> to vector<1x16xi32>
      tpu.vector_store %arg7[%swap3A_170, %swap3A_171], %swap3A_174 {strides = array<i32>} : memref<2x80xi32, #tpu.memory_space<vmem>>, vector<1x16xi32>,
      %shift_right_arithmetic3A_175 = arith.constant 16 : i32
      %shift_right_arithmetic3A_176 = vector.broadcast %shift_right_arithmetic3A_175 : i32 to vector<16xi32>
      %shift_right_arithmetic3A_177 = arith.shrsi %get3A_165, %shift_right_arithmetic3A_176 : vector<16xi32>
      %swap3A_178 = arith.constant 1 : i32
      %swap3A_179 = arith.index_cast %swap3A_178 : i32 to index
      %swap3A_180 = arith.constant 0 : index
      %swap3A_181 = tpu.vector_load %arg8[%swap3A_179, %swap3A_180] {strides = array<i32>} : memref<2x80xi32, #tpu.memory_space<vmem>>, vector<1x16xi32>,
      %swap3A_182 = vector.shape_cast %swap3A_181 : vector<1x16xi32> to vector<16xi32>
      %swap3A_183 = vector.shape_cast %shift_right_arithmetic3A_177 : vector<16xi32> to vector<1x16xi32>
      tpu.vector_store %arg8[%swap3A_179, %swap3A_180], %swap3A_183 {strides = array<i32>} : memref<2x80xi32, #tpu.memory_space<vmem>>, vector<1x16xi32>,
      %get3A_184 = arith.index_cast %add3A_161 : i32 to index
      %get3A_185 = arith.constant 16 : index
      %get3A_186 = tpu.vector_load %arg6[%get3A_184, %get3A_185] {strides = array<i32>} : memref<125x80xi32, #tpu.memory_space<vmem>>, vector<1x16xi32>,
      %get3A_187 = vector.shape_cast %get3A_186 : vector<1x16xi32> to vector<16xi32>
      %and3A_188 = arith.constant 65535 : i32
      %and3A_189 = vector.broadcast %and3A_188 : i32 to vector<16xi32>
      %and3A_190 = arith.andi %get3A_187, %and3A_189 : vector<16xi32>
      %swap3A_191 = arith.constant 1 : i32
      %swap3A_192 = arith.index_cast %swap3A_191 : i32 to index
      %swap3A_193 = arith.constant 16 : index
      %swap3A_194 = tpu.vector_load %arg7[%swap3A_192, %swap3A_193] {strides = array<i32>} : memref<2x80xi32, #tpu.memory_space<vmem>>, vector<1x16xi32>,
      %swap3A_195 = vector.shape_cast %swap3A_194 : vector<1x16xi32> to vector<16xi32>
      %swap3A_196 = vector.shape_cast %and3A_190 : vector<16xi32> to vector<1x16xi32>
      tpu.vector_store %arg7[%swap3A_192, %swap3A_193], %swap3A_196 {strides = array<i32>} : memref<2x80xi32, #tpu.memory_space<vmem>>, vector<1x16xi32>,
      %shift_right_arithmetic3A_197 = arith.constant 16 : i32
      %shift_right_arithmetic3A_198 = vector.broadcast %shift_right_arithmetic3A_197 : i32 to vector<16xi32>
      %shift_right_arithmetic3A_199 = arith.shrsi %get3A_187, %shift_right_arithmetic3A_198 : vector<16xi32>
      %swap3A_200 = arith.constant 1 : i32
      %swap3A_201 = arith.index_cast %swap3A_200 : i32 to index
      %swap3A_202 = arith.constant 16 : index
      %swap3A_203 = tpu.vector_load %arg8[%swap3A_201, %swap3A_202] {strides = array<i32>} : memref<2x80xi32, #tpu.memory_space<vmem>>, vector<1x16xi32>,
      %swap3A_204 = vector.shape_cast %swap3A_203 : vector<1x16xi32> to vector<16xi32>
      %swap3A_205 = vector.shape_cast %shift_right_arithmetic3A_199 : vector<16xi32> to vector<1x16xi32>
      tpu.vector_store %arg8[%swap3A_201, %swap3A_202], %swap3A_205 {strides = array<i32>} : memref<2x80xi32, #tpu.memory_space<vmem>>, vector<1x16xi32>,
      %get3A_206 = arith.index_cast %add3A_161 : i32 to index
      %get3A_207 = arith.constant 32 : index
      %get3A_208 = tpu.vector_load %arg6[%get3A_206, %get3A_207] {strides = array<i32>} : memref<125x80xi32, #tpu.memory_space<vmem>>, vector<1x16xi32>,
      %get3A_209 = vector.shape_cast %get3A_208 : vector<1x16xi32> to vector<16xi32>
      %and3A_210 = arith.constant 65535 : i32
      %and3A_211 = vector.broadcast %and3A_210 : i32 to vector<16xi32>
      %and3A_212 = arith.andi %get3A_209, %and3A_211 : vector<16xi32>
      %swap3A_213 = arith.constant 1 : i32
      %swap3A_214 = arith.index_cast %swap3A_213 : i32 to index
      %swap3A_215 = arith.constant 32 : index
      %swap3A_216 = tpu.vector_load %arg7[%swap3A_214, %swap3A_215] {strides = array<i32>} : memref<2x80xi32, #tpu.memory_space<vmem>>, vector<1x16xi32>,
      %swap3A_217 = vector.shape_cast %swap3A_216 : vector<1x16xi32> to vector<16xi32>
      %swap3A_218 = vector.shape_cast %and3A_212 : vector<16xi32> to vector<1x16xi32>
      tpu.vector_store %arg7[%swap3A_214, %swap3A_215], %swap3A_218 {strides = array<i32>} : memref<2x80xi32, #tpu.memory_space<vmem>>, vector<1x16xi32>,
      %shift_right_arithmetic3A_219 = arith.constant 16 : i32
      %shift_right_arithmetic3A_220 = vector.broadcast %shift_right_arithmetic3A_219 : i32 to vector<16xi32>
      %shift_right_arithmetic3A_221 = arith.shrsi %get3A_209, %shift_right_arithmetic3A_220 : vector<16xi32>
      %swap3A_222 = arith.constant 1 : i32
      %swap3A_223 = arith.index_cast %swap3A_222 : i32 to index
      %swap3A_224 = arith.constant 32 : index
      %swap3A_225 = tpu.vector_load %arg8[%swap3A_223, %swap3A_224] {strides = array<i32>} : memref<2x80xi32, #tpu.memory_space<vmem>>, vector<1x16xi32>,
      %swap3A_226 = vector.shape_cast %swap3A_225 : vector<1x16xi32> to vector<16xi32>
      %swap3A_227 = vector.shape_cast %shift_right_arithmetic3A_221 : vector<16xi32> to vector<1x16xi32>
      tpu.vector_store %arg8[%swap3A_223, %swap3A_224], %swap3A_227 {strides = array<i32>} : memref<2x80xi32, #tpu.memory_space<vmem>>, vector<1x16xi32>,
      %get3A_228 = arith.index_cast %add3A_161 : i32 to index
      %get3A_229 = arith.constant 48 : index
      %get3A_230 = tpu.vector_load %arg6[%get3A_228, %get3A_229] {strides = array<i32>} : memref<125x80xi32, #tpu.memory_space<vmem>>, vector<1x16xi32>,
      %get3A_231 = vector.shape_cast %get3A_230 : vector<1x16xi32> to vector<16xi32>
      %and3A_232 = arith.constant 65535 : i32
      %and3A_233 = vector.broadcast %and3A_232 : i32 to vector<16xi32>
      %and3A_234 = arith.andi %get3A_231, %and3A_233 : vector<16xi32>
      %swap3A_235 = arith.constant 1 : i32
      %swap3A_236 = arith.index_cast %swap3A_235 : i32 to index
      %swap3A_237 = arith.constant 48 : index
      %swap3A_238 = tpu.vector_load %arg7[%swap3A_236, %swap3A_237] {strides = array<i32>} : memref<2x80xi32, #tpu.memory_space<vmem>>, vector<1x16xi32>,
      %swap3A_239 = vector.shape_cast %swap3A_238 : vector<1x16xi32> to vector<16xi32>
      %swap3A_240 = vector.shape_cast %and3A_234 : vector<16xi32> to vector<1x16xi32>
      tpu.vector_store %arg7[%swap3A_236, %swap3A_237], %swap3A_240 {strides = array<i32>} : memref<2x80xi32, #tpu.memory_space<vmem>>, vector<1x16xi32>,
      %shift_right_arithmetic3A_241 = arith.constant 16 : i32
      %shift_right_arithmetic3A_242 = vector.broadcast %shift_right_arithmetic3A_241 : i32 to vector<16xi32>
      %shift_right_arithmetic3A_243 = arith.shrsi %get3A_231, %shift_right_arithmetic3A_242 : vector<16xi32>
      %swap3A_244 = arith.constant 1 : i32
      %swap3A_245 = arith.index_cast %swap3A_244 : i32 to index
      %swap3A_246 = arith.constant 48 : index
      %swap3A_247 = tpu.vector_load %arg8[%swap3A_245, %swap3A_246] {strides = array<i32>} : memref<2x80xi32, #tpu.memory_space<vmem>>, vector<1x16xi32>,
      %swap3A_248 = vector.shape_cast %swap3A_247 : vector<1x16xi32> to vector<16xi32>
      %swap3A_249 = vector.shape_cast %shift_right_arithmetic3A_243 : vector<16xi32> to vector<1x16xi32>
      tpu.vector_store %arg8[%swap3A_245, %swap3A_246], %swap3A_249 {strides = array<i32>} : memref<2x80xi32, #tpu.memory_space<vmem>>, vector<1x16xi32>,
      %get3A_250 = arith.index_cast %add3A_161 : i32 to index
      %get3A_251 = arith.constant 64 : index
      %get3A_252 = tpu.vector_load %arg6[%get3A_250, %get3A_251] {strides = array<i32>} : memref<125x80xi32, #tpu.memory_space<vmem>>, vector<1x16xi32>,
      %get3A_253 = vector.shape_cast %get3A_252 : vector<1x16xi32> to vector<16xi32>
      %and3A_254 = arith.constant 65535 : i32
      %and3A_255 = vector.broadcast %and3A_254 : i32 to vector<16xi32>
      %and3A_256 = arith.andi %get3A_253, %and3A_255 : vector<16xi32>
      %swap3A_257 = arith.constant 1 : i32
      %swap3A_258 = arith.index_cast %swap3A_257 : i32 to index
      %swap3A_259 = arith.constant 64 : index
      %swap3A_260 = tpu.vector_load %arg7[%swap3A_258, %swap3A_259] {strides = array<i32>} : memref<2x80xi32, #tpu.memory_space<vmem>>, vector<1x16xi32>,
      %swap3A_261 = vector.shape_cast %swap3A_260 : vector<1x16xi32> to vector<16xi32>
      %swap3A_262 = vector.shape_cast %and3A_256 : vector<16xi32> to vector<1x16xi32>
      tpu.vector_store %arg7[%swap3A_258, %swap3A_259], %swap3A_262 {strides = array<i32>} : memref<2x80xi32, #tpu.memory_space<vmem>>, vector<1x16xi32>,
      %shift_right_arithmetic3A_263 = arith.constant 16 : i32
      %shift_right_arithmetic3A_264 = vector.broadcast %shift_right_arithmetic3A_263 : i32 to vector<16xi32>
      %shift_right_arithmetic3A_265 = arith.shrsi %get3A_253, %shift_right_arithmetic3A_264 : vector<16xi32>
      %swap3A_266 = arith.constant 1 : i32
      %swap3A_267 = arith.index_cast %swap3A_266 : i32 to index
      %swap3A_268 = arith.constant 64 : index
      %swap3A_269 = tpu.vector_load %arg8[%swap3A_267, %swap3A_268] {strides = array<i32>} : memref<2x80xi32, #tpu.memory_space<vmem>>, vector<1x16xi32>,
      %swap3A_270 = vector.shape_cast %swap3A_269 : vector<1x16xi32> to vector<16xi32>
      %swap3A_271 = vector.shape_cast %shift_right_arithmetic3A_265 : vector<16xi32> to vector<1x16xi32>
      tpu.vector_store %arg8[%swap3A_267, %swap3A_268], %swap3A_271 {strides = array<i32>} : memref<2x80xi32, #tpu.memory_space<vmem>>, vector<1x16xi32>,
      %dma_wait3A_272 = arith.constant 0 : i32
      %dma_wait3A_273 = arith.constant 0 : i32
      %dma_wait3A_274 = arith.constant 0 : i32
      %dma_wait3A_275 = arith.constant 0 : i32
      %dma_wait3A_276 = tpu.memref_slice %arg9[%dma_wait3A_273, %dma_wait3A_274, %dma_wait3A_275] : memref<2x80x128xf32, #tpu.memory_space<vmem>> -> memref<1x80x128xf32, #tpu.memory_space<vmem>>
      %dma_wait3A_277 = tpu.memref_squeeze %dma_wait3A_276 : memref<1x80x128xf32, #tpu.memory_space<vmem>> -> memref<80x128xf32, #tpu.memory_space<vmem>>
      %dma_wait3A_278 = arith.constant 0 : i32
      %dma_wait3A_279 = tpu.memref_slice %arg7[%dma_wait3A_272, %dma_wait3A_278] : memref<2x80xi32, #tpu.memory_space<vmem>> -> memref<1x80xi32, #tpu.memory_space<vmem>>
      %dma_wait3A_280 = tpu.memref_squeeze %dma_wait3A_279 : memref<1x80xi32, #tpu.memory_space<vmem>> -> memref<80xi32, #tpu.memory_space<vmem>>
      %dma_wait3A_281 = arith.constant 0 : i32
      %dma_wait3A_282 = arith.constant 0 : i32
      %dma_wait3A_283 = tpu.memref_slice %arg2[%dma_wait3A_281, %dma_wait3A_282] : memref<10000x128xf32, #tpu.memory_space<hbm>> -> memref<10000x128xf32, #tpu.memory_space<hbm>>
      tpu.wait_indirect_dma semaphore(%arg11 : memref<!tpu.dma_semaphore, #tpu.memory_space<semaphore_mem>>) src(%dma_wait3A_283 : memref<10000x128xf32, #tpu.memory_space<hbm>>) dst(%dma_wait3A_277 : memref<80x128xf32, #tpu.memory_space<vmem>>)
      %dma_start3A_284 = arith.constant 1 : i32
      %dma_start3A_285 = arith.constant 1 : i32
      %dma_start3A_286 = arith.constant 0 : i32
      %dma_start3A_287 = arith.constant 0 : i32
      %dma_start3A_288 = tpu.memref_slice %arg9[%dma_start3A_285, %dma_start3A_286, %dma_start3A_287] : memref<2x80x128xf32, #tpu.memory_space<vmem>> -> memref<1x80x128xf32, #tpu.memory_space<vmem>>
      %dma_start3A_289 = tpu.memref_squeeze %dma_start3A_288 : memref<1x80x128xf32, #tpu.memory_space<vmem>> -> memref<80x128xf32, #tpu.memory_space<vmem>>
      %dma_start3A_290 = arith.constant 0 : i32
      %dma_start3A_291 = tpu.memref_slice %arg7[%dma_start3A_284, %dma_start3A_290] : memref<2x80xi32, #tpu.memory_space<vmem>> -> memref<1x80xi32, #tpu.memory_space<vmem>>
      %dma_start3A_292 = tpu.memref_squeeze %dma_start3A_291 : memref<1x80xi32, #tpu.memory_space<vmem>> -> memref<80xi32, #tpu.memory_space<vmem>>
      %dma_start3A_293 = arith.constant 0 : i32
      %dma_start3A_294 = arith.constant 0 : i32
      %dma_start3A_295 = tpu.memref_slice %arg2[%dma_start3A_293, %dma_start3A_294] : memref<10000x128xf32, #tpu.memory_space<hbm>> -> memref<10000x128xf32, #tpu.memory_space<hbm>>
      tpu.enqueue_indirect_dma source(%dma_start3A_295 : memref<10000x128xf32, #tpu.memory_space<hbm>>) target(%dma_start3A_289 : memref<80x128xf32, #tpu.memory_space<vmem>>) offsets(%dma_start3A_292 : memref<80xi32, #tpu.memory_space<vmem>>) semaphore(%arg11 : memref<!tpu.dma_semaphore, #tpu.memory_space<semaphore_mem>>)
      %run_scoped3A_296 = arith.constant 0 : i32
      %run_scoped3A_297 = arith.constant 0 : i32
      "tpu.region"() ({
        %run_scoped3A_318 = tpu.sem_alloc : memref<!tpu.dma_semaphore, #tpu.memory_space<semaphore_mem>>
        %dma_start3A_319 = arith.constant 0 : i32
        %dma_start3A_320 = arith.constant 0 : i32
        %dma_start3A_321 = tpu.memref_slice %arg9[%run_scoped3A_296, %dma_start3A_319, %dma_start3A_320] : memref<2x80x128xf32, #tpu.memory_space<vmem>> -> memref<1x80x128xf32, #tpu.memory_space<vmem>>
        %dma_start3A_322 = tpu.memref_squeeze %dma_start3A_321 : memref<1x80x128xf32, #tpu.memory_space<vmem>> -> memref<80x128xf32, #tpu.memory_space<vmem>>
        %dma_start3A_323 = arith.constant 0 : i32
        %dma_start3A_324 = tpu.memref_slice %arg8[%run_scoped3A_297, %dma_start3A_323] : memref<2x80xi32, #tpu.memory_space<vmem>> -> memref<1x80xi32, #tpu.memory_space<vmem>>
        %dma_start3A_325 = tpu.memref_squeeze %dma_start3A_324 : memref<1x80xi32, #tpu.memory_space<vmem>> -> memref<80xi32, #tpu.memory_space<vmem>>
        %dma_start3A_326 = arith.constant 0 : i32
        %dma_start3A_327 = arith.constant 0 : i32
        %dma_start3A_328 = tpu.memref_slice %arg10[%dma_start3A_326, %dma_start3A_327] : memref<10000x128xf32, #tpu.memory_space<vmem_shared>> -> memref<10000x128xf32, #tpu.memory_space<vmem_shared>>
        tpu.enqueue_indirect_dma source(%dma_start3A_322 : memref<80x128xf32, #tpu.memory_space<vmem>>) target(%dma_start3A_328 : memref<10000x128xf32, #tpu.memory_space<vmem_shared>>) offsets(%dma_start3A_325 : memref<80xi32, #tpu.memory_space<vmem>>) semaphore(%run_scoped3A_318 : memref<!tpu.dma_semaphore, #tpu.memory_space<semaphore_mem>>) {add = true}
        %dma_wait3A_329 = arith.constant 0 : i32
        %dma_wait3A_330 = arith.constant 0 : i32
        %dma_wait3A_331 = tpu.memref_slice %arg9[%run_scoped3A_296, %dma_wait3A_329, %dma_wait3A_330] : memref<2x80x128xf32, #tpu.memory_space<vmem>> -> memref<1x80x128xf32, #tpu.memory_space<vmem>>
        %dma_wait3A_332 = tpu.memref_squeeze %dma_wait3A_331 : memref<1x80x128xf32, #tpu.memory_space<vmem>> -> memref<80x128xf32, #tpu.memory_space<vmem>>
        %dma_wait3A_333 = arith.constant 0 : i32
        %dma_wait3A_334 = tpu.memref_slice %arg8[%run_scoped3A_297, %dma_wait3A_333] : memref<2x80xi32, #tpu.memory_space<vmem>> -> memref<1x80xi32, #tpu.memory_space<vmem>>
        %dma_wait3A_335 = tpu.memref_squeeze %dma_wait3A_334 : memref<1x80xi32, #tpu.memory_space<vmem>> -> memref<80xi32, #tpu.memory_space<vmem>>
        %dma_wait3A_336 = arith.constant 0 : i32
        %dma_wait3A_337 = arith.constant 0 : i32
        %dma_wait3A_338 = tpu.memref_slice %arg10[%dma_wait3A_336, %dma_wait3A_337] : memref<10000x128xf32, #tpu.memory_space<vmem_shared>> -> memref<10000x128xf32, #tpu.memory_space<vmem_shared>>
        tpu.wait_indirect_dma semaphore(%run_scoped3A_318 : memref<!tpu.dma_semaphore, #tpu.memory_space<semaphore_mem>>) src(%dma_wait3A_332 : memref<80x128xf32, #tpu.memory_space<vmem>>) dst(%dma_wait3A_338 : memref<10000x128xf32, #tpu.memory_space<vmem_shared>>)
        tpu.yield
      }) : () -> ()
      %dma_wait3A_298 = arith.constant 1 : i32
      %dma_wait3A_299 = arith.constant 1 : i32
      %dma_wait3A_300 = arith.constant 0 : i32
      %dma_wait3A_301 = arith.constant 0 : i32
      %dma_wait3A_302 = tpu.memref_slice %arg9[%dma_wait3A_299, %dma_wait3A_300, %dma_wait3A_301] : memref<2x80x128xf32, #tpu.memory_space<vmem>> -> memref<1x80x128xf32, #tpu.memory_space<vmem>>
      %dma_wait3A_303 = tpu.memref_squeeze %dma_wait3A_302 : memref<1x80x128xf32, #tpu.memory_space<vmem>> -> memref<80x128xf32, #tpu.memory_space<vmem>>
      %dma_wait3A_304 = arith.constant 0 : i32
      %dma_wait3A_305 = tpu.memref_slice %arg7[%dma_wait3A_298, %dma_wait3A_304] : memref<2x80xi32, #tpu.memory_space<vmem>> -> memref<1x80xi32, #tpu.memory_space<vmem>>
      %dma_wait3A_306 = tpu.memref_squeeze %dma_wait3A_305 : memref<1x80xi32, #tpu.memory_space<vmem>> -> memref<80xi32, #tpu.memory_space<vmem>>
      %dma_wait3A_307 = arith.constant 0 : i32
      %dma_wait3A_308 = arith.constant 0 : i32
      %dma_wait3A_309 = tpu.memref_slice %arg2[%dma_wait3A_307, %dma_wait3A_308] : memref<10000x128xf32, #tpu.memory_space<hbm>> -> memref<10000x128xf32, #tpu.memory_space<hbm>>
      tpu.wait_indirect_dma semaphore(%arg11 : memref<!tpu.dma_semaphore, #tpu.memory_space<semaphore_mem>>) src(%dma_wait3A_309 : memref<10000x128xf32, #tpu.memory_space<hbm>>) dst(%dma_wait3A_303 : memref<80x128xf32, #tpu.memory_space<vmem>>)
      %add3A_310 = arith.constant 2 : i32
      %add3A_311 = arith.addi %mul3A_159, %add3A_310 : i32
      %lt3A = arith.constant 125 : i32
      %lt3A_312 = arith.cmpi slt, %add3A_311, %lt3A : i32
      %convert_element_type3A_313 = arith.extui %lt3A_312 : i1 to i32
      %cond3A_314 = arith.constant 0 : i32
      %cond3A_315 = arith.cmpi ne, %convert_element_type3A_313, %cond3A_314 : i32
      scf.if %cond3A_315 {
        %add3A_318 = arith.constant 2 : i32
        %add3A_319 = arith.addi %mul3A_159, %add3A_318 : i32
        %get3A_320 = arith.index_cast %add3A_319 : i32 to index
        %get3A_321 = arith.constant 0 : index
        %get3A_322 = tpu.vector_load %arg6[%get3A_320, %get3A_321] {strides = array<i32>} : memref<125x80xi32, #tpu.memory_space<vmem>>, vector<1x16xi32>,
        %get3A_323 = vector.shape_cast %get3A_322 : vector<1x16xi32> to vector<16xi32>
        %and3A_324 = arith.constant 65535 : i32
        %and3A_325 = vector.broadcast %and3A_324 : i32 to vector<16xi32>
        %and3A_326 = arith.andi %get3A_323, %and3A_325 : vector<16xi32>
        %swap3A_327 = arith.constant 0 : i32
        %swap3A_328 = arith.index_cast %swap3A_327 : i32 to index
        %swap3A_329 = arith.constant 0 : index
        %swap3A_330 = tpu.vector_load %arg7[%swap3A_328, %swap3A_329] {strides = array<i32>} : memref<2x80xi32, #tpu.memory_space<vmem>>, vector<1x16xi32>,
        %swap3A_331 = vector.shape_cast %swap3A_330 : vector<1x16xi32> to vector<16xi32>
        %swap3A_332 = vector.shape_cast %and3A_326 : vector<16xi32> to vector<1x16xi32>
        tpu.vector_store %arg7[%swap3A_328, %swap3A_329], %swap3A_332 {strides = array<i32>} : memref<2x80xi32, #tpu.memory_space<vmem>>, vector<1x16xi32>,
        %shift_right_arithmetic3A_333 = arith.constant 16 : i32
        %shift_right_arithmetic3A_334 = vector.broadcast %shift_right_arithmetic3A_333 : i32 to vector<16xi32>
        %shift_right_arithmetic3A_335 = arith.shrsi %get3A_323, %shift_right_arithmetic3A_334 : vector<16xi32>
        %swap3A_336 = arith.constant 0 : i32
        %swap3A_337 = arith.index_cast %swap3A_336 : i32 to index
        %swap3A_338 = arith.constant 0 : index
        %swap3A_339 = tpu.vector_load %arg8[%swap3A_337, %swap3A_338] {strides = array<i32>} : memref<2x80xi32, #tpu.memory_space<vmem>>, vector<1x16xi32>,
        %swap3A_340 = vector.shape_cast %swap3A_339 : vector<1x16xi32> to vector<16xi32>
        %swap3A_341 = vector.shape_cast %shift_right_arithmetic3A_335 : vector<16xi32> to vector<1x16xi32>
        tpu.vector_store %arg8[%swap3A_337, %swap3A_338], %swap3A_341 {strides = array<i32>} : memref<2x80xi32, #tpu.memory_space<vmem>>, vector<1x16xi32>,
        %get3A_342 = arith.index_cast %add3A_319 : i32 to index
        %get3A_343 = arith.constant 16 : index
        %get3A_344 = tpu.vector_load %arg6[%get3A_342, %get3A_343] {strides = array<i32>} : memref<125x80xi32, #tpu.memory_space<vmem>>, vector<1x16xi32>,
        %get3A_345 = vector.shape_cast %get3A_344 : vector<1x16xi32> to vector<16xi32>
        %and3A_346 = arith.constant 65535 : i32
        %and3A_347 = vector.broadcast %and3A_346 : i32 to vector<16xi32>
        %and3A_348 = arith.andi %get3A_345, %and3A_347 : vector<16xi32>
        %swap3A_349 = arith.constant 0 : i32
        %swap3A_350 = arith.index_cast %swap3A_349 : i32 to index
        %swap3A_351 = arith.constant 16 : index
        %swap3A_352 = tpu.vector_load %arg7[%swap3A_350, %swap3A_351] {strides = array<i32>} : memref<2x80xi32, #tpu.memory_space<vmem>>, vector<1x16xi32>,
        %swap3A_353 = vector.shape_cast %swap3A_352 : vector<1x16xi32> to vector<16xi32>
        %swap3A_354 = vector.shape_cast %and3A_348 : vector<16xi32> to vector<1x16xi32>
        tpu.vector_store %arg7[%swap3A_350, %swap3A_351], %swap3A_354 {strides = array<i32>} : memref<2x80xi32, #tpu.memory_space<vmem>>, vector<1x16xi32>,
        %shift_right_arithmetic3A_355 = arith.constant 16 : i32
        %shift_right_arithmetic3A_356 = vector.broadcast %shift_right_arithmetic3A_355 : i32 to vector<16xi32>
        %shift_right_arithmetic3A_357 = arith.shrsi %get3A_345, %shift_right_arithmetic3A_356 : vector<16xi32>
        %swap3A_358 = arith.constant 0 : i32
        %swap3A_359 = arith.index_cast %swap3A_358 : i32 to index
        %swap3A_360 = arith.constant 16 : index
        %swap3A_361 = tpu.vector_load %arg8[%swap3A_359, %swap3A_360] {strides = array<i32>} : memref<2x80xi32, #tpu.memory_space<vmem>>, vector<1x16xi32>,
        %swap3A_362 = vector.shape_cast %swap3A_361 : vector<1x16xi32> to vector<16xi32>
        %swap3A_363 = vector.shape_cast %shift_right_arithmetic3A_357 : vector<16xi32> to vector<1x16xi32>
        tpu.vector_store %arg8[%swap3A_359, %swap3A_360], %swap3A_363 {strides = array<i32>} : memref<2x80xi32, #tpu.memory_space<vmem>>, vector<1x16xi32>,
        %get3A_364 = arith.index_cast %add3A_319 : i32 to index
        %get3A_365 = arith.constant 32 : index
        %get3A_366 = tpu.vector_load %arg6[%get3A_364, %get3A_365] {strides = array<i32>} : memref<125x80xi32, #tpu.memory_space<vmem>>, vector<1x16xi32>,
        %get3A_367 = vector.shape_cast %get3A_366 : vector<1x16xi32> to vector<16xi32>
        %and3A_368 = arith.constant 65535 : i32
        %and3A_369 = vector.broadcast %and3A_368 : i32 to vector<16xi32>
        %and3A_370 = arith.andi %get3A_367, %and3A_369 : vector<16xi32>
        %swap3A_371 = arith.constant 0 : i32
        %swap3A_372 = arith.index_cast %swap3A_371 : i32 to index
        %swap3A_373 = arith.constant 32 : index
        %swap3A_374 = tpu.vector_load %arg7[%swap3A_372, %swap3A_373] {strides = array<i32>} : memref<2x80xi32, #tpu.memory_space<vmem>>, vector<1x16xi32>,
        %swap3A_375 = vector.shape_cast %swap3A_374 : vector<1x16xi32> to vector<16xi32>
        %swap3A_376 = vector.shape_cast %and3A_370 : vector<16xi32> to vector<1x16xi32>
        tpu.vector_store %arg7[%swap3A_372, %swap3A_373], %swap3A_376 {strides = array<i32>} : memref<2x80xi32, #tpu.memory_space<vmem>>, vector<1x16xi32>,
        %shift_right_arithmetic3A_377 = arith.constant 16 : i32
        %shift_right_arithmetic3A_378 = vector.broadcast %shift_right_arithmetic3A_377 : i32 to vector<16xi32>
        %shift_right_arithmetic3A_379 = arith.shrsi %get3A_367, %shift_right_arithmetic3A_378 : vector<16xi32>
        %swap3A_380 = arith.constant 0 : i32
        %swap3A_381 = arith.index_cast %swap3A_380 : i32 to index
        %swap3A_382 = arith.constant 32 : index
        %swap3A_383 = tpu.vector_load %arg8[%swap3A_381, %swap3A_382] {strides = array<i32>} : memref<2x80xi32, #tpu.memory_space<vmem>>, vector<1x16xi32>,
        %swap3A_384 = vector.shape_cast %swap3A_383 : vector<1x16xi32> to vector<16xi32>
        %swap3A_385 = vector.shape_cast %shift_right_arithmetic3A_379 : vector<16xi32> to vector<1x16xi32>
        tpu.vector_store %arg8[%swap3A_381, %swap3A_382], %swap3A_385 {strides = array<i32>} : memref<2x80xi32, #tpu.memory_space<vmem>>, vector<1x16xi32>,
        %get3A_386 = arith.index_cast %add3A_319 : i32 to index
        %get3A_387 = arith.constant 48 : index
        %get3A_388 = tpu.vector_load %arg6[%get3A_386, %get3A_387] {strides = array<i32>} : memref<125x80xi32, #tpu.memory_space<vmem>>, vector<1x16xi32>,
        %get3A_389 = vector.shape_cast %get3A_388 : vector<1x16xi32> to vector<16xi32>
        %and3A_390 = arith.constant 65535 : i32
        %and3A_391 = vector.broadcast %and3A_390 : i32 to vector<16xi32>
        %and3A_392 = arith.andi %get3A_389, %and3A_391 : vector<16xi32>
        %swap3A_393 = arith.constant 0 : i32
        %swap3A_394 = arith.index_cast %swap3A_393 : i32 to index
        %swap3A_395 = arith.constant 48 : index
        %swap3A_396 = tpu.vector_load %arg7[%swap3A_394, %swap3A_395] {strides = array<i32>} : memref<2x80xi32, #tpu.memory_space<vmem>>, vector<1x16xi32>,
        %swap3A_397 = vector.shape_cast %swap3A_396 : vector<1x16xi32> to vector<16xi32>
        %swap3A_398 = vector.shape_cast %and3A_392 : vector<16xi32> to vector<1x16xi32>
        tpu.vector_store %arg7[%swap3A_394, %swap3A_395], %swap3A_398 {strides = array<i32>} : memref<2x80xi32, #tpu.memory_space<vmem>>, vector<1x16xi32>,
        %shift_right_arithmetic3A_399 = arith.constant 16 : i32
        %shift_right_arithmetic3A_400 = vector.broadcast %shift_right_arithmetic3A_399 : i32 to vector<16xi32>
        %shift_right_arithmetic3A_401 = arith.shrsi %get3A_389, %shift_right_arithmetic3A_400 : vector<16xi32>
        %swap3A_402 = arith.constant 0 : i32
        %swap3A_403 = arith.index_cast %swap3A_402 : i32 to index
        %swap3A_404 = arith.constant 48 : index
        %swap3A_405 = tpu.vector_load %arg8[%swap3A_403, %swap3A_404] {strides = array<i32>} : memref<2x80xi32, #tpu.memory_space<vmem>>, vector<1x16xi32>,
        %swap3A_406 = vector.shape_cast %swap3A_405 : vector<1x16xi32> to vector<16xi32>
        %swap3A_407 = vector.shape_cast %shift_right_arithmetic3A_401 : vector<16xi32> to vector<1x16xi32>
        tpu.vector_store %arg8[%swap3A_403, %swap3A_404], %swap3A_407 {strides = array<i32>} : memref<2x80xi32, #tpu.memory_space<vmem>>, vector<1x16xi32>,
        %get3A_408 = arith.index_cast %add3A_319 : i32 to index
        %get3A_409 = arith.constant 64 : index
        %get3A_410 = tpu.vector_load %arg6[%get3A_408, %get3A_409] {strides = array<i32>} : memref<125x80xi32, #tpu.memory_space<vmem>>, vector<1x16xi32>,
        %get3A_411 = vector.shape_cast %get3A_410 : vector<1x16xi32> to vector<16xi32>
        %and3A_412 = arith.constant 65535 : i32
        %and3A_413 = vector.broadcast %and3A_412 : i32 to vector<16xi32>
        %and3A_414 = arith.andi %get3A_411, %and3A_413 : vector<16xi32>
        %swap3A_415 = arith.constant 0 : i32
        %swap3A_416 = arith.index_cast %swap3A_415 : i32 to index
        %swap3A_417 = arith.constant 64 : index
        %swap3A_418 = tpu.vector_load %arg7[%swap3A_416, %swap3A_417] {strides = array<i32>} : memref<2x80xi32, #tpu.memory_space<vmem>>, vector<1x16xi32>,
        %swap3A_419 = vector.shape_cast %swap3A_418 : vector<1x16xi32> to vector<16xi32>
        %swap3A_420 = vector.shape_cast %and3A_414 : vector<16xi32> to vector<1x16xi32>
        tpu.vector_store %arg7[%swap3A_416, %swap3A_417], %swap3A_420 {strides = array<i32>} : memref<2x80xi32, #tpu.memory_space<vmem>>, vector<1x16xi32>,
        %shift_right_arithmetic3A_421 = arith.constant 16 : i32
        %shift_right_arithmetic3A_422 = vector.broadcast %shift_right_arithmetic3A_421 : i32 to vector<16xi32>
        %shift_right_arithmetic3A_423 = arith.shrsi %get3A_411, %shift_right_arithmetic3A_422 : vector<16xi32>
        %swap3A_424 = arith.constant 0 : i32
        %swap3A_425 = arith.index_cast %swap3A_424 : i32 to index
        %swap3A_426 = arith.constant 64 : index
        %swap3A_427 = tpu.vector_load %arg8[%swap3A_425, %swap3A_426] {strides = array<i32>} : memref<2x80xi32, #tpu.memory_space<vmem>>, vector<1x16xi32>,
        %swap3A_428 = vector.shape_cast %swap3A_427 : vector<1x16xi32> to vector<16xi32>
        %swap3A_429 = vector.shape_cast %shift_right_arithmetic3A_423 : vector<16xi32> to vector<1x16xi32>
        tpu.vector_store %arg8[%swap3A_425, %swap3A_426], %swap3A_429 {strides = array<i32>} : memref<2x80xi32, #tpu.memory_space<vmem>>, vector<1x16xi32>,
        %dma_start3A_430 = arith.constant 0 : i32
        %dma_start3A_431 = arith.constant 0 : i32
        %dma_start3A_432 = arith.constant 0 : i32
        %dma_start3A_433 = arith.constant 0 : i32
        %dma_start3A_434 = tpu.memref_slice %arg9[%dma_start3A_431, %dma_start3A_432, %dma_start3A_433] : memref<2x80x128xf32, #tpu.memory_space<vmem>> -> memref<1x80x128xf32, #tpu.memory_space<vmem>>
        %dma_start3A_435 = tpu.memref_squeeze %dma_start3A_434 : memref<1x80x128xf32, #tpu.memory_space<vmem>> -> memref<80x128xf32, #tpu.memory_space<vmem>>
        %dma_start3A_436 = arith.constant 0 : i32
        %dma_start3A_437 = tpu.memref_slice %arg7[%dma_start3A_430, %dma_start3A_436] : memref<2x80xi32, #tpu.memory_space<vmem>> -> memref<1x80xi32, #tpu.memory_space<vmem>>
        %dma_start3A_438 = tpu.memref_squeeze %dma_start3A_437 : memref<1x80xi32, #tpu.memory_space<vmem>> -> memref<80xi32, #tpu.memory_space<vmem>>
        %dma_start3A_439 = arith.constant 0 : i32
        %dma_start3A_440 = arith.constant 0 : i32
        %dma_start3A_441 = tpu.memref_slice %arg2[%dma_start3A_439, %dma_start3A_440] : memref<10000x128xf32, #tpu.memory_space<hbm>> -> memref<10000x128xf32, #tpu.memory_space<hbm>>
        tpu.enqueue_indirect_dma source(%dma_start3A_441 : memref<10000x128xf32, #tpu.memory_space<hbm>>) target(%dma_start3A_435 : memref<80x128xf32, #tpu.memory_space<vmem>>) offsets(%dma_start3A_438 : memref<80xi32, #tpu.memory_space<vmem>>) semaphore(%arg11 : memref<!tpu.dma_semaphore, #tpu.memory_space<semaphore_mem>>)
      } else {
      }
      %run_scoped3A_316 = arith.constant 1 : i32
      %run_scoped3A_317 = arith.constant 1 : i32
      "tpu.region"() ({
        %run_scoped3A_318 = tpu.sem_alloc : memref<!tpu.dma_semaphore, #tpu.memory_space<semaphore_mem>>
        %dma_start3A_319 = arith.constant 0 : i32
        %dma_start3A_320 = arith.constant 0 : i32
        %dma_start3A_321 = tpu.memref_slice %arg9[%run_scoped3A_316, %dma_start3A_319, %dma_start3A_320] : memref<2x80x128xf32, #tpu.memory_space<vmem>> -> memref<1x80x128xf32, #tpu.memory_space<vmem>>
        %dma_start3A_322 = tpu.memref_squeeze %dma_start3A_321 : memref<1x80x128xf32, #tpu.memory_space<vmem>> -> memref<80x128xf32, #tpu.memory_space<vmem>>
        %dma_start3A_323 = arith.constant 0 : i32
        %dma_start3A_324 = tpu.memref_slice %arg8[%run_scoped3A_317, %dma_start3A_323] : memref<2x80xi32, #tpu.memory_space<vmem>> -> memref<1x80xi32, #tpu.memory_space<vmem>>
        %dma_start3A_325 = tpu.memref_squeeze %dma_start3A_324 : memref<1x80xi32, #tpu.memory_space<vmem>> -> memref<80xi32, #tpu.memory_space<vmem>>
        %dma_start3A_326 = arith.constant 0 : i32
        %dma_start3A_327 = arith.constant 0 : i32
        %dma_start3A_328 = tpu.memref_slice %arg10[%dma_start3A_326, %dma_start3A_327] : memref<10000x128xf32, #tpu.memory_space<vmem_shared>> -> memref<10000x128xf32, #tpu.memory_space<vmem_shared>>
        tpu.enqueue_indirect_dma source(%dma_start3A_322 : memref<80x128xf32, #tpu.memory_space<vmem>>) target(%dma_start3A_328 : memref<10000x128xf32, #tpu.memory_space<vmem_shared>>) offsets(%dma_start3A_325 : memref<80xi32, #tpu.memory_space<vmem>>) semaphore(%run_scoped3A_318 : memref<!tpu.dma_semaphore, #tpu.memory_space<semaphore_mem>>) {add = true}
        %dma_wait3A_329 = arith.constant 0 : i32
        %dma_wait3A_330 = arith.constant 0 : i32
        %dma_wait3A_331 = tpu.memref_slice %arg9[%run_scoped3A_316, %dma_wait3A_329, %dma_wait3A_330] : memref<2x80x128xf32, #tpu.memory_space<vmem>> -> memref<1x80x128xf32, #tpu.memory_space<vmem>>
        %dma_wait3A_332 = tpu.memref_squeeze %dma_wait3A_331 : memref<1x80x128xf32, #tpu.memory_space<vmem>> -> memref<80x128xf32, #tpu.memory_space<vmem>>
        %dma_wait3A_333 = arith.constant 0 : i32
        %dma_wait3A_334 = tpu.memref_slice %arg8[%run_scoped3A_317, %dma_wait3A_333] : memref<2x80xi32, #tpu.memory_space<vmem>> -> memref<1x80xi32, #tpu.memory_space<vmem>>
        %dma_wait3A_335 = tpu.memref_squeeze %dma_wait3A_334 : memref<1x80xi32, #tpu.memory_space<vmem>> -> memref<80xi32, #tpu.memory_space<vmem>>
        %dma_wait3A_336 = arith.constant 0 : i32
        %dma_wait3A_337 = arith.constant 0 : i32
        %dma_wait3A_338 = tpu.memref_slice %arg10[%dma_wait3A_336, %dma_wait3A_337] : memref<10000x128xf32, #tpu.memory_space<vmem_shared>> -> memref<10000x128xf32, #tpu.memory_space<vmem_shared>>
        tpu.wait_indirect_dma semaphore(%run_scoped3A_318 : memref<!tpu.dma_semaphore, #tpu.memory_space<semaphore_mem>>) src(%dma_wait3A_332 : memref<80x128xf32, #tpu.memory_space<vmem>>) dst(%dma_wait3A_338 : memref<10000x128xf32, #tpu.memory_space<vmem_shared>>)
        tpu.yield
      }) : () -> ()
    }
    %scan3A_136 = arith.constant 62 : i32
    %dma_wait3A = arith.constant 0 : i32
    %dma_wait3A_137 = arith.constant 0 : i32
    %dma_wait3A_138 = arith.constant 0 : i32
    %dma_wait3A_139 = arith.constant 0 : i32
    %dma_wait3A_140 = tpu.memref_slice %arg9[%dma_wait3A_137, %dma_wait3A_138, %dma_wait3A_139] : memref<2x80x128xf32, #tpu.memory_space<vmem>> -> memref<1x80x128xf32, #tpu.memory_space<vmem>>
    %dma_wait3A_141 = tpu.memref_squeeze %dma_wait3A_140 : memref<1x80x128xf32, #tpu.memory_space<vmem>> -> memref<80x128xf32, #tpu.memory_space<vmem>>
    %dma_wait3A_142 = arith.constant 0 : i32
    %dma_wait3A_143 = tpu.memref_slice %arg7[%dma_wait3A, %dma_wait3A_142] : memref<2x80xi32, #tpu.memory_space<vmem>> -> memref<1x80xi32, #tpu.memory_space<vmem>>
    %dma_wait3A_144 = tpu.memref_squeeze %dma_wait3A_143 : memref<1x80xi32, #tpu.memory_space<vmem>> -> memref<80xi32, #tpu.memory_space<vmem>>
    %dma_wait3A_145 = arith.constant 0 : i32
    %dma_wait3A_146 = arith.constant 0 : i32
    %dma_wait3A_147 = tpu.memref_slice %arg2[%dma_wait3A_145, %dma_wait3A_146] : memref<10000x128xf32, #tpu.memory_space<hbm>> -> memref<10000x128xf32, #tpu.memory_space<hbm>>
    tpu.wait_indirect_dma semaphore(%arg11 : memref<!tpu.dma_semaphore, #tpu.memory_space<semaphore_mem>>) src(%dma_wait3A_147 : memref<10000x128xf32, #tpu.memory_space<hbm>>) dst(%dma_wait3A_141 : memref<80x128xf32, #tpu.memory_space<vmem>>)
    %run_scoped3A = arith.constant 0 : i32
    %run_scoped3A_148 = arith.constant 0 : i32
    "tpu.region"() ({
      %run_scoped3A_157 = tpu.sem_alloc : memref<!tpu.dma_semaphore, #tpu.memory_space<semaphore_mem>>
      %dma_start3A_158 = arith.constant 0 : i32
      %dma_start3A_159 = arith.constant 0 : i32
      %dma_start3A_160 = tpu.memref_slice %arg9[%run_scoped3A, %dma_start3A_158, %dma_start3A_159] : memref<2x80x128xf32, #tpu.memory_space<vmem>> -> memref<1x80x128xf32, #tpu.memory_space<vmem>>
      %dma_start3A_161 = tpu.memref_squeeze %dma_start3A_160 : memref<1x80x128xf32, #tpu.memory_space<vmem>> -> memref<80x128xf32, #tpu.memory_space<vmem>>
      %dma_start3A_162 = arith.constant 0 : i32
      %dma_start3A_163 = tpu.memref_slice %arg8[%run_scoped3A_148, %dma_start3A_162] : memref<2x80xi32, #tpu.memory_space<vmem>> -> memref<1x80xi32, #tpu.memory_space<vmem>>
      %dma_start3A_164 = tpu.memref_squeeze %dma_start3A_163 : memref<1x80xi32, #tpu.memory_space<vmem>> -> memref<80xi32, #tpu.memory_space<vmem>>
      %dma_start3A_165 = arith.constant 0 : i32
      %dma_start3A_166 = arith.constant 0 : i32
      %dma_start3A_167 = tpu.memref_slice %arg10[%dma_start3A_165, %dma_start3A_166] : memref<10000x128xf32, #tpu.memory_space<vmem_shared>> -> memref<10000x128xf32, #tpu.memory_space<vmem_shared>>
      tpu.enqueue_indirect_dma source(%dma_start3A_161 : memref<80x128xf32, #tpu.memory_space<vmem>>) target(%dma_start3A_167 : memref<10000x128xf32, #tpu.memory_space<vmem_shared>>) offsets(%dma_start3A_164 : memref<80xi32, #tpu.memory_space<vmem>>) semaphore(%run_scoped3A_157 : memref<!tpu.dma_semaphore, #tpu.memory_space<semaphore_mem>>) {add = true}
      %dma_wait3A_168 = arith.constant 0 : i32
      %dma_wait3A_169 = arith.constant 0 : i32
      %dma_wait3A_170 = tpu.memref_slice %arg9[%run_scoped3A, %dma_wait3A_168, %dma_wait3A_169] : memref<2x80x128xf32, #tpu.memory_space<vmem>> -> memref<1x80x128xf32, #tpu.memory_space<vmem>>
      %dma_wait3A_171 = tpu.memref_squeeze %dma_wait3A_170 : memref<1x80x128xf32, #tpu.memory_space<vmem>> -> memref<80x128xf32, #tpu.memory_space<vmem>>
      %dma_wait3A_172 = arith.constant 0 : i32
      %dma_wait3A_173 = tpu.memref_slice %arg8[%run_scoped3A_148, %dma_wait3A_172] : memref<2x80xi32, #tpu.memory_space<vmem>> -> memref<1x80xi32, #tpu.memory_space<vmem>>
      %dma_wait3A_174 = tpu.memref_squeeze %dma_wait3A_173 : memref<1x80xi32, #tpu.memory_space<vmem>> -> memref<80xi32, #tpu.memory_space<vmem>>
      %dma_wait3A_175 = arith.constant 0 : i32
      %dma_wait3A_176 = arith.constant 0 : i32
      %dma_wait3A_177 = tpu.memref_slice %arg10[%dma_wait3A_175, %dma_wait3A_176] : memref<10000x128xf32, #tpu.memory_space<vmem_shared>> -> memref<10000x128xf32, #tpu.memory_space<vmem_shared>>
      tpu.wait_indirect_dma semaphore(%run_scoped3A_157 : memref<!tpu.dma_semaphore, #tpu.memory_space<semaphore_mem>>) src(%dma_wait3A_171 : memref<80x128xf32, #tpu.memory_space<vmem>>) dst(%dma_wait3A_177 : memref<10000x128xf32, #tpu.memory_space<vmem_shared>>)
      tpu.yield
    }) : () -> ()
    %barrier3A_149 = arith.constant 0 : index
    tpu.barrier barrier_id(%barrier3A_149)
    %mul3A_150 = arith.constant 624 : i32
    %mul3A_151 = arith.muli %arg1, %mul3A_150 : i32
    "tpu.region"() ({
      %run_scoped3A_157 = tpu.sem_alloc : memref<!tpu.dma_semaphore, #tpu.memory_space<semaphore_mem>>
      %dma_start3A_158 = arith.constant 0 : i32
      %dma_start3A_159 = tpu.memref_slice %arg5[%arg0, %mul3A_151, %dma_start3A_158] : memref<2x10000x128xf32, #tpu.memory_space<hbm>> -> memref<1x624x128xf32, #tpu.memory_space<hbm>>
      %dma_start3A_160 = tpu.memref_squeeze %dma_start3A_159 : memref<1x624x128xf32, #tpu.memory_space<hbm>> -> memref<624x128xf32, #tpu.memory_space<hbm>>
      %dma_start3A_161 = arith.constant 0 : i32
      %dma_start3A_162 = tpu.memref_slice %arg10[%mul3A_151, %dma_start3A_161] : memref<10000x128xf32, #tpu.memory_space<vmem_shared>> -> memref<624x128xf32, #tpu.memory_space<vmem_shared>>
      tpu.enqueue_dma source(%dma_start3A_162 : memref<624x128xf32, #tpu.memory_space<vmem_shared>>) target(%dma_start3A_160 : memref<624x128xf32, #tpu.memory_space<hbm>>) target_semaphore(%run_scoped3A_157 : memref<!tpu.dma_semaphore, #tpu.memory_space<semaphore_mem>>)
      %dma_wait3A_163 = arith.constant 0 : i32
      %dma_wait3A_164 = tpu.memref_slice %arg5[%arg0, %mul3A_151, %dma_wait3A_163] : memref<2x10000x128xf32, #tpu.memory_space<hbm>> -> memref<1x624x128xf32, #tpu.memory_space<hbm>>
      %dma_wait3A_165 = tpu.memref_squeeze %dma_wait3A_164 : memref<1x624x128xf32, #tpu.memory_space<hbm>> -> memref<624x128xf32, #tpu.memory_space<hbm>>
      %dma_wait3A_166 = arith.constant 0 : i32
      %dma_wait3A_167 = tpu.memref_slice %arg10[%mul3A_151, %dma_wait3A_166] : memref<10000x128xf32, #tpu.memory_space<vmem_shared>> -> memref<624x128xf32, #tpu.memory_space<vmem_shared>>
      tpu.wait_dma2 semaphore(%run_scoped3A_157 : memref<!tpu.dma_semaphore, #tpu.memory_space<semaphore_mem>>) src(%dma_wait3A_167 : memref<624x128xf32, #tpu.memory_space<vmem_shared>>) dst(%dma_wait3A_165 : memref<624x128xf32, #tpu.memory_space<hbm>>)
      tpu.yield
    }) : () -> ()
    %eq3A_152 = arith.constant 0 : i32
    %eq3A_153 = arith.cmpi eq, %arg1, %eq3A_152 : i32
    %convert_element_type3A_154 = arith.extui %eq3A_153 : i1 to i32
    %cond3A_155 = arith.constant 0 : i32
    %cond3A_156 = arith.cmpi ne, %convert_element_type3A_154, %cond3A_155 : i32
    scf.if %cond3A_156 {
      "tpu.region"() ({
        %run_scoped3A_157 = tpu.sem_alloc : memref<!tpu.dma_semaphore, #tpu.memory_space<semaphore_mem>>
        %dma_start3A_158 = arith.constant 9984 : i32
        %dma_start3A_159 = arith.constant 0 : i32
        %dma_start3A_160 = tpu.memref_slice %arg5[%arg0, %dma_start3A_158, %dma_start3A_159] : memref<2x10000x128xf32, #tpu.memory_space<hbm>> -> memref<1x16x128xf32, #tpu.memory_space<hbm>>
        %dma_start3A_161 = tpu.memref_squeeze %dma_start3A_160 : memref<1x16x128xf32, #tpu.memory_space<hbm>> -> memref<16x128xf32, #tpu.memory_space<hbm>>
        %dma_start3A_162 = arith.constant 9984 : i32
        %dma_start3A_163 = arith.constant 0 : i32
        %dma_start3A_164 = tpu.memref_slice %arg10[%dma_start3A_162, %dma_start3A_163] : memref<10000x128xf32, #tpu.memory_space<vmem_shared>> -> memref<16x128xf32, #tpu.memory_space<vmem_shared>>
        tpu.enqueue_dma source(%dma_start3A_164 : memref<16x128xf32, #tpu.memory_space<vmem_shared>>) target(%dma_start3A_161 : memref<16x128xf32, #tpu.memory_space<hbm>>) target_semaphore(%run_scoped3A_157 : memref<!tpu.dma_semaphore, #tpu.memory_space<semaphore_mem>>)
        %dma_wait3A_165 = arith.constant 9984 : i32
        %dma_wait3A_166 = arith.constant 0 : i32
        %dma_wait3A_167 = tpu.memref_slice %arg5[%arg0, %dma_wait3A_165, %dma_wait3A_166] : memref<2x10000x128xf32, #tpu.memory_space<hbm>> -> memref<1x16x128xf32, #tpu.memory_space<hbm>>
        %dma_wait3A_168 = tpu.memref_squeeze %dma_wait3A_167 : memref<1x16x128xf32, #tpu.memory_space<hbm>> -> memref<16x128xf32, #tpu.memory_space<hbm>>
        %dma_wait3A_169 = arith.constant 9984 : i32
        %dma_wait3A_170 = arith.constant 0 : i32
        %dma_wait3A_171 = tpu.memref_slice %arg10[%dma_wait3A_169, %dma_wait3A_170] : memref<10000x128xf32, #tpu.memory_space<vmem_shared>> -> memref<16x128xf32, #tpu.memory_space<vmem_shared>>
        tpu.wait_dma2 semaphore(%run_scoped3A_157 : memref<!tpu.dma_semaphore, #tpu.memory_space<semaphore_mem>>) src(%dma_wait3A_171 : memref<16x128xf32, #tpu.memory_space<vmem_shared>>) dst(%dma_wait3A_168 : memref<16x128xf32, #tpu.memory_space<hbm>>)
        tpu.yield
      }) : () -> ()
    } else {
    }
    return
  }
}

module attributes {stable_mosaic.version = 14 : i64} {
  func.func @_tc1_body(%arg0: i32, %arg1: memref<2000x128xf32, #tpu.memory_space<vmem>>, %arg2: memref<128x128xf32, #tpu.memory_space<vmem>>, %arg3: memref<2x2000x128xf32, #tpu.memory_space<vmem>>, %arg4: memref<2000x128xf32, #tpu.memory_space<vmem>>, %arg5: memref<2000x16xf32, #tpu.memory_space<vmem>>) attributes {dimension_semantics = [#tpu.dimension_semantics<arbitrary>], iteration_bounds = array<i64: 5>, scalar_prefetch = 0 : i64, scratch_operands = 0 : i64, tpu.core_type = #tpu.core_type<tc>, window_params = [{transform_indices = @transform_0, window_bounds = array<i64: 2000, 128>}, {pipeline_mode = #tpu.pipeline_mode<synchronous>, transform_indices = @transform_1, window_bounds = array<i64: 128, 128>}, {transform_indices = @transform_2, window_bounds = array<i64: 2, 2000, 128>}, {transform_indices = @transform_3, window_bounds = array<i64: 2000, 128>}, {transform_indices = @transform_4, window_bounds = array<i64: 2000, 16>}]} {
    %get3A = arith.constant 0 : index
    %get3A_0 = arith.constant 0 : index
    %get3A_1 = arith.constant 0 : index
    %get3A_2 = vector.load %arg3[%get3A, %get3A_0, %get3A_1] : memref<2x2000x128xf32, #tpu.memory_space<vmem>>, vector<1x2000x128xf32>
    %get3A_3 = vector.shape_cast %get3A_2 : vector<1x2000x128xf32> to vector<2000x128xf32>
    %add3A = arith.constant 1.000000e+00 : f32
    %add3A_4 = vector.broadcast %add3A : f32 to vector<2000x128xf32>
    %add3A_5 = arith.addf %add3A_4, %get3A_3 : vector<2000x128xf32>
    %get3A_6 = arith.constant 1 : index
    %get3A_7 = arith.constant 0 : index
    %get3A_8 = arith.constant 0 : index
    %get3A_9 = vector.load %arg3[%get3A_6, %get3A_7, %get3A_8] : memref<2x2000x128xf32, #tpu.memory_space<vmem>>, vector<1x2000x128xf32>
    %get3A_10 = vector.shape_cast %get3A_9 : vector<1x2000x128xf32> to vector<2000x128xf32>
    %add3A_11 = arith.addf %add3A_5, %get3A_10 : vector<2000x128xf32>
    %rsqrt3A = math.rsqrt %add3A_11 : vector<2000x128xf32>
    %get3A_12 = arith.constant 0 : index
    %get3A_13 = arith.constant 0 : index
    %get3A_14 = vector.load %arg1[%get3A_12, %get3A_13] : memref<2000x128xf32, #tpu.memory_space<vmem>>, vector<2000x128xf32>
    %get3A_15 = arith.constant 0 : index
    %get3A_16 = arith.constant 0 : index
    %get3A_17 = vector.load %arg2[%get3A_15, %get3A_16] : memref<128x128xf32, #tpu.memory_space<vmem>>, vector<128x128xf32>
    %transpose3A = tpu.transpose %get3A_17, [1, 0] : vector<128x128xf32> -> vector<128x128xf32>
    %dot_general3A = arith.constant dense<0.000000e+00> : vector<2000x128xf32>
    %dot_general3A_18 = tpu.matmul %get3A_14, %transpose3A, %dot_general3A {dimension_numbers = #tpu.dot_dimension_numbers<[1], [0], [0], [1], [0, 0, 1, 1], [], []>, transpose_lhs_hint = false} : vector<2000x128xf32>, vector<128x128xf32>, vector<2000x128xf32> -> vector<2000x128xf32>
    %mul3A = arith.mulf %dot_general3A_18, %rsqrt3A : vector<2000x128xf32>
    %swap3A = arith.constant 0 : index
    %swap3A_19 = arith.constant 0 : index
    %swap3A_20 = vector.load %arg4[%swap3A, %swap3A_19] : memref<2000x128xf32, #tpu.memory_space<vmem>>, vector<2000x128xf32>
    tpu.vector_store %arg4[%swap3A, %swap3A_19], %mul3A {strides = array<i32>} : memref<2000x128xf32, #tpu.memory_space<vmem>>, vector<2000x128xf32>,
    %slice3A = vector.extract_strided_slice %rsqrt3A {offsets = [0, 0], sizes = [2000, 16], strides = [1, 1]} : vector<2000x128xf32> to vector<2000x16xf32>
    %swap3A_21 = arith.constant 0 : index
    %swap3A_22 = arith.constant 0 : index
    %swap3A_23 = vector.load %arg5[%swap3A_21, %swap3A_22] : memref<2000x16xf32, #tpu.memory_space<vmem>>, vector<2000x16xf32>
    tpu.vector_store %arg5[%swap3A_21, %swap3A_22], %slice3A {strides = array<i32>} : memref<2000x16xf32, #tpu.memory_space<vmem>>, vector<2000x16xf32>,
    return
  }
  func.func @transform_0(%arg0: i32) -> (i32, i32) {
    %c0_i32 = arith.constant 0 : i32
    %c0_i32_0 = arith.constant 0 : i32
    return %arg0, %c0_i32 : i32, i32
  }
  func.func @transform_1(%arg0: i32) -> (i32, i32) {
    %c0_i32 = arith.constant 0 : i32
    %c0_i32_0 = arith.constant 0 : i32
    %c0_i32_1 = arith.constant 0 : i32
    return %c0_i32, %c0_i32_0 : i32, i32
  }
  func.func @transform_2(%arg0: i32) -> (i32, i32, i32) {
    %c0_i32 = arith.constant 0 : i32
    %c0_i32_0 = arith.constant 0 : i32
    %c0_i32_1 = arith.constant 0 : i32
    return %c0_i32, %arg0, %c0_i32_0 : i32, i32, i32
  }
  func.func @transform_3(%arg0: i32) -> (i32, i32) {
    %c0_i32 = arith.constant 0 : i32
    %c0_i32_0 = arith.constant 0 : i32
    return %arg0, %c0_i32 : i32, i32
  }
  func.func @transform_4(%arg0: i32) -> (i32, i32) {
    %c0_i32 = arith.constant 0 : i32
    %c0_i32_0 = arith.constant 0 : i32
    return %arg0, %c0_i32 : i32, i32
  }
}

module attributes {stable_mosaic.version = 14 : i64} {
  func.func @_tc2_body(%arg0: i32, %arg1: memref<2000x128xf32, #tpu.memory_space<vmem>>, %arg2: memref<2x2000x128xf32, #tpu.memory_space<vmem>>, %arg3: memref<2000x16xf32, #tpu.memory_space<vmem>>, %arg4: memref<128x128xf32, #tpu.memory_space<vmem>>, %arg5: memref<1x128xf32, #tpu.memory_space<vmem>>, %arg6: memref<128x128xf32, #tpu.memory_space<vmem>>, %arg7: memref<2000x128xf32, #tpu.memory_space<vmem>>, %arg8: memref<2000x128xf32, #tpu.memory_space<vmem>>) attributes {dimension_semantics = [#tpu.dimension_semantics<arbitrary>], iteration_bounds = array<i64: 5>, scalar_prefetch = 0 : i64, scratch_operands = 0 : i64, tpu.core_type = #tpu.core_type<tc>, window_params = [{transform_indices = @transform_0, window_bounds = array<i64: 2000, 128>}, {transform_indices = @transform_1, window_bounds = array<i64: 2, 2000, 128>}, {transform_indices = @transform_2, window_bounds = array<i64: 2000, 16>}, {pipeline_mode = #tpu.pipeline_mode<synchronous>, transform_indices = @transform_3, window_bounds = array<i64: 128, 128>}, {pipeline_mode = #tpu.pipeline_mode<synchronous>, transform_indices = @transform_4, window_bounds = array<i64: 1, 128>}, {pipeline_mode = #tpu.pipeline_mode<synchronous>, transform_indices = @transform_5, window_bounds = array<i64: 128, 128>}, {transform_indices = @transform_6, window_bounds = array<i64: 2000, 128>}, {transform_indices = @transform_7, window_bounds = array<i64: 2000, 128>}]} {
    %get3A = arith.constant 0 : index
    %get3A_0 = arith.constant 0 : index
    %get3A_1 = vector.load %arg1[%get3A, %get3A_0] : memref<2000x128xf32, #tpu.memory_space<vmem>>, vector<2000x128xf32>
    %get3A_2 = arith.constant 0 : index
    %get3A_3 = arith.constant 0 : index
    %get3A_4 = vector.load %arg3[%get3A_2, %get3A_3] : memref<2000x16xf32, #tpu.memory_space<vmem>>, vector<2000x1xf32>
    %get3A_5 = arith.constant 0 : index
    %get3A_6 = arith.constant 0 : index
    %get3A_7 = arith.constant 0 : index
    %get3A_8 = vector.load %arg2[%get3A_5, %get3A_6, %get3A_7] : memref<2x2000x128xf32, #tpu.memory_space<vmem>>, vector<1x2000x128xf32>
    %get3A_9 = vector.shape_cast %get3A_8 : vector<1x2000x128xf32> to vector<2000x128xf32>
    %get3A_10 = arith.constant 1 : index
    %get3A_11 = arith.constant 0 : index
    %get3A_12 = arith.constant 0 : index
    %get3A_13 = vector.load %arg2[%get3A_10, %get3A_11, %get3A_12] : memref<2x2000x128xf32, #tpu.memory_space<vmem>>, vector<1x2000x128xf32>
    %get3A_14 = vector.shape_cast %get3A_13 : vector<1x2000x128xf32> to vector<2000x128xf32>
    %add3A = arith.addf %get3A_9, %get3A_14 : vector<2000x128xf32>
    %get3A_15 = arith.constant 0 : index
    %get3A_16 = arith.constant 0 : index
    %get3A_17 = vector.load %arg4[%get3A_15, %get3A_16] : memref<128x128xf32, #tpu.memory_space<vmem>>, vector<128x128xf32>
    %transpose3A = tpu.transpose %get3A_17, [1, 0] : vector<128x128xf32> -> vector<128x128xf32>
    %dot_general3A = arith.constant dense<0.000000e+00> : vector<2000x128xf32>
    %dot_general3A_18 = tpu.matmul %get3A_1, %transpose3A, %dot_general3A {dimension_numbers = #tpu.dot_dimension_numbers<[1], [0], [0], [1], [0, 0, 1, 1], [], []>, transpose_lhs_hint = false} : vector<2000x128xf32>, vector<128x128xf32>, vector<2000x128xf32> -> vector<2000x128xf32>
    %dot_general3A_19 = arith.constant dense<0.000000e+00> : vector<2000x128xf32>
    %dot_general3A_20 = tpu.matmul %get3A_1, %get3A_17, %dot_general3A_19 {dimension_numbers = #tpu.dot_dimension_numbers<[1], [0], [0], [1], [0, 0, 1, 1], [], []>, transpose_lhs_hint = false} : vector<2000x128xf32>, vector<128x128xf32>, vector<2000x128xf32> -> vector<2000x128xf32>
    %sub3A = arith.subf %dot_general3A_18, %dot_general3A_20 : vector<2000x128xf32>
    %mul3A = arith.constant 1.000000e-01 : f32
    %mul3A_21 = vector.broadcast %mul3A : f32 to vector<2000x128xf32>
    %mul3A_22 = arith.mulf %mul3A_21, %get3A_1 : vector<2000x128xf32>
    %sub3A_23 = arith.subf %sub3A, %mul3A_22 : vector<2000x128xf32>
    %mul3A_24 = vector.broadcast %get3A_4 : vector<2000x1xf32> to vector<2000x128xf32>
    %mul3A_25 = arith.mulf %mul3A_24, %add3A : vector<2000x128xf32>
    %add3A_26 = arith.addf %sub3A_23, %mul3A_25 : vector<2000x128xf32>
    %get3A_27 = arith.constant 0 : index
    %get3A_28 = arith.constant 0 : index
    %get3A_29 = vector.load %arg5[%get3A_27, %get3A_28] : memref<1x128xf32, #tpu.memory_space<vmem>>, vector<1x128xf32>
    %add3A_30 = vector.broadcast %get3A_29 : vector<1x128xf32> to vector<2000x128xf32>
    %add3A_31 = arith.addf %add3A_26, %add3A_30 : vector<2000x128xf32>
    %tanh3A = math.tanh %add3A_31 : vector<2000x128xf32>
    %mul3A_32 = arith.constant 1.000000e-01 : f32
    %mul3A_33 = vector.broadcast %mul3A_32 : f32 to vector<2000x128xf32>
    %mul3A_34 = arith.mulf %mul3A_33, %tanh3A : vector<2000x128xf32>
    %add3A_35 = arith.addf %get3A_1, %mul3A_34 : vector<2000x128xf32>
    %max3A = arith.constant 0.000000e+00 : f32
    %max3A_36 = vector.broadcast %max3A : f32 to vector<2000x128xf32>
    %max3A_37 = arith.maximumf %add3A_35, %max3A_36 : vector<2000x128xf32>
    %swap3A = arith.constant 0 : index
    %swap3A_38 = arith.constant 0 : index
    %swap3A_39 = vector.load %arg7[%swap3A, %swap3A_38] : memref<2000x128xf32, #tpu.memory_space<vmem>>, vector<2000x128xf32>
    tpu.vector_store %arg7[%swap3A, %swap3A_38], %max3A_37 {strides = array<i32>} : memref<2000x128xf32, #tpu.memory_space<vmem>>, vector<2000x128xf32>,
    %get3A_40 = arith.constant 0 : index
    %get3A_41 = arith.constant 0 : index
    %get3A_42 = vector.load %arg6[%get3A_40, %get3A_41] : memref<128x128xf32, #tpu.memory_space<vmem>>, vector<128x128xf32>
    %transpose3A_43 = tpu.transpose %get3A_42, [1, 0] : vector<128x128xf32> -> vector<128x128xf32>
    %dot_general3A_44 = arith.constant dense<0.000000e+00> : vector<2000x128xf32>
    %dot_general3A_45 = tpu.matmul %max3A_37, %transpose3A_43, %dot_general3A_44 {dimension_numbers = #tpu.dot_dimension_numbers<[1], [0], [0], [1], [0, 0, 1, 1], [], []>, transpose_lhs_hint = false} : vector<2000x128xf32>, vector<128x128xf32>, vector<2000x128xf32> -> vector<2000x128xf32>
    %mul3A_46 = vector.broadcast %get3A_4 : vector<2000x1xf32> to vector<2000x128xf32>
    %mul3A_47 = arith.mulf %dot_general3A_45, %mul3A_46 : vector<2000x128xf32>
    %swap3A_48 = arith.constant 0 : index
    %swap3A_49 = arith.constant 0 : index
    %swap3A_50 = vector.load %arg8[%swap3A_48, %swap3A_49] : memref<2000x128xf32, #tpu.memory_space<vmem>>, vector<2000x128xf32>
    tpu.vector_store %arg8[%swap3A_48, %swap3A_49], %mul3A_47 {strides = array<i32>} : memref<2000x128xf32, #tpu.memory_space<vmem>>, vector<2000x128xf32>,
    return
  }
  func.func @transform_0(%arg0: i32) -> (i32, i32) {
    %c0_i32 = arith.constant 0 : i32
    %c0_i32_0 = arith.constant 0 : i32
    return %arg0, %c0_i32 : i32, i32
  }
  func.func @transform_1(%arg0: i32) -> (i32, i32, i32) {
    %c0_i32 = arith.constant 0 : i32
    %c0_i32_0 = arith.constant 0 : i32
    %c0_i32_1 = arith.constant 0 : i32
    return %c0_i32, %arg0, %c0_i32_0 : i32, i32, i32
  }
  func.func @transform_2(%arg0: i32) -> (i32, i32) {
    %c0_i32 = arith.constant 0 : i32
    %c0_i32_0 = arith.constant 0 : i32
    return %arg0, %c0_i32 : i32, i32
  }
  func.func @transform_3(%arg0: i32) -> (i32, i32) {
    %c0_i32 = arith.constant 0 : i32
    %c0_i32_0 = arith.constant 0 : i32
    %c0_i32_1 = arith.constant 0 : i32
    return %c0_i32, %c0_i32_0 : i32, i32
  }
  func.func @transform_4(%arg0: i32) -> (i32, i32) {
    %c0_i32 = arith.constant 0 : i32
    %c0_i32_0 = arith.constant 0 : i32
    %c0_i32_1 = arith.constant 0 : i32
    return %c0_i32, %c0_i32_0 : i32, i32
  }
  func.func @transform_5(%arg0: i32) -> (i32, i32) {
    %c0_i32 = arith.constant 0 : i32
    %c0_i32_0 = arith.constant 0 : i32
    %c0_i32_1 = arith.constant 0 : i32
    return %c0_i32, %c0_i32_0 : i32, i32
  }
  func.func @transform_6(%arg0: i32) -> (i32, i32) {
    %c0_i32 = arith.constant 0 : i32
    %c0_i32_0 = arith.constant 0 : i32
    return %arg0, %c0_i32 : i32, i32
  }
  func.func @transform_7(%arg0: i32) -> (i32, i32) {
    %c0_i32 = arith.constant 0 : i32
    %c0_i32_0 = arith.constant 0 : i32
    return %arg0, %c0_i32 : i32, i32
  }
}

module attributes {stable_mosaic.version = 14 : i64} {
  func.func @_tc3_body(%arg0: i32, %arg1: memref<2000x128xf32, #tpu.memory_space<vmem>>, %arg2: memref<2x2000x128xf32, #tpu.memory_space<vmem>>, %arg3: memref<2000x16xf32, #tpu.memory_space<vmem>>, %arg4: memref<128x128xf32, #tpu.memory_space<vmem>>, %arg5: memref<1x128xf32, #tpu.memory_space<vmem>>, %arg6: memref<128x1xf32, #tpu.memory_space<vmem>>, %arg7: memref<1x1xf32, #tpu.memory_space<smem>>, %arg8: memref<2000x1xf32, #tpu.memory_space<vmem>>) attributes {dimension_semantics = [#tpu.dimension_semantics<arbitrary>], iteration_bounds = array<i64: 5>, scalar_prefetch = 0 : i64, scratch_operands = 0 : i64, tpu.core_type = #tpu.core_type<tc>, window_params = [{transform_indices = @transform_0, window_bounds = array<i64: 2000, 128>}, {transform_indices = @transform_1, window_bounds = array<i64: 2, 2000, 128>}, {transform_indices = @transform_2, window_bounds = array<i64: 2000, 16>}, {pipeline_mode = #tpu.pipeline_mode<synchronous>, transform_indices = @transform_3, window_bounds = array<i64: 128, 128>}, {pipeline_mode = #tpu.pipeline_mode<synchronous>, transform_indices = @transform_4, window_bounds = array<i64: 1, 128>}, {pipeline_mode = #tpu.pipeline_mode<synchronous>, transform_indices = @transform_5, window_bounds = array<i64: 128, 1>}, {transform_indices = @transform_6, window_bounds = array<i64: 1, 1>}, {transform_indices = @transform_7, window_bounds = array<i64: 2000, 1>}]} {
    %get3A = arith.constant 0 : index
    %get3A_0 = arith.constant 0 : index
    %get3A_1 = vector.load %arg1[%get3A, %get3A_0] : memref<2000x128xf32, #tpu.memory_space<vmem>>, vector<2000x128xf32>
    %get3A_2 = arith.constant 0 : index
    %get3A_3 = arith.constant 0 : index
    %get3A_4 = vector.load %arg3[%get3A_2, %get3A_3] : memref<2000x16xf32, #tpu.memory_space<vmem>>, vector<2000x1xf32>
    %get3A_5 = arith.constant 0 : index
    %get3A_6 = arith.constant 0 : index
    %get3A_7 = arith.constant 0 : index
    %get3A_8 = vector.load %arg2[%get3A_5, %get3A_6, %get3A_7] : memref<2x2000x128xf32, #tpu.memory_space<vmem>>, vector<1x2000x128xf32>
    %get3A_9 = vector.shape_cast %get3A_8 : vector<1x2000x128xf32> to vector<2000x128xf32>
    %get3A_10 = arith.constant 1 : index
    %get3A_11 = arith.constant 0 : index
    %get3A_12 = arith.constant 0 : index
    %get3A_13 = vector.load %arg2[%get3A_10, %get3A_11, %get3A_12] : memref<2x2000x128xf32, #tpu.memory_space<vmem>>, vector<1x2000x128xf32>
    %get3A_14 = vector.shape_cast %get3A_13 : vector<1x2000x128xf32> to vector<2000x128xf32>
    %add3A = arith.addf %get3A_9, %get3A_14 : vector<2000x128xf32>
    %get3A_15 = arith.constant 0 : index
    %get3A_16 = arith.constant 0 : index
    %get3A_17 = vector.load %arg4[%get3A_15, %get3A_16] : memref<128x128xf32, #tpu.memory_space<vmem>>, vector<128x128xf32>
    %transpose3A = tpu.transpose %get3A_17, [1, 0] : vector<128x128xf32> -> vector<128x128xf32>
    %dot_general3A = arith.constant dense<0.000000e+00> : vector<2000x128xf32>
    %dot_general3A_18 = tpu.matmul %get3A_1, %transpose3A, %dot_general3A {dimension_numbers = #tpu.dot_dimension_numbers<[1], [0], [0], [1], [0, 0, 1, 1], [], []>, transpose_lhs_hint = false} : vector<2000x128xf32>, vector<128x128xf32>, vector<2000x128xf32> -> vector<2000x128xf32>
    %dot_general3A_19 = arith.constant dense<0.000000e+00> : vector<2000x128xf32>
    %dot_general3A_20 = tpu.matmul %get3A_1, %get3A_17, %dot_general3A_19 {dimension_numbers = #tpu.dot_dimension_numbers<[1], [0], [0], [1], [0, 0, 1, 1], [], []>, transpose_lhs_hint = false} : vector<2000x128xf32>, vector<128x128xf32>, vector<2000x128xf32> -> vector<2000x128xf32>
    %sub3A = arith.subf %dot_general3A_18, %dot_general3A_20 : vector<2000x128xf32>
    %mul3A = arith.constant 1.000000e-01 : f32
    %mul3A_21 = vector.broadcast %mul3A : f32 to vector<2000x128xf32>
    %mul3A_22 = arith.mulf %mul3A_21, %get3A_1 : vector<2000x128xf32>
    %sub3A_23 = arith.subf %sub3A, %mul3A_22 : vector<2000x128xf32>
    %mul3A_24 = vector.broadcast %get3A_4 : vector<2000x1xf32> to vector<2000x128xf32>
    %mul3A_25 = arith.mulf %mul3A_24, %add3A : vector<2000x128xf32>
    %add3A_26 = arith.addf %sub3A_23, %mul3A_25 : vector<2000x128xf32>
    %get3A_27 = arith.constant 0 : index
    %get3A_28 = arith.constant 0 : index
    %get3A_29 = vector.load %arg5[%get3A_27, %get3A_28] : memref<1x128xf32, #tpu.memory_space<vmem>>, vector<1x128xf32>
    %add3A_30 = vector.broadcast %get3A_29 : vector<1x128xf32> to vector<2000x128xf32>
    %add3A_31 = arith.addf %add3A_26, %add3A_30 : vector<2000x128xf32>
    %tanh3A = math.tanh %add3A_31 : vector<2000x128xf32>
    %mul3A_32 = arith.constant 1.000000e-01 : f32
    %mul3A_33 = vector.broadcast %mul3A_32 : f32 to vector<2000x128xf32>
    %mul3A_34 = arith.mulf %mul3A_33, %tanh3A : vector<2000x128xf32>
    %add3A_35 = arith.addf %get3A_1, %mul3A_34 : vector<2000x128xf32>
    %max3A = arith.constant 0.000000e+00 : f32
    %max3A_36 = vector.broadcast %max3A : f32 to vector<2000x128xf32>
    %max3A_37 = arith.maximumf %add3A_35, %max3A_36 : vector<2000x128xf32>
    %get3A_38 = arith.constant 0 : index
    %get3A_39 = arith.constant 0 : index
    %get3A_40 = vector.load %arg6[%get3A_38, %get3A_39] : memref<128x1xf32, #tpu.memory_space<vmem>>, vector<128x1xf32>
    %dot_general3A_41 = arith.constant dense<0.000000e+00> : vector<2000x1xf32>
    %dot_general3A_42 = tpu.matmul %max3A_37, %get3A_40, %dot_general3A_41 {dimension_numbers = #tpu.dot_dimension_numbers<[1], [0], [0], [1], [0, 0, 1, 1], [], []>, transpose_lhs_hint = false} : vector<2000x128xf32>, vector<128x1xf32>, vector<2000x1xf32> -> vector<2000x1xf32>
    %get3A_43 = arith.constant 0 : index
    %get3A_44 = arith.constant 0 : index
    %get3A_45 = memref.load %arg7[%get3A_43, %get3A_44] : memref<1x1xf32, #tpu.memory_space<smem>>
    %add3A_46 = vector.broadcast %get3A_45 : f32 to vector<2000x1xf32>
    %add3A_47 = arith.addf %dot_general3A_42, %add3A_46 : vector<2000x1xf32>
    %swap3A = arith.constant 0 : index
    %swap3A_48 = arith.constant 0 : index
    %swap3A_49 = vector.load %arg8[%swap3A, %swap3A_48] : memref<2000x1xf32, #tpu.memory_space<vmem>>, vector<2000x1xf32>
    tpu.vector_store %arg8[%swap3A, %swap3A_48], %add3A_47 {strides = array<i32>} : memref<2000x1xf32, #tpu.memory_space<vmem>>, vector<2000x1xf32>,
    return
  }
  func.func @transform_0(%arg0: i32) -> (i32, i32) {
    %c0_i32 = arith.constant 0 : i32
    %c0_i32_0 = arith.constant 0 : i32
    return %arg0, %c0_i32 : i32, i32
  }
  func.func @transform_1(%arg0: i32) -> (i32, i32, i32) {
    %c0_i32 = arith.constant 0 : i32
    %c0_i32_0 = arith.constant 0 : i32
    %c0_i32_1 = arith.constant 0 : i32
    return %c0_i32, %arg0, %c0_i32_0 : i32, i32, i32
  }
  func.func @transform_2(%arg0: i32) -> (i32, i32) {
    %c0_i32 = arith.constant 0 : i32
    %c0_i32_0 = arith.constant 0 : i32
    return %arg0, %c0_i32 : i32, i32
  }
  func.func @transform_3(%arg0: i32) -> (i32, i32) {
    %c0_i32 = arith.constant 0 : i32
    %c0_i32_0 = arith.constant 0 : i32
    %c0_i32_1 = arith.constant 0 : i32
    return %c0_i32, %c0_i32_0 : i32, i32
  }
  func.func @transform_4(%arg0: i32) -> (i32, i32) {
    %c0_i32 = arith.constant 0 : i32
    %c0_i32_0 = arith.constant 0 : i32
    %c0_i32_1 = arith.constant 0 : i32
    return %c0_i32, %c0_i32_0 : i32, i32
  }
  func.func @transform_5(%arg0: i32) -> (i32, i32) {
    %c0_i32 = arith.constant 0 : i32
    %c0_i32_0 = arith.constant 0 : i32
    %c0_i32_1 = arith.constant 0 : i32
    return %c0_i32, %c0_i32_0 : i32, i32
  }
  func.func @transform_6(%arg0: i32) -> (i32, i32) {
    %c0_i32 = arith.constant 0 : i32
    %c0_i32_0 = arith.constant 0 : i32
    %c0_i32_1 = arith.constant 0 : i32
    return %c0_i32, %c0_i32_0 : i32, i32
  }
  func.func @transform_7(%arg0: i32) -> (i32, i32) {
    %c0_i32 = arith.constant 0 : i32
    %c0_i32_0 = arith.constant 0 : i32
    return %arg0, %c0_i32 : i32, i32
  }
}

</mosaic_0001>

<sc_bundles>
// kernel: kernel.11.cloned.1.call-start
scs
__scs_entry_jumppad:
0x0: {  	(pc) =	sbr.rel $0x88, $3  }
0x1: {  	(tag) =	ssettag $0x0;
	lr =	simm.s32 $0x1  }
0x2: {  	[smem:$0x3F97] =	sst lr;
	_ =	strace $0xD0000000  }
0x3: {  	_ = 	snop  }
0x4: {  	_ = 	snop  }
0x5: {  	_ = 	snop  }
0x6: {  	_ = 	snop  }
0x7: {  	_ = 	snop  }
__scs_overlays_trampoline_lowered:
0x8: {  	[smem:$0x3FA6] =	sst s0  }
0x9: {  	[smem:$0x3FA7] =	sst s1  }
0xa: {  	[smem:$0x3FA8] =	sst s2  }
0xb: {  	[smem:$0x3FA9] =	sst s3  }
0xc: {  	[smem:$0x3FAA] =	sst s4  }
0xd: {  	[smem:$0x3FAB] =	sst s5  }
0xe: {  	[smem:$0x3FAC] =	sst s6  }
0xf: {  	[smem:$0x3FAD] =	sst s7  }
0x10: {  	[smem:$0x3FAE] =	sst s8  }
0x11: {  	[smem:$0x3FAF] =	sst s9;
	s0 =	simm.s32 @!p0 $0x0  }
0x12: {  	s1 =	sld [smem:$0x3F95];
	s0 =	simm.s32 @p0 $0x1  }
0x13: {  	[smem:$0x3FB0] =	sst s0;
	s0 =	simm.s32 @!p1 $0x0  }
0x14: {  	s2 =	sld [smem:$0x3F94];
	s0 =	simm.s32 @p1 $0x1  }
0x15: {  	[smem:$0x3FB1] =	sst s0;
	s0 =	simm.s32 @!p2 $0x0  }
0x16: {  	s3 =	sld [smem:$0x3FDB];
	s0 =	simm.s32 @p2 $0x1  }
0x17: {  	s4 =	simm.s32 $0x1BF5;
	[smem:$0x3FB3] =	sst s0  }
0x18: {  	s0 =	sld [smem:$0x3F96];
	_ =	swait.ge [sflag:s4], $0x0  }
0x19: {  	s7 =	sld [smem:$0x3F97]  }
0x1a: {  	s8 =	sadd.s32 $0xFFFFE003, lr  }
0x1b: {  	s9 =	sadd.s32 $0xFFFFFEF7, lr;
	s5 =	simm.s32 $0xFFFFFFFF;
	p2 =	slt.u32 s8, $0xFFFFF086  }
0x1c: {  	p1 =	slt.u32 s9, $0xF7A;
	s5 =	simm.s32 @!p2 $0x0  }
0x1d: {  	s5 =	simm.s32 @p1 $0x1;
	p0 =	seq.s32 s7, s2  }
0x1e: {  	s7 =	smul.u32 @!p0 $0xF7A, s2;
	p2 =	seq.s32 @!p0 s5, $0x0  }
0x1f: {  	s9 =	smul.u32 $0xF7A, s1;
	s8 =	simm.s32 @!p0 $0x1BF5;
	p2 =	por !p2, p0  }
0x20: {  	[sflag:s8] =	ssyncset.s32 @!p0 $0xFFFFF086;
	s6 =	sadd.s32 @!p0 s3, s7;
	s7 =	simm.s32 @!p0 $0x108  }
0x21: {  	s3 =	sadd.s32 s3, s9;
	s6 =	sadd.s32 @!p0 $0x88, s6;
	s7 =	simm.s32 @p2 $0x1082  }
0x22: {  	[simem:s7], [sflag:s8] =	dma.local @!p0 [hbm:s6], $0xF7A  }
0x23: {  	s9 =	sor.u32 $0xD0000000, s2;
	s6 =	simm.s32 $0x108;
	_ =	swait.ge @!p0 [sflag:s8], $0x0  }
0x24: {  	s3 =	sadd.s32 $0x88, s3;
	s6 =	simm.s32 @!p1 $0x1082;
	[sflag:s4] =	ssyncset.s32 $0xFFFFF086  }
0x25: {  	[simem:s6], [sflag:s4] =	dma.local [hbm:s3], $0xF7A  }
0x26: {  	[smem:$0x3F97] =	sst s1;
	(tag) =	ssettag s2;
	_ =	strace s9  }
0x27: {  	s1 =	sld [smem:$0x3FA7]  }
0x28: {  	s2 =	sld [smem:$0x3FA8]  }
0x29: {  	s4 =	sld [smem:$0x3FAA]  }
0x2a: {  	p0 =	seq.s32 s5, $0x0;
	s5 =	sld [smem:$0x3FAB]  }
0x2b: {  	s6 =	sld [smem:$0x3FAC]  }
0x2c: {  	s7 =	sld [smem:$0x3FAD]  }
0x2d: {  	s3 =	simm.s32 $0x108;
	s8 =	sld [smem:$0x3FAE]  }
0x2e: {  	s3 =	simm.s32 @!p0 $0x1082;
	s9 =	sld [smem:$0x3FAF]  }
0x2f: {  	lr =	sadd.s32 s0, s3;
	s0 =	sld [smem:$0x3FA6]  }
0x30: {  	s3 =	sld [smem:$0x3FA9]  }
0x31: {  	[smem:$0x3FB2] =	sst s10  }
0x32: {  	s10 =	sld [smem:$0x3FB0];
	_ =	sdelay $0x3  }
0x33: {  	p0 =	seq.s32 s10, $0x1;
	s10 =	sld [smem:$0x3FB2];
	_ =	sdelay $0x3  }
0x34: {  	[smem:$0x3FB2] =	sst s10  }
0x35: {  	s10 =	sld [smem:$0x3FB1];
	_ =	sdelay $0x3  }
0x36: {  	p1 =	seq.s32 s10, $0x1;
	s10 =	sld [smem:$0x3FB2];
	_ =	sdelay $0x3  }
0x37: {  	[smem:$0x3FB2] =	sst s10  }
0x38: {  	s10 =	sld [smem:$0x3FB3]  }
0x39: {  	_ = 	snop;
	(pc) =	sbr.ind lr, $3  }
0x3a: {  	_ = 	snop  }
0x3b: {  	_ = 	snop  }
0x3c: {  	p2 =	seq.s32 s10, $0x1;
	s10 =	sld [smem:$0x3FB2]  }
0x3d: {  	_ =	shalt  }
0x3e: {  	_ =	shalt  }
0x3f: {  	_ =	shalt  }
0x40: {  	_ =	shalt  }
0x41: {  	_ =	shalt  }
0x42: {  	_ =	shalt  }
0x43: {  	_ =	shalt  }
0x44: {  	_ =	shalt  }
0x45: {  	_ =	shalt  }
0x46: {  	_ =	shalt  }
0x47: {  	_ =	shalt  }
0x48: {  	_ =	shalt  }
0x49: {  	_ =	shalt  }
0x4a: {  	_ =	shalt  }
0x4b: {  	_ =	shalt  }
0x4c: {  	_ =	shalt  }
0x4d: {  	_ =	shalt  }
0x4e: {  	_ =	shalt  }
0x4f: {  	_ =	shalt  }
0x50: {  	_ =	shalt  }
0x51: {  	_ =	shalt  }
0x52: {  	_ =	shalt  }
0x53: {  	_ =	shalt  }
0x54: {  	_ =	shalt  }
0x55: {  	_ =	shalt  }
0x56: {  	_ =	shalt  }
0x57: {  	_ =	shalt  }
0x58: {  	_ =	shalt  }
0x59: {  	_ =	shalt  }
0x5a: {  	_ =	shalt  }
0x5b: {  	_ =	shalt  }
0x5c: {  	_ =	shalt  }
0x5d: {  	_ =	shalt  }
0x5e: {  	_ =	shalt  }
0x5f: {  	_ =	shalt  }
0x60: {  	_ =	shalt  }
0x61: {  	_ =	shalt  }
0x62: {  	_ =	shalt  }
0x63: {  	_ =	shalt  }
0x64: {  	_ =	shalt  }
0x65: {  	_ =	shalt  }
0x66: {  	_ =	shalt  }
0x67: {  	_ =	shalt  }
0x68: {  	_ =	shalt  }
0x69: {  	_ =	shalt  }
0x6a: {  	_ =	shalt  }
0x6b: {  	_ =	shalt  }
0x6c: {  	_ =	shalt  }
0x6d: {  	_ =	shalt  }
0x6e: {  	_ =	shalt  }
0x6f: {  	_ =	shalt  }
0x70: {  	_ =	shalt  }
0x71: {  	_ =	shalt  }
0x72: {  	_ =	shalt  }
0x73: {  	_ =	shalt  }
0x74: {  	_ =	shalt  }
0x75: {  	_ =	shalt  }
0x76: {  	_ =	shalt  }
0x77: {  	_ =	shalt  }
0x78: {  	_ =	shalt  }
0x79: {  	_ =	shalt  }
0x7a: {  	_ =	shalt  }
0x7b: {  	_ =	shalt  }
0x7c: {  	_ =	shalt  }
0x7d: {  	_ =	shalt  }
0x7e: {  	_ =	shalt  }
0x7f: {  	_ =	shalt  }
0x80: {  	_ =	shalt  }
0x81: {  	_ =	shalt  }
0x82: {  	_ =	shalt  }
0x83: {  	_ =	shalt  }
0x84: {  	_ =	shalt  }
0x85: {  	_ =	shalt  }
0x86: {  	_ =	shalt  }
0x87: {  	_ =	shalt  }
.Lfunc_end0:
.L_simem_size_0:
called_computation.1_lowered:
.L_overlay_start_0:
0x88: {  	s2 =	sld [smem:$0x3FD9]  }
0x89: {  	s3 =	sld [smem:$0x3FFE];
	_ =	sdelay $0x1  }
0x8a: {  	s1 =	srdreg.scid  }
0x8b: {  	s0 =	sand.u32 $0x1, s1  }
0x8c: {  	s16 =	sshll.u32 s0, $0xA;
	s2 =	sadd.s32 s3, s2  }
0x8d: {  	s2 =	sadd.s32 s2, s16  }
0x8e: {  	[smem:$0x3FBE] =	sst s2  }
0x8f: {  	_ = 	snop  }
0x90: {  	(tm) =	ssettm $0x1  }
0x91: {  	s17 =	sld [smem:$0x3FFB];
	_ =	sdelay $0x3  }
0x92: {  	_ =	strace s17  }
0x93: {  	s2 =	sld [smem:$0x3FFC];
	_ =	sdelay $0x3  }
0x94: {  	_ =	strace s2  }
0x95: {  	s2 =	sld [smem:$0x3FFD];
	_ =	sdelay $0x3  }
0x96: {  	_ =	strace s2  }
0x97: {  	_ =	strace $0x8FFFFFFF  }
0x98: {  	s18 =	sld [smem:$0x3FDB];
	_ =	sdelay $0x1  }
0x99: {  	s19 =	simm.s32 $_scs_section_size  }
0x9a: {  	s4 =	simm.s32 $_size__tile_overlayer_lowered;
	s5 =	simm.s32 $_tile_overlayer_lowered  }
0x9b: {  	s22 =	simm.s32 $0x1BFF;
	s21 =	sshll.u32 s5, $0x1;
	s2 =	sadd.s32 s19, s18  }
0x9c: {  	s6 =	simm.s32 $0x0;
	s20 =	sshll.u32 s4, $0x1;
	s4 =	sadd.s32 s21, s2  }
0x9d: {  	[timem:s6], [sflag:s22] =	dma.local [hbm:s4], s20  }
0x9e: {  	_ =	swait.ge [sflag:s22], s20  }
0x9f: {  	s3 =	ssub.s32 $0x0, s20;
	[sflag:s22] =	ssyncset.done $0x0  }
0xa0: {  	[sflag:s22] =	ssyncadd.s32 s3;
	_ =	sdelay $0x1  }
0xa1: {  	s23 =	simm.s32 $0x1B8B  }
0xa2: {  	_ =	swait.ge [sflag:s23], $0x1  }
0xa3: {  	[sflag:s23] =	ssyncset.done $0x0  }
0xa4: {  	s25 =	simm.s32 $0x1B8E;
	s24 =	sld [smem:$0x3FFE];
	[sflag:s23] =	ssyncadd.s32 $0xFFFFFFFF  }
0xa5: {  	s26 =	simm.s32 $execute0_lowered;
	[smem:$0x3FD2] =	sst s25  }
0xa6: {  	s4 =	sshll.u32 s26, $0x1;
	_ =	strace $0x80000049;
	[dreg:$0x1] =	wrdreg $0xFFFFFFFF  }
0xa7: {  	s28 =	simm.s32 $_size_execute0_lowered;
	s2 =	sadd.s32 s2, s4;
	[dreg:$0x0] =	wrdreg $0x0  }
0xa8: {  	s4 =	sshll.u32 s28, $0x1;
	[dreg:$0x2] =	wrdreg s2  }
0xa9: {  	[dreg:$0x3] =	wrdreg s4  }
0xaa: {  	[dreg:$0x4] =	wrdreg $0xC0  }
0xab: {  	_ =	task [dreg:s6], $0x5FFFF  }
0xac: {  	[dreg:$0x1] =	wrdreg $0xFFFFFFFF  }
0xad: {  	[dreg:$0x0] =	wrdreg $0x60  }
0xae: {  	[dreg:$0x2] =	wrdreg s24  }
0xaf: {  	[dreg:$0x3] =	wrdreg $0x92000  }
0xb0: {  	[dreg:$0x4] =	wrdreg $0x9  }
0xb1: {  	_ =	task.clear_ibuf [dreg:s6], $0x5FFFF;
	_ =	strace $0x90000049  }
0xb2: {  	s29 =	simm.s32 $0x9;
	_ =	strace $0x8000004B  }
0xb3: {  	_ =	swait.ge [sflag:s29], $0x1  }
0xb4: {  	[sflag:s29] =	ssyncadd.s32 $0xFFFFFFFF  }
0xb5: {  	_ =	strace $0x9000004B  }
0xb6: {  	_ =	sfence  }
0xb7: {  	s30 =	sld [smem:$0x0];
	_ =	sdelay $0x2  }
0xb8: {  	s31 =	sshll.u32 s1, $0xD;
	s1 =	sshrl.u32 s1, $0x2  }
0xb9: {  	s3 =	sand.u32 $0x4000, s31;
	s1 =	sadd.s32 s1, s30  }
0xba: {  	s0 =	sor.u32 s3, s0;
	s1 =	sshll.u32 s1, $0x11  }
0xbb: {  	s0 =	sor.u32 s1, s0  }
0xbc: {  	s0 =	sadd.s32 $0x8F2B, s0  }
0xbd: {  	[sflag:s0] =	ssyncadd.remote.s32 $0x1  }
0xbe: {  	_ =	sfence.sel $0xFFFF  }
0xbf: {  	[dreg:$0x0] =	wrdreg $0xFFFFFFFF;
	(pc) =	sbr.abs _section_cstart, $3  }
0xc0: {  	[dreg:$0x1] =	wrdreg $0xFFFFFFFF  }
0xc1: {  	_ =	task.clear_ibuf [dreg:s6], $0x2FFFF;
	_ =	strace $0x9FFFFFFF  }
0xc2: {  	(tm) =	ssettm $0x7FFFFFFF  }
0xc3: {  	_ =	shalt  }
tec
execute0_lowered:
.L_overlay_start_1:
0x0: {  	(tag) =	ssettag $0x1  }
0x1: {  	s0 =	rddreg [dreg:$0x0]  }
0x2: {  	s1 =	rddreg [dreg:$0x1]  }
0x3: {  	s2 =	simm.s32 $0x0;
	s3 =	srdreg.scid;
	s15 =	stileid.u32  }
0x4: {  	s19 =	simm.s32 $0x50;
	s20 =	simm.s32 $0x4000;
	s21 =	simm.s32 $0x4200  }
0x5: {  	s28 =	simm.s32 $0x4100;
	s29 =	simm.s32 $0x4180;
	s6 =	smul.u32 $0x4E000, s15  }
0x6: {  	[smem:$0x7FF] =	sst s2;
	s8 =	sand.u32 $0x1, s3;
	s9 =	smul.u32 $0x270, s15  }
0x7: {  	s3 =	sadd.s32 $0x12E00, s0;
	s13 =	sadd.s32 $0x3A000, s0;
	s23 =	smul.u32 $0x2700, s15  }
0x8: {  	s16 =	smul.u32 $0x13800, s15;
	s17 =	sshll.u32 s15, $0xC;
	s31 =	sshll.u32 s15, $0x6  }
0x9: {  	p1 =	sne.s32 s15, $0x0;
	_ =	strace $0x8000004A;
	s4 =	sshll.u32 s8, $0xB  }
0xa: {  	s5 =	ssub.s32 $0x2, s8;
	p0 =	seq.s32 s8, $0x1;
	s12 =	smul.u32 $0x138800, s8  }
0xb: {  	s15 =	sor.u32 $0x1C02, s31;
	s11 =	sadd.s32 s4, s0;
	s4 =	sadd.s32 $0x12000, s0  }
0xc: {  	s7 =	sshrl.u32 s5, $0x1;
	s22 =	sshrl.u32 s6, $0x2;
	s24 =	sadd.s32 $0xD0, s9  }
0xd: {  	s6 =	sadd.s32 s3, s23;
	s9 =	sadd.s32 $0x1A0, s9;
	s23 =	simm.s32 $0x4080  }
0xe: {  	s14 =	ssub.s32 s5, s7;
	s5 =	sadd.s32 s22, s1;
	s10 =	sshll.u32 s24, $0x7  }
0xf: {  	s7 =	sshll.u32 s24, $0x4;
	s25 =	sshll.u32 s9, $0x7;
	s9 =	sshll.u32 s9, $0x4  }
0x10: {  	s16 =	sadd.s32 s16, s12;
	s11 =	sadd.s32 s17, s11;
	s30 =	sshrl.u32 s12, $0x3  }
0x11: {  	s22 =	simm.s32 $0x1;
	s24 =	sadd.s32 s10, s1;
	s7 =	sadd.s32 s3, s7  }
0x12: {  	s25 =	sadd.s32 s25, s1;
	s8 =	sadd.s32 s3, s9;
	s9 =	sadd.s32 $0x138000, s1  }
0x13: {  	s10 =	sadd.s32 $0x39E00, s0;
	s26 =	sadd.s32 $0x6800, s5;
	s18 =	sadd.s32 $0xD000, s5  }
0x14: {  	s16 =	sshrl.u32 s16, $0x3;
	s11 =	sadd.s32 $0x2000, s11;
	s14 =	smax.u32 s14, $0x1  }
0x15: {  	s12 =	sadd.s32 s13, s16;
	s13 =	sadd.s32 s13, s30;
	s16 =	simm.s32 $0x2  }
0x16: {  	s17 =	sshrl.u32 s26, $0x3;
	s18 =	sshrl.u32 s18, $0x3;
	s24 =	sshrl.u32 s24, $0x3  }
0x17: {  	s25 =	sshrl.u32 s25, $0x3;
	s26 =	simm.s32 $0x6A00;
	s13 =	sadd.s32 $0x27000, s13  }
.LBB2_1:
.Ltmp0:
0x18: {  	(pc) =	sbr.rel @!p0 .LBB2_2-.Ltmp0, $2  }
0x19: {  	_ =	sdelay $0x2  }
0x1a: {  	s30 =	sshrl.u32 s5, $0x3  }
0x1b: {  	[spmem:s30], [sflag:s15] =	dma.local [hbm:s4], $0xD00  }
0x1c: {  	_ =	swait.ge [sflag:s16], $0xD00  }
0x1d: {  	[sflag:s16] =	ssyncset.done $0x0  }
0x1e: {  	[sflag:s16] =	ssyncadd.s32 $0xFFFFF300  }
0x1f: {  	[spmem:s17], [sflag:s15] =	dma.local [hbm:s4], $0xD00  }
0x20: {  	_ =	swait.ge [sflag:s16], $0xD00  }
0x21: {  	[sflag:s16] =	ssyncset.done $0x0  }
.Ltmp1:
0x22: {  	[sflag:s16] =	ssyncadd.s32 $0xFFFFF300;
	(pc) =	sbr.rel @p1 .LBB2_7-.Ltmp1, $4  }
0x23: {  	[spmem:s18], [sflag:s15] =	dma.local [hbm:s4], $0xD00  }
0x24: {  	_ =	swait.ge [sflag:s16], $0xD00  }
0x25: {  	[sflag:s16] =	ssyncset.done $0x0  }
0x26: {  	[sflag:s16] =	ssyncadd.s32 $0xFFFFF300  }
.Ltmp2:
0x27: {  	(pc) =	sbr.rel .LBB2_6-.Ltmp2, $3  }
0x28: {  	_ =	sdelay $0x1  }
0x29: {  	s0 =	sshrl.u32 s9, $0x3  }
0x2a: {  	[spmem:s0], [sflag:s15] =	dma.local [hbm:s4], $0x100  }
.LBB2_2:
0x2b: {  	[spmem:s30], [sflag:s15] =	dma.local [hbm:s6], $0xD00  }
0x2c: {  	_ =	swait.ge [sflag:s16], $0xD00  }
0x2d: {  	[sflag:s16] =	ssyncset.done $0x0  }
0x2e: {  	[sflag:s16] =	ssyncadd.s32 $0xFFFFF300  }
0x2f: {  	[spmem:s24], [sflag:s15] =	dma.local [hbm:s7], $0xD00  }
0x30: {  	_ =	swait.ge [sflag:s16], $0xD00  }
0x31: {  	[sflag:s16] =	ssyncset.done $0x0  }
.Ltmp3:
0x32: {  	[sflag:s16] =	ssyncadd.s32 $0xFFFFF300;
	(pc) =	sbr.rel @p1 .LBB2_7-.Ltmp3, $4  }
0x33: {  	[spmem:s25], [sflag:s15] =	dma.local [hbm:s8], $0xD00  }
0x34: {  	_ =	swait.ge [sflag:s16], $0xD00  }
0x35: {  	[sflag:s16] =	ssyncset.done $0x0  }
0x36: {  	[sflag:s16] =	ssyncadd.s32 $0xFFFFF300  }
0x37: {  	s0 =	sshrl.u32 s9, $0x3  }
0x38: {  	[spmem:s0], [sflag:s15] =	dma.local [hbm:s10], $0x100  }
.LBB2_6:
0x39: {  	_ =	swait.ge [sflag:s16], $0x100  }
0x3a: {  	[sflag:s16] =	ssyncset.done $0x0  }
0x3b: {  	[sflag:s16] =	ssyncadd.s32 $0xFFFFFF00  }
.LBB2_7:
0x3c: {  	s0 =	simm.s32 $0x0  }
0x3d: {  	[tilespmem:s0], [sflag:$0x2] =	stream.linear.gather [hbm4b:s11+s0], $0x3E80, $0x38;
	[tilespmem:$0x1CA80] =	vst v63  }
0x3e: {  	_ =	swait.ge [sflag:s16], $0x3E80  }
0x3f: {  	[sflag:s16] =	ssyncset.done $0x0  }
0x40: {  	[sflag:s16] =	ssyncadd.s32 $0xFFFFC180  }
0x41: {  	[bflag:$0x0] =	sbarrier.arrive $0xFFFF  }
0x42: {  	v0 =	vld [tilespmem:$0x0];
	_ =	sdelay $0x1  }
0x43: {  	v1 =	vld [tilespmem:$0x10];
	_ =	sdelay $0x1  }
0x44: {  	v2 =	vld [tilespmem:$0x20]  }
0x45: {  	v3 =	vand.u32 $0xFFFF, v0  }
0x46: {  	v0 =	vshra.s32 v0, $0x10;
	[tilespmem:$0x4000] =	vst v3;
	v3 =	vld [tilespmem:$0x30]  }
0x47: {  	[tilespmem:$0x4100] =	vst v0;
	v0 =	vand.u32 $0xFFFF, v1  }
0x48: {  	[tilespmem:$0x4010] =	vst v0;
	v0 =	vshra.s32 v1, $0x10;
	v1 =	vld [tilespmem:$0x40]  }
0x49: {  	[tilespmem:$0x4110] =	vst v0;
	v0 =	vand.u32 $0xFFFF, v2  }
0x4a: {  	[tilespmem:$0x4020] =	vst v0;
	v0 =	vshra.s32 v2, $0x10  }
0x4b: {  	[tilespmem:$0x4120] =	vst v0;
	v0 =	vand.u32 $0xFFFF, v3  }
0x4c: {  	[tilespmem:$0x4030] =	vst v0;
	v0 =	vshra.s32 v3, $0x10  }
0x4d: {  	[tilespmem:$0x4130] =	vst v0;
	v0 =	vand.u32 $0xFFFF, v1  }
0x4e: {  	[tilespmem:$0x4040] =	vst v0;
	v0 =	vshra.s32 v1, $0x10  }
0x4f: {  	s0 =	simm.s32 $0x0;
	[tilespmem:$0x4140] =	vst v0  }
0x50: {  	[tilespmem:s21], [sflag:$0x1] =	stream.indirect.gather [hbm4b:s3+s19], $0x80, s20, s19, $0xb8;
	[tilespmem:$0x1CA80] =	vst v63  }
0x51: {  	v0 =	vld [tilespmem:s0+$0x80];
	_ =	sdelay $0x4  }
0x52: {  	v1 =	vand.u32 $0xFFFF, v0  }
0x53: {  	v0 =	vshra.s32 v0, $0x10;
	[tilespmem:$0x4080] =	vst v1  }
0x54: {  	[tilespmem:$0x4180] =	vst v0  }
0x55: {  	v0 =	vld [tilespmem:s0+$0x90];
	_ =	sdelay $0x4  }
0x56: {  	v1 =	vand.u32 $0xFFFF, v0  }
0x57: {  	v0 =	vshra.s32 v0, $0x10;
	[tilespmem:$0x4090] =	vst v1  }
0x58: {  	[tilespmem:$0x4190] =	vst v0  }
0x59: {  	v0 =	vld [tilespmem:s0+$0xA0];
	_ =	sdelay $0x4  }
0x5a: {  	v1 =	vand.u32 $0xFFFF, v0  }
0x5b: {  	v0 =	vshra.s32 v0, $0x10;
	[tilespmem:$0x40A0] =	vst v1  }
0x5c: {  	[tilespmem:$0x41A0] =	vst v0  }
0x5d: {  	v0 =	vld [tilespmem:s0+$0xB0];
	_ =	sdelay $0x4  }
0x5e: {  	v1 =	vand.u32 $0xFFFF, v0  }
0x5f: {  	v0 =	vshra.s32 v0, $0x10;
	[tilespmem:$0x40B0] =	vst v1  }
0x60: {  	[tilespmem:$0x41B0] =	vst v0  }
0x61: {  	v0 =	vld [tilespmem:s0+$0xC0];
	_ =	sdelay $0x4  }
0x62: {  	v1 =	vand.u32 $0xFFFF, v0  }
0x63: {  	v0 =	vshra.s32 v0, $0x10;
	[tilespmem:$0x40C0] =	vst v1  }
0x64: {  	[tilespmem:$0x41C0] =	vst v0  }
0x65: {  	_ =	swait.ge [sflag:s22], $0x2800  }
0x66: {  	[sflag:s22] =	ssyncset.done $0x0  }
0x67: {  	[sflag:s22] =	ssyncadd.s32 $0xFFFFD800  }
0x68: {  	[tilespmem:s26], [sflag:$0x1] =	stream.indirect.gather [hbm4b:s3+s19], $0x80, s23, s19, $0xb8;
	[tilespmem:$0x1CA80] =	vst v63  }
0x69: {  	_ = 	snop  }
0x6a: {  	[spmem:s1] =	stream.indirect.scatter.add.f32 [tilespmem:s21], [sflag:$0x2], $0x80, s28, s19, $0xb8;
	[tilespmem:$0x1CA80] =	vst v63  }
0x6b: {  	_ =	swait.ge [sflag:s16], $0x2800  }
0x6c: {  	[sflag:s16] =	ssyncset.done $0x0  }
0x6d: {  	[sflag:s16] =	ssyncadd.s32 $0xFFFFD800  }
0x6e: {  	_ =	swait.ge [sflag:s22], $0x2800  }
0x6f: {  	[sflag:s22] =	ssyncset.done $0x0  }
0x70: {  	[sflag:s22] =	ssyncadd.s32 $0xFFFFD800  }
0x71: {  	v0 =	vld [tilespmem:s0+$0x100];
	_ =	sdelay $0x4  }
0x72: {  	v1 =	vand.u32 $0xFFFF, v0  }
0x73: {  	v0 =	vshra.s32 v0, $0x10;
	[tilespmem:$0x4000] =	vst v1  }
0x74: {  	[tilespmem:$0x4100] =	vst v0  }
0x75: {  	v0 =	vld [tilespmem:s0+$0x110];
	_ =	sdelay $0x4  }
0x76: {  	v1 =	vand.u32 $0xFFFF, v0  }
0x77: {  	v0 =	vshra.s32 v0, $0x10;
	[tilespmem:$0x4010] =	vst v1  }
0x78: {  	[tilespmem:$0x4110] =	vst v0  }
0x79: {  	v0 =	vld [tilespmem:s0+$0x120];
	_ =	sdelay $0x4  }
0x7a: {  	v1 =	vand.u32 $0xFFFF, v0  }
0x7b: {  	v0 =	vshra.s32 v0, $0x10;
	[tilespmem:$0x4020] =	vst v1  }
0x7c: {  	[tilespmem:$0x4120] =	vst v0  }
0x7d: {  	v0 =	vld [tilespmem:s0+$0x130];
	_ =	sdelay $0x4  }
0x7e: {  	v1 =	vand.u32 $0xFFFF, v0  }
0x7f: {  	v0 =	vshra.s32 v0, $0x10;
	[tilespmem:$0x4030] =	vst v1  }
0x80: {  	[tilespmem:$0x4130] =	vst v0  }
0x81: {  	s31 =	simm.s32 $0x400;
	v0 =	vld [tilespmem:s0+$0x140]  }
.LBB2_8:
0x82: {  	_ =	sdelay $0x1  }
0x83: {  	p2 =	sne.s32 s31, $0xF400;
	s0 =	smov.u32 s31;
	s31 =	sadd.s32 $0x400, s31  }
0x84: {  	_ = 	snop  }
0x85: {  	v1 =	vand.u32 $0xFFFF, v0;
	v0 =	vshra.s32 v0, $0x10  }
0x86: {  	[tilespmem:$0x4040] =	vst v1  }
0x87: {  	[tilespmem:$0x4140] =	vst v0  }
0x88: {  	[tilespmem:s21], [sflag:$0x1] =	stream.indirect.gather [hbm4b:s3+s19], $0x80, s20, s19, $0xb8;
	[tilespmem:$0x1CA80] =	vst v63  }
0x89: {  	_ = 	snop  }
0x8a: {  	[spmem:s1] =	stream.indirect.scatter.add.f32 [tilespmem:s26], [sflag:$0x2], $0x80, s29, s19, $0xb8;
	[tilespmem:$0x1CA80] =	vst v63  }
0x8b: {  	_ =	swait.ge [sflag:s16], $0x2800  }
0x8c: {  	[sflag:s16] =	ssyncset.done $0x0  }
0x8d: {  	s0 =	sshra.s32 s0, $0x2;
	[sflag:s16] =	ssyncadd.s32 $0xFFFFD800  }
0x8e: {  	v0 =	vld [tilespmem:s0+$0x80];
	_ =	sdelay $0x4  }
0x8f: {  	v1 =	vand.u32 $0xFFFF, v0;
	v0 =	vshra.s32 v0, $0x10  }
0x90: {  	[tilespmem:$0x4080] =	vst v1  }
0x91: {  	[tilespmem:$0x4180] =	vst v0  }
0x92: {  	v0 =	vld [tilespmem:s0+$0x90];
	_ =	sdelay $0x4  }
0x93: {  	v1 =	vand.u32 $0xFFFF, v0;
	v0 =	vshra.s32 v0, $0x10  }
0x94: {  	[tilespmem:$0x4090] =	vst v1  }
0x95: {  	[tilespmem:$0x4190] =	vst v0  }
0x96: {  	v0 =	vld [tilespmem:s0+$0xA0];
	_ =	sdelay $0x4  }
0x97: {  	v1 =	vand.u32 $0xFFFF, v0;
	v0 =	vshra.s32 v0, $0x10  }
0x98: {  	[tilespmem:$0x40A0] =	vst v1  }
0x99: {  	[tilespmem:$0x41A0] =	vst v0  }
0x9a: {  	v0 =	vld [tilespmem:s0+$0xB0];
	_ =	sdelay $0x4  }
0x9b: {  	v1 =	vand.u32 $0xFFFF, v0;
	v0 =	vshra.s32 v0, $0x10  }
0x9c: {  	[tilespmem:$0x40B0] =	vst v1  }
0x9d: {  	[tilespmem:$0x41B0] =	vst v0  }
0x9e: {  	v0 =	vld [tilespmem:s0+$0xC0];
	_ =	sdelay $0x4  }
0x9f: {  	v1 =	vand.u32 $0xFFFF, v0;
	v0 =	vshra.s32 v0, $0x10  }
0xa0: {  	[tilespmem:$0x40C0] =	vst v1  }
0xa1: {  	[tilespmem:$0x41C0] =	vst v0  }
0xa2: {  	_ =	swait.ge [sflag:s22], $0x2800  }
0xa3: {  	[sflag:s22] =	ssyncset.done $0x0  }
0xa4: {  	[sflag:s22] =	ssyncadd.s32 $0xFFFFD800  }
0xa5: {  	[tilespmem:s26], [sflag:$0x1] =	stream.indirect.gather [hbm4b:s3+s19], $0x80, s23, s19, $0xb8;
	[tilespmem:$0x1CA80] =	vst v63  }
0xa6: {  	_ = 	snop  }
0xa7: {  	[spmem:s1] =	stream.indirect.scatter.add.f32 [tilespmem:s21], [sflag:$0x2], $0x80, s28, s19, $0xb8;
	[tilespmem:$0x1CA80] =	vst v63  }
0xa8: {  	_ =	swait.ge [sflag:s16], $0x2800  }
0xa9: {  	[sflag:s16] =	ssyncset.done $0x0  }
0xaa: {  	[sflag:s16] =	ssyncadd.s32 $0xFFFFD800  }
0xab: {  	_ =	swait.ge [sflag:s22], $0x2800  }
0xac: {  	[sflag:s22] =	ssyncset.done $0x0  }
0xad: {  	[sflag:s22] =	ssyncadd.s32 $0xFFFFD800  }
0xae: {  	v0 =	vld [tilespmem:s0+$0x100];
	_ =	sdelay $0x4  }
0xaf: {  	v1 =	vand.u32 $0xFFFF, v0;
	v0 =	vshra.s32 v0, $0x10  }
0xb0: {  	[tilespmem:$0x4000] =	vst v1  }
0xb1: {  	[tilespmem:$0x4100] =	vst v0  }
0xb2: {  	v0 =	vld [tilespmem:s0+$0x110];
	_ =	sdelay $0x4  }
0xb3: {  	v1 =	vand.u32 $0xFFFF, v0;
	v0 =	vshra.s32 v0, $0x10  }
0xb4: {  	[tilespmem:$0x4010] =	vst v1  }
0xb5: {  	[tilespmem:$0x4110] =	vst v0  }
0xb6: {  	v0 =	vld [tilespmem:s0+$0x120];
	_ =	sdelay $0x4  }
0xb7: {  	v1 =	vand.u32 $0xFFFF, v0;
	v0 =	vshra.s32 v0, $0x10  }
0xb8: {  	[tilespmem:$0x4020] =	vst v1  }
0xb9: {  	[tilespmem:$0x4120] =	vst v0  }
0xba: {  	v0 =	vld [tilespmem:s0+$0x130];
	_ =	sdelay $0x3  }
.Ltmp4:
0xbb: {  	(pc) =	sbr.rel @p2 .LBB2_8-.Ltmp4, $4  }
0xbc: {  	v1 =	vand.u32 $0xFFFF, v0;
	v0 =	vshra.s32 v0, $0x10  }
0xbd: {  	[tilespmem:$0x4030] =	vst v1  }
0xbe: {  	[tilespmem:$0x4130] =	vst v0  }
0xbf: {  	v0 =	vld [tilespmem:s0+$0x140]  }
0xc0: {  	_ =	sdelay $0x3  }
0xc1: {  	v1 =	vand.u32 $0xFFFF, v0  }
0xc2: {  	v63 =	vshra.s32 v0, $0x10;
	[tilespmem:$0x4040] =	vst v1  }
0xc3: {  	[tilespmem:$0x4140] =	vst v63  }
0xc4: {  	[tilespmem:s21], [sflag:$0x1] =	stream.indirect.gather [hbm4b:s3+s19], $0x80, s20, s19, $0xb8;
	[tilespmem:$0x1CA80] =	vst v63  }
0xc5: {  	_ = 	snop  }
0xc6: {  	[spmem:s1] =	stream.indirect.scatter.add.f32 [tilespmem:s26], [sflag:$0x2], $0x80, s29, s19, $0xb8;
	[tilespmem:$0x1CA80] =	vst v63  }
0xc7: {  	_ =	swait.ge [sflag:s16], $0x2800  }
0xc8: {  	[sflag:s16] =	ssyncset.done $0x0  }
0xc9: {  	[sflag:s16] =	ssyncadd.s32 $0xFFFFD800  }
0xca: {  	_ =	swait.ge [sflag:s22], $0x2800  }
0xcb: {  	[sflag:s22] =	ssyncset.done $0x0  }
0xcc: {  	[sflag:s22] =	ssyncadd.s32 $0xFFFFD800  }
0xcd: {  	[spmem:s1] =	stream.indirect.scatter.add.f32 [tilespmem:s21], [sflag:$0x2], $0x80, s28, s19, $0xb8;
	[tilespmem:$0x1CA80] =	vst v63  }
0xce: {  	_ =	swait.ge [sflag:s16], $0x2800  }
0xcf: {  	[sflag:s16] =	ssyncset.done $0x0  }
0xd0: {  	[sflag:s16] =	ssyncadd.s32 $0xFFFFD800  }
0xd1: {  	[bflag:$0x0] =	sbarrier.arrive $0xFFFF  }
0xd2: {  	[hbm:s12], [sflag:s15] =	dma.local [spmem:s30], $0x2700  }
0xd3: {  	_ =	swait.ge [sflag:s16], $0x2700  }
0xd4: {  	s2 =	sadd.s32 $0x1, s2;
	[sflag:s16] =	ssyncset.done $0x0  }
0xd5: {  	s0 =	sshrl.u32 @!p1 s9, $0x3;
	p2 =	sne.s32 s2, s14;
	[sflag:s16] =	ssyncadd.s32 $0xFFFFD900  }
0xd6: {  	[hbm:s13], [sflag:s15] =	dma.local @!p1 [spmem:s0], $0x100  }
.Ltmp5:
0xd7: {  	_ = 	snop;
	(pc) =	sbr.rel @p2 .LBB2_1-.Ltmp5, $4  }
0xd8: {  	s0 =	simm.s32 @!p1 $0x2  }
0xd9: {  	_ =	swait.ge @!p1 [sflag:s0], $0x100  }
0xda: {  	[sflag:s0] =	ssyncset.done @!p1 $0x0  }
0xdb: {  	[sflag:s0] =	ssyncadd.s32 @!p1 $0xFFFFFF00  }
0xdc: {  	_ =	sfence.sel $0x180000  }
0xdd: {  	[bflag:$0x0] =	sbarrier.arrive $0xFFFF  }
0xde: {  	_ =	strace $0x9000004A  }
0xdf: {  	[bflag:$0x2] =	sbarrier.arrive $0xFFFF  }
0xe0: {  	s0 =	rddreg [dreg:$0x2]  }
0xe1: {  	s0 =	sadd.s32 @!p1 $0x100000, s0  }
0xe2: {  	[sflag:s0] =	ssyncadd.tile.s32 @!p1 $0x1;
	_ =	shalt  }
.Lfunc_end2:
_tile_overlayer_lowered:
.L_overlay_start_2:
0xe3: {  	(tag) =	ssettag $0x2  }
0xe4: {  	s0 =	rddreg [dreg:$0x0];
	s2 =	stileid.u32  }
0xe5: {  	s1 =	rddreg [dreg:$0x1];
	p0 =	sne.s32 s2, $0x0  }
0xe6: {  	s3 =	rddreg [dreg:$0x2];
	[bflag:$0x3] =	sbarrier.arrive $0xFFFF;
	s2 =	simm.s32 @!p0 $0x1C02  }
0xe7: {  	[timem:s3], [sflag:s2] =	dma.local @!p0 [hbm:s0], s1  }
0xe8: {  	s0 =	simm.s32 @!p0 $0x2  }
0xe9: {  	_ =	swait.ge @!p0 [sflag:s0], s1  }
0xea: {  	s1 =	ssub.s32 @!p0 $0x0, s1;
	[sflag:s0] =	ssyncset.done @!p0 $0x0  }
0xeb: {  	[sflag:s0] =	ssyncadd.s32 @!p0 s1  }
0xec: {  	[bflag:$0x3] =	sbarrier.arrive $0xFFFF  }
0xed: {  	_ =	shalt  }

// kernel: kernel.14.cloned.1.call-start
scs
__scs_entry_jumppad:
0x0: {  	(pc) =	sbr.rel $0x88, $3  }
0x1: {  	(tag) =	ssettag $0x0;
	lr =	simm.s32 $0x1  }
0x2: {  	[smem:$0x3F97] =	sst lr;
	_ =	strace $0xD0000000  }
0x3: {  	_ = 	snop  }
0x4: {  	_ = 	snop  }
0x5: {  	_ = 	snop  }
0x6: {  	_ = 	snop  }
0x7: {  	_ = 	snop  }
__scs_overlays_trampoline_lowered:
0x8: {  	[smem:$0x3FA6] =	sst s0  }
0x9: {  	[smem:$0x3FA7] =	sst s1  }
0xa: {  	[smem:$0x3FA8] =	sst s2  }
0xb: {  	[smem:$0x3FA9] =	sst s3  }
0xc: {  	[smem:$0x3FAA] =	sst s4  }
0xd: {  	[smem:$0x3FAB] =	sst s5  }
0xe: {  	[smem:$0x3FAC] =	sst s6  }
0xf: {  	[smem:$0x3FAD] =	sst s7  }
0x10: {  	[smem:$0x3FAE] =	sst s8  }
0x11: {  	[smem:$0x3FAF] =	sst s9;
	s0 =	simm.s32 @!p0 $0x0  }
0x12: {  	s1 =	sld [smem:$0x3F95];
	s0 =	simm.s32 @p0 $0x1  }
0x13: {  	[smem:$0x3FB0] =	sst s0;
	s0 =	simm.s32 @!p1 $0x0  }
0x14: {  	s2 =	sld [smem:$0x3F94];
	s0 =	simm.s32 @p1 $0x1  }
0x15: {  	[smem:$0x3FB1] =	sst s0;
	s0 =	simm.s32 @!p2 $0x0  }
0x16: {  	s3 =	sld [smem:$0x3FDB];
	s0 =	simm.s32 @p2 $0x1  }
0x17: {  	s4 =	simm.s32 $0x1BF5;
	[smem:$0x3FB3] =	sst s0  }
0x18: {  	s0 =	sld [smem:$0x3F96];
	_ =	swait.ge [sflag:s4], $0x0  }
0x19: {  	s7 =	sld [smem:$0x3F97]  }
0x1a: {  	s8 =	sadd.s32 $0xFFFFE003, lr  }
0x1b: {  	s9 =	sadd.s32 $0xFFFFFEF7, lr;
	s5 =	simm.s32 $0xFFFFFFFF;
	p2 =	slt.u32 s8, $0xFFFFF086  }
0x1c: {  	p1 =	slt.u32 s9, $0xF7A;
	s5 =	simm.s32 @!p2 $0x0  }
0x1d: {  	s5 =	simm.s32 @p1 $0x1;
	p0 =	seq.s32 s7, s2  }
0x1e: {  	s7 =	smul.u32 @!p0 $0xF7A, s2;
	p2 =	seq.s32 @!p0 s5, $0x0  }
0x1f: {  	s9 =	smul.u32 $0xF7A, s1;
	s8 =	simm.s32 @!p0 $0x1BF5;
	p2 =	por !p2, p0  }
0x20: {  	[sflag:s8] =	ssyncset.s32 @!p0 $0xFFFFF086;
	s6 =	sadd.s32 @!p0 s3, s7;
	s7 =	simm.s32 @!p0 $0x108  }
0x21: {  	s3 =	sadd.s32 s3, s9;
	s6 =	sadd.s32 @!p0 $0x88, s6;
	s7 =	simm.s32 @p2 $0x1082  }
0x22: {  	[simem:s7], [sflag:s8] =	dma.local @!p0 [hbm:s6], $0xF7A  }
0x23: {  	s9 =	sor.u32 $0xD0000000, s2;
	s6 =	simm.s32 $0x108;
	_ =	swait.ge @!p0 [sflag:s8], $0x0  }
0x24: {  	s3 =	sadd.s32 $0x88, s3;
	s6 =	simm.s32 @!p1 $0x1082;
	[sflag:s4] =	ssyncset.s32 $0xFFFFF086  }
0x25: {  	[simem:s6], [sflag:s4] =	dma.local [hbm:s3], $0xF7A  }
0x26: {  	[smem:$0x3F97] =	sst s1;
	(tag) =	ssettag s2;
	_ =	strace s9  }
0x27: {  	s1 =	sld [smem:$0x3FA7]  }
0x28: {  	s2 =	sld [smem:$0x3FA8]  }
0x29: {  	s4 =	sld [smem:$0x3FAA]  }
0x2a: {  	p0 =	seq.s32 s5, $0x0;
	s5 =	sld [smem:$0x3FAB]  }
0x2b: {  	s6 =	sld [smem:$0x3FAC]  }
0x2c: {  	s7 =	sld [smem:$0x3FAD]  }
0x2d: {  	s3 =	simm.s32 $0x108;
	s8 =	sld [smem:$0x3FAE]  }
0x2e: {  	s3 =	simm.s32 @!p0 $0x1082;
	s9 =	sld [smem:$0x3FAF]  }
0x2f: {  	lr =	sadd.s32 s0, s3;
	s0 =	sld [smem:$0x3FA6]  }
0x30: {  	s3 =	sld [smem:$0x3FA9]  }
0x31: {  	[smem:$0x3FB2] =	sst s10  }
0x32: {  	s10 =	sld [smem:$0x3FB0];
	_ =	sdelay $0x3  }
0x33: {  	p0 =	seq.s32 s10, $0x1;
	s10 =	sld [smem:$0x3FB2];
	_ =	sdelay $0x3  }
0x34: {  	[smem:$0x3FB2] =	sst s10  }
0x35: {  	s10 =	sld [smem:$0x3FB1];
	_ =	sdelay $0x3  }
0x36: {  	p1 =	seq.s32 s10, $0x1;
	s10 =	sld [smem:$0x3FB2];
	_ =	sdelay $0x3  }
0x37: {  	[smem:$0x3FB2] =	sst s10  }
0x38: {  	s10 =	sld [smem:$0x3FB3]  }
0x39: {  	_ = 	snop;
	(pc) =	sbr.ind lr, $3  }
0x3a: {  	_ = 	snop  }
0x3b: {  	_ = 	snop  }
0x3c: {  	p2 =	seq.s32 s10, $0x1;
	s10 =	sld [smem:$0x3FB2]  }
0x3d: {  	_ =	shalt  }
0x3e: {  	_ =	shalt  }
0x3f: {  	_ =	shalt  }
0x40: {  	_ =	shalt  }
0x41: {  	_ =	shalt  }
0x42: {  	_ =	shalt  }
0x43: {  	_ =	shalt  }
0x44: {  	_ =	shalt  }
0x45: {  	_ =	shalt  }
0x46: {  	_ =	shalt  }
0x47: {  	_ =	shalt  }
0x48: {  	_ =	shalt  }
0x49: {  	_ =	shalt  }
0x4a: {  	_ =	shalt  }
0x4b: {  	_ =	shalt  }
0x4c: {  	_ =	shalt  }
0x4d: {  	_ =	shalt  }
0x4e: {  	_ =	shalt  }
0x4f: {  	_ =	shalt  }
0x50: {  	_ =	shalt  }
0x51: {  	_ =	shalt  }
0x52: {  	_ =	shalt  }
0x53: {  	_ =	shalt  }
0x54: {  	_ =	shalt  }
0x55: {  	_ =	shalt  }
0x56: {  	_ =	shalt  }
0x57: {  	_ =	shalt  }
0x58: {  	_ =	shalt  }
0x59: {  	_ =	shalt  }
0x5a: {  	_ =	shalt  }
0x5b: {  	_ =	shalt  }
0x5c: {  	_ =	shalt  }
0x5d: {  	_ =	shalt  }
0x5e: {  	_ =	shalt  }
0x5f: {  	_ =	shalt  }
0x60: {  	_ =	shalt  }
0x61: {  	_ =	shalt  }
0x62: {  	_ =	shalt  }
0x63: {  	_ =	shalt  }
0x64: {  	_ =	shalt  }
0x65: {  	_ =	shalt  }
0x66: {  	_ =	shalt  }
0x67: {  	_ =	shalt  }
0x68: {  	_ =	shalt  }
0x69: {  	_ =	shalt  }
0x6a: {  	_ =	shalt  }
0x6b: {  	_ =	shalt  }
0x6c: {  	_ =	shalt  }
0x6d: {  	_ =	shalt  }
0x6e: {  	_ =	shalt  }
0x6f: {  	_ =	shalt  }
0x70: {  	_ =	shalt  }
0x71: {  	_ =	shalt  }
0x72: {  	_ =	shalt  }
0x73: {  	_ =	shalt  }
0x74: {  	_ =	shalt  }
0x75: {  	_ =	shalt  }
0x76: {  	_ =	shalt  }
0x77: {  	_ =	shalt  }
0x78: {  	_ =	shalt  }
0x79: {  	_ =	shalt  }
0x7a: {  	_ =	shalt  }
0x7b: {  	_ =	shalt  }
0x7c: {  	_ =	shalt  }
0x7d: {  	_ =	shalt  }
0x7e: {  	_ =	shalt  }
0x7f: {  	_ =	shalt  }
0x80: {  	_ =	shalt  }
0x81: {  	_ =	shalt  }
0x82: {  	_ =	shalt  }
0x83: {  	_ =	shalt  }
0x84: {  	_ =	shalt  }
0x85: {  	_ =	shalt  }
0x86: {  	_ =	shalt  }
0x87: {  	_ =	shalt  }
.Lfunc_end0:
.L_simem_size_0:
called_computation.2_lowered:
.L_overlay_start_0:
0x88: {  	s2 =	sld [smem:$0x3FD9]  }
0x89: {  	s3 =	sld [smem:$0x3FFE];
	_ =	sdelay $0x1  }
0x8a: {  	s1 =	srdreg.scid  }
0x8b: {  	s0 =	sand.u32 $0x1, s1  }
0x8c: {  	s16 =	sshll.u32 s0, $0xA;
	s2 =	sadd.s32 s3, s2  }
0x8d: {  	s2 =	sadd.s32 s2, s16  }
0x8e: {  	[smem:$0x3FBE] =	sst s2  }
0x8f: {  	_ = 	snop  }
0x90: {  	(tm) =	ssettm $0x1  }
0x91: {  	s17 =	sld [smem:$0x3FFB];
	_ =	sdelay $0x3  }
0x92: {  	_ =	strace s17  }
0x93: {  	s2 =	sld [smem:$0x3FFC];
	_ =	sdelay $0x3  }
0x94: {  	_ =	strace s2  }
0x95: {  	s2 =	sld [smem:$0x3FFD];
	_ =	sdelay $0x3  }
0x96: {  	_ =	strace s2  }
0x97: {  	_ =	strace $0x8FFFFFFF  }
0x98: {  	s18 =	sld [smem:$0x3FDB];
	_ =	sdelay $0x1  }
0x99: {  	s19 =	simm.s32 $_scs_section_size  }
0x9a: {  	s4 =	simm.s32 $_size__tile_overlayer_lowered;
	s5 =	simm.s32 $_tile_overlayer_lowered  }
0x9b: {  	s22 =	simm.s32 $0x1BFF;
	s21 =	sshll.u32 s5, $0x1;
	s2 =	sadd.s32 s19, s18  }
0x9c: {  	s6 =	simm.s32 $0x0;
	s20 =	sshll.u32 s4, $0x1;
	s4 =	sadd.s32 s21, s2  }
0x9d: {  	[timem:s6], [sflag:s22] =	dma.local [hbm:s4], s20  }
0x9e: {  	_ =	swait.ge [sflag:s22], s20  }
0x9f: {  	s3 =	ssub.s32 $0x0, s20;
	[sflag:s22] =	ssyncset.done $0x0  }
0xa0: {  	[sflag:s22] =	ssyncadd.s32 s3;
	_ =	sdelay $0x1  }
0xa1: {  	s23 =	simm.s32 $0x1B8B  }
0xa2: {  	_ =	swait.ge [sflag:s23], $0x1  }
0xa3: {  	[sflag:s23] =	ssyncset.done $0x0  }
0xa4: {  	s25 =	simm.s32 $0x1B8E;
	s24 =	sld [smem:$0x3FFE];
	[sflag:s23] =	ssyncadd.s32 $0xFFFFFFFF  }
0xa5: {  	s26 =	simm.s32 $execute0_lowered;
	[smem:$0x3FD2] =	sst s25  }
0xa6: {  	s4 =	sshll.u32 s26, $0x1;
	_ =	strace $0x8000004C;
	[dreg:$0x1] =	wrdreg $0xFFFFFFFF  }
0xa7: {  	s28 =	simm.s32 $_size_execute0_lowered;
	s2 =	sadd.s32 s2, s4;
	[dreg:$0x0] =	wrdreg $0x0  }
0xa8: {  	s4 =	sshll.u32 s28, $0x1;
	[dreg:$0x2] =	wrdreg s2  }
0xa9: {  	[dreg:$0x3] =	wrdreg s4  }
0xaa: {  	[dreg:$0x4] =	wrdreg $0xC0  }
0xab: {  	_ =	task [dreg:s6], $0x5FFFF  }
0xac: {  	[dreg:$0x1] =	wrdreg $0xFFFFFFFF  }
0xad: {  	[dreg:$0x0] =	wrdreg $0x60  }
0xae: {  	[dreg:$0x2] =	wrdreg s24  }
0xaf: {  	[dreg:$0x3] =	wrdreg $0x92000  }
0xb0: {  	[dreg:$0x4] =	wrdreg $0x9  }
0xb1: {  	_ =	task.clear_ibuf [dreg:s6], $0x5FFFF;
	_ =	strace $0x9000004C  }
0xb2: {  	s29 =	simm.s32 $0x9;
	_ =	strace $0x8000004E  }
0xb3: {  	_ =	swait.ge [sflag:s29], $0x1  }
0xb4: {  	[sflag:s29] =	ssyncadd.s32 $0xFFFFFFFF  }
0xb5: {  	_ =	strace $0x9000004E  }
0xb6: {  	_ =	sfence  }
0xb7: {  	s30 =	sld [smem:$0x0];
	_ =	sdelay $0x2  }
0xb8: {  	s31 =	sshll.u32 s1, $0xD;
	s1 =	sshrl.u32 s1, $0x2  }
0xb9: {  	s3 =	sand.u32 $0x4000, s31;
	s1 =	sadd.s32 s1, s30  }
0xba: {  	s0 =	sor.u32 s3, s0;
	s1 =	sshll.u32 s1, $0x11  }
0xbb: {  	s0 =	sor.u32 s1, s0  }
0xbc: {  	s0 =	sadd.s32 $0x8F2B, s0  }
0xbd: {  	[sflag:s0] =	ssyncadd.remote.s32 $0x1  }
0xbe: {  	_ =	sfence.sel $0xFFFF  }
0xbf: {  	[dreg:$0x0] =	wrdreg $0xFFFFFFFF;
	(pc) =	sbr.abs _section_cstart, $3  }
0xc0: {  	[dreg:$0x1] =	wrdreg $0xFFFFFFFF  }
0xc1: {  	_ =	task.clear_ibuf [dreg:s6], $0x2FFFF;
	_ =	strace $0x9FFFFFFF  }
0xc2: {  	(tm) =	ssettm $0x7FFFFFFF  }
0xc3: {  	_ =	shalt  }
tec
execute0_lowered:
.L_overlay_start_1:
0x0: {  	(tag) =	ssettag $0x1  }
0x1: {  	s0 =	rddreg [dreg:$0x0]  }
0x2: {  	s1 =	rddreg [dreg:$0x1]  }
0x3: {  	s2 =	simm.s32 $0x0;
	s3 =	srdreg.scid;
	s15 =	stileid.u32  }
0x4: {  	s19 =	simm.s32 $0x50;
	s20 =	simm.s32 $0x4000;
	s21 =	simm.s32 $0x4200  }
0x5: {  	s28 =	simm.s32 $0x4100;
	s29 =	simm.s32 $0x4180;
	s6 =	smul.u32 $0x4E000, s15  }
0x6: {  	[smem:$0x7FF] =	sst s2;
	s8 =	sand.u32 $0x1, s3;
	s9 =	smul.u32 $0x270, s15  }
0x7: {  	s3 =	sadd.s32 $0x12E00, s0;
	s13 =	sadd.s32 $0x3A000, s0;
	s23 =	smul.u32 $0x2700, s15  }
0x8: {  	s16 =	smul.u32 $0x13800, s15;
	s17 =	sshll.u32 s15, $0xC;
	s31 =	sshll.u32 s15, $0x6  }
0x9: {  	p1 =	sne.s32 s15, $0x0;
	_ =	strace $0x8000004D;
	s4 =	sshll.u32 s8, $0xB  }
0xa: {  	s5 =	ssub.s32 $0x2, s8;
	p0 =	seq.s32 s8, $0x1;
	s12 =	smul.u32 $0x138800, s8  }
0xb: {  	s15 =	sor.u32 $0x1C02, s31;
	s11 =	sadd.s32 s4, s0;
	s4 =	sadd.s32 $0x12000, s0  }
0xc: {  	s7 =	sshrl.u32 s5, $0x1;
	s22 =	sshrl.u32 s6, $0x2;
	s24 =	sadd.s32 $0xD0, s9  }
0xd: {  	s6 =	sadd.s32 s3, s23;
	s9 =	sadd.s32 $0x1A0, s9;
	s23 =	simm.s32 $0x4080  }
0xe: {  	s14 =	ssub.s32 s5, s7;
	s5 =	sadd.s32 s22, s1;
	s10 =	sshll.u32 s24, $0x7  }
0xf: {  	s7 =	sshll.u32 s24, $0x4;
	s25 =	sshll.u32 s9, $0x7;
	s9 =	sshll.u32 s9, $0x4  }
0x10: {  	s16 =	sadd.s32 s16, s12;
	s11 =	sadd.s32 s17, s11;
	s30 =	sshrl.u32 s12, $0x3  }
0x11: {  	s22 =	simm.s32 $0x1;
	s24 =	sadd.s32 s10, s1;
	s7 =	sadd.s32 s3, s7  }
0x12: {  	s25 =	sadd.s32 s25, s1;
	s8 =	sadd.s32 s3, s9;
	s9 =	sadd.s32 $0x138000, s1  }
0x13: {  	s10 =	sadd.s32 $0x39E00, s0;
	s26 =	sadd.s32 $0x6800, s5;
	s18 =	sadd.s32 $0xD000, s5  }
0x14: {  	s16 =	sshrl.u32 s16, $0x3;
	s11 =	sadd.s32 $0x2000, s11;
	s14 =	smax.u32 s14, $0x1  }
0x15: {  	s12 =	sadd.s32 s13, s16;
	s13 =	sadd.s32 s13, s30;
	s16 =	simm.s32 $0x2  }
0x16: {  	s17 =	sshrl.u32 s26, $0x3;
	s18 =	sshrl.u32 s18, $0x3;
	s24 =	sshrl.u32 s24, $0x3  }
0x17: {  	s25 =	sshrl.u32 s25, $0x3;
	s26 =	simm.s32 $0x6A00;
	s13 =	sadd.s32 $0x27000, s13  }
.LBB2_1:
.Ltmp0:
0x18: {  	(pc) =	sbr.rel @!p0 .LBB2_2-.Ltmp0, $2  }
0x19: {  	_ =	sdelay $0x2  }
0x1a: {  	s30 =	sshrl.u32 s5, $0x3  }
0x1b: {  	[spmem:s30], [sflag:s15] =	dma.local [hbm:s4], $0xD00  }
0x1c: {  	_ =	swait.ge [sflag:s16], $0xD00  }
0x1d: {  	[sflag:s16] =	ssyncset.done $0x0  }
0x1e: {  	[sflag:s16] =	ssyncadd.s32 $0xFFFFF300  }
0x1f: {  	[spmem:s17], [sflag:s15] =	dma.local [hbm:s4], $0xD00  }
0x20: {  	_ =	swait.ge [sflag:s16], $0xD00  }
0x21: {  	[sflag:s16] =	ssyncset.done $0x0  }
.Ltmp1:
0x22: {  	[sflag:s16] =	ssyncadd.s32 $0xFFFFF300;
	(pc) =	sbr.rel @p1 .LBB2_7-.Ltmp1, $4  }
0x23: {  	[spmem:s18], [sflag:s15] =	dma.local [hbm:s4], $0xD00  }
0x24: {  	_ =	swait.ge [sflag:s16], $0xD00  }
0x25: {  	[sflag:s16] =	ssyncset.done $0x0  }
0x26: {  	[sflag:s16] =	ssyncadd.s32 $0xFFFFF300  }
.Ltmp2:
0x27: {  	(pc) =	sbr.rel .LBB2_6-.Ltmp2, $3  }
0x28: {  	_ =	sdelay $0x1  }
0x29: {  	s0 =	sshrl.u32 s9, $0x3  }
0x2a: {  	[spmem:s0], [sflag:s15] =	dma.local [hbm:s4], $0x100  }
.LBB2_2:
0x2b: {  	[spmem:s30], [sflag:s15] =	dma.local [hbm:s6], $0xD00  }
0x2c: {  	_ =	swait.ge [sflag:s16], $0xD00  }
0x2d: {  	[sflag:s16] =	ssyncset.done $0x0  }
0x2e: {  	[sflag:s16] =	ssyncadd.s32 $0xFFFFF300  }
0x2f: {  	[spmem:s24], [sflag:s15] =	dma.local [hbm:s7], $0xD00  }
0x30: {  	_ =	swait.ge [sflag:s16], $0xD00  }
0x31: {  	[sflag:s16] =	ssyncset.done $0x0  }
.Ltmp3:
0x32: {  	[sflag:s16] =	ssyncadd.s32 $0xFFFFF300;
	(pc) =	sbr.rel @p1 .LBB2_7-.Ltmp3, $4  }
0x33: {  	[spmem:s25], [sflag:s15] =	dma.local [hbm:s8], $0xD00  }
0x34: {  	_ =	swait.ge [sflag:s16], $0xD00  }
0x35: {  	[sflag:s16] =	ssyncset.done $0x0  }
0x36: {  	[sflag:s16] =	ssyncadd.s32 $0xFFFFF300  }
0x37: {  	s0 =	sshrl.u32 s9, $0x3  }
0x38: {  	[spmem:s0], [sflag:s15] =	dma.local [hbm:s10], $0x100  }
.LBB2_6:
0x39: {  	_ =	swait.ge [sflag:s16], $0x100  }
0x3a: {  	[sflag:s16] =	ssyncset.done $0x0  }
0x3b: {  	[sflag:s16] =	ssyncadd.s32 $0xFFFFFF00  }
.LBB2_7:
0x3c: {  	s0 =	simm.s32 $0x0  }
0x3d: {  	[tilespmem:s0], [sflag:$0x2] =	stream.linear.gather [hbm4b:s11+s0], $0x3E80, $0x38;
	[tilespmem:$0x1CA80] =	vst v63  }
0x3e: {  	_ =	swait.ge [sflag:s16], $0x3E80  }
0x3f: {  	[sflag:s16] =	ssyncset.done $0x0  }
0x40: {  	[sflag:s16] =	ssyncadd.s32 $0xFFFFC180  }
0x41: {  	[bflag:$0x0] =	sbarrier.arrive $0xFFFF  }
0x42: {  	v0 =	vld [tilespmem:$0x0];
	_ =	sdelay $0x1  }
0x43: {  	v1 =	vld [tilespmem:$0x10];
	_ =	sdelay $0x1  }
0x44: {  	v2 =	vld [tilespmem:$0x20]  }
0x45: {  	v3 =	vand.u32 $0xFFFF, v0  }
0x46: {  	v0 =	vshra.s32 v0, $0x10;
	[tilespmem:$0x4000] =	vst v3;
	v3 =	vld [tilespmem:$0x30]  }
0x47: {  	[tilespmem:$0x4100] =	vst v0;
	v0 =	vand.u32 $0xFFFF, v1  }
0x48: {  	[tilespmem:$0x4010] =	vst v0;
	v0 =	vshra.s32 v1, $0x10;
	v1 =	vld [tilespmem:$0x40]  }
0x49: {  	[tilespmem:$0x4110] =	vst v0;
	v0 =	vand.u32 $0xFFFF, v2  }
0x4a: {  	[tilespmem:$0x4020] =	vst v0;
	v0 =	vshra.s32 v2, $0x10  }
0x4b: {  	[tilespmem:$0x4120] =	vst v0;
	v0 =	vand.u32 $0xFFFF, v3  }
0x4c: {  	[tilespmem:$0x4030] =	vst v0;
	v0 =	vshra.s32 v3, $0x10  }
0x4d: {  	[tilespmem:$0x4130] =	vst v0;
	v0 =	vand.u32 $0xFFFF, v1  }
0x4e: {  	[tilespmem:$0x4040] =	vst v0;
	v0 =	vshra.s32 v1, $0x10  }
0x4f: {  	s0 =	simm.s32 $0x0;
	[tilespmem:$0x4140] =	vst v0  }
0x50: {  	[tilespmem:s21], [sflag:$0x1] =	stream.indirect.gather [hbm4b:s3+s19], $0x80, s20, s19, $0xb8;
	[tilespmem:$0x1CA80] =	vst v63  }
0x51: {  	v0 =	vld [tilespmem:s0+$0x80];
	_ =	sdelay $0x4  }
0x52: {  	v1 =	vand.u32 $0xFFFF, v0  }
0x53: {  	v0 =	vshra.s32 v0, $0x10;
	[tilespmem:$0x4080] =	vst v1  }
0x54: {  	[tilespmem:$0x4180] =	vst v0  }
0x55: {  	v0 =	vld [tilespmem:s0+$0x90];
	_ =	sdelay $0x4  }
0x56: {  	v1 =	vand.u32 $0xFFFF, v0  }
0x57: {  	v0 =	vshra.s32 v0, $0x10;
	[tilespmem:$0x4090] =	vst v1  }
0x58: {  	[tilespmem:$0x4190] =	vst v0  }
0x59: {  	v0 =	vld [tilespmem:s0+$0xA0];
	_ =	sdelay $0x4  }
0x5a: {  	v1 =	vand.u32 $0xFFFF, v0  }
0x5b: {  	v0 =	vshra.s32 v0, $0x10;
	[tilespmem:$0x40A0] =	vst v1  }
0x5c: {  	[tilespmem:$0x41A0] =	vst v0  }
0x5d: {  	v0 =	vld [tilespmem:s0+$0xB0];
	_ =	sdelay $0x4  }
0x5e: {  	v1 =	vand.u32 $0xFFFF, v0  }
0x5f: {  	v0 =	vshra.s32 v0, $0x10;
	[tilespmem:$0x40B0] =	vst v1  }
0x60: {  	[tilespmem:$0x41B0] =	vst v0  }
0x61: {  	v0 =	vld [tilespmem:s0+$0xC0];
	_ =	sdelay $0x4  }
0x62: {  	v1 =	vand.u32 $0xFFFF, v0  }
0x63: {  	v0 =	vshra.s32 v0, $0x10;
	[tilespmem:$0x40C0] =	vst v1  }
0x64: {  	[tilespmem:$0x41C0] =	vst v0  }
0x65: {  	_ =	swait.ge [sflag:s22], $0x2800  }
0x66: {  	[sflag:s22] =	ssyncset.done $0x0  }
0x67: {  	[sflag:s22] =	ssyncadd.s32 $0xFFFFD800  }
0x68: {  	[tilespmem:s26], [sflag:$0x1] =	stream.indirect.gather [hbm4b:s3+s19], $0x80, s23, s19, $0xb8;
	[tilespmem:$0x1CA80] =	vst v63  }
0x69: {  	_ = 	snop  }
0x6a: {  	[spmem:s1] =	stream.indirect.scatter.add.f32 [tilespmem:s21], [sflag:$0x2], $0x80, s28, s19, $0xb8;
	[tilespmem:$0x1CA80] =	vst v63  }
0x6b: {  	_ =	swait.ge [sflag:s16], $0x2800  }
0x6c: {  	[sflag:s16] =	ssyncset.done $0x0  }
0x6d: {  	[sflag:s16] =	ssyncadd.s32 $0xFFFFD800  }
0x6e: {  	_ =	swait.ge [sflag:s22], $0x2800  }
0x6f: {  	[sflag:s22] =	ssyncset.done $0x0  }
0x70: {  	[sflag:s22] =	ssyncadd.s32 $0xFFFFD800  }
0x71: {  	v0 =	vld [tilespmem:s0+$0x100];
	_ =	sdelay $0x4  }
0x72: {  	v1 =	vand.u32 $0xFFFF, v0  }
0x73: {  	v0 =	vshra.s32 v0, $0x10;
	[tilespmem:$0x4000] =	vst v1  }
0x74: {  	[tilespmem:$0x4100] =	vst v0  }
0x75: {  	v0 =	vld [tilespmem:s0+$0x110];
	_ =	sdelay $0x4  }
0x76: {  	v1 =	vand.u32 $0xFFFF, v0  }
0x77: {  	v0 =	vshra.s32 v0, $0x10;
	[tilespmem:$0x4010] =	vst v1  }
0x78: {  	[tilespmem:$0x4110] =	vst v0  }
0x79: {  	v0 =	vld [tilespmem:s0+$0x120];
	_ =	sdelay $0x4  }
0x7a: {  	v1 =	vand.u32 $0xFFFF, v0  }
0x7b: {  	v0 =	vshra.s32 v0, $0x10;
	[tilespmem:$0x4020] =	vst v1  }
0x7c: {  	[tilespmem:$0x4120] =	vst v0  }
0x7d: {  	v0 =	vld [tilespmem:s0+$0x130];
	_ =	sdelay $0x4  }
0x7e: {  	v1 =	vand.u32 $0xFFFF, v0  }
0x7f: {  	v0 =	vshra.s32 v0, $0x10;
	[tilespmem:$0x4030] =	vst v1  }
0x80: {  	[tilespmem:$0x4130] =	vst v0  }
0x81: {  	s31 =	simm.s32 $0x400;
	v0 =	vld [tilespmem:s0+$0x140]  }
.LBB2_8:
0x82: {  	_ =	sdelay $0x1  }
0x83: {  	p2 =	sne.s32 s31, $0xF400;
	s0 =	smov.u32 s31;
	s31 =	sadd.s32 $0x400, s31  }
0x84: {  	_ = 	snop  }
0x85: {  	v1 =	vand.u32 $0xFFFF, v0;
	v0 =	vshra.s32 v0, $0x10  }
0x86: {  	[tilespmem:$0x4040] =	vst v1  }
0x87: {  	[tilespmem:$0x4140] =	vst v0  }
0x88: {  	[tilespmem:s21], [sflag:$0x1] =	stream.indirect.gather [hbm4b:s3+s19], $0x80, s20, s19, $0xb8;
	[tilespmem:$0x1CA80] =	vst v63  }
0x89: {  	_ = 	snop  }
0x8a: {  	[spmem:s1] =	stream.indirect.scatter.add.f32 [tilespmem:s26], [sflag:$0x2], $0x80, s29, s19, $0xb8;
	[tilespmem:$0x1CA80] =	vst v63  }
0x8b: {  	_ =	swait.ge [sflag:s16], $0x2800  }
0x8c: {  	[sflag:s16] =	ssyncset.done $0x0  }
0x8d: {  	s0 =	sshra.s32 s0, $0x2;
	[sflag:s16] =	ssyncadd.s32 $0xFFFFD800  }
0x8e: {  	v0 =	vld [tilespmem:s0+$0x80];
	_ =	sdelay $0x4  }
0x8f: {  	v1 =	vand.u32 $0xFFFF, v0;
	v0 =	vshra.s32 v0, $0x10  }
0x90: {  	[tilespmem:$0x4080] =	vst v1  }
0x91: {  	[tilespmem:$0x4180] =	vst v0  }
0x92: {  	v0 =	vld [tilespmem:s0+$0x90];
	_ =	sdelay $0x4  }
0x93: {  	v1 =	vand.u32 $0xFFFF, v0;
	v0 =	vshra.s32 v0, $0x10  }
0x94: {  	[tilespmem:$0x4090] =	vst v1  }
0x95: {  	[tilespmem:$0x4190] =	vst v0  }
0x96: {  	v0 =	vld [tilespmem:s0+$0xA0];
	_ =	sdelay $0x4  }
0x97: {  	v1 =	vand.u32 $0xFFFF, v0;
	v0 =	vshra.s32 v0, $0x10  }
0x98: {  	[tilespmem:$0x40A0] =	vst v1  }
0x99: {  	[tilespmem:$0x41A0] =	vst v0  }
0x9a: {  	v0 =	vld [tilespmem:s0+$0xB0];
	_ =	sdelay $0x4  }
0x9b: {  	v1 =	vand.u32 $0xFFFF, v0;
	v0 =	vshra.s32 v0, $0x10  }
0x9c: {  	[tilespmem:$0x40B0] =	vst v1  }
0x9d: {  	[tilespmem:$0x41B0] =	vst v0  }
0x9e: {  	v0 =	vld [tilespmem:s0+$0xC0];
	_ =	sdelay $0x4  }
0x9f: {  	v1 =	vand.u32 $0xFFFF, v0;
	v0 =	vshra.s32 v0, $0x10  }
0xa0: {  	[tilespmem:$0x40C0] =	vst v1  }
0xa1: {  	[tilespmem:$0x41C0] =	vst v0  }
0xa2: {  	_ =	swait.ge [sflag:s22], $0x2800  }
0xa3: {  	[sflag:s22] =	ssyncset.done $0x0  }
0xa4: {  	[sflag:s22] =	ssyncadd.s32 $0xFFFFD800  }
0xa5: {  	[tilespmem:s26], [sflag:$0x1] =	stream.indirect.gather [hbm4b:s3+s19], $0x80, s23, s19, $0xb8;
	[tilespmem:$0x1CA80] =	vst v63  }
0xa6: {  	_ = 	snop  }
0xa7: {  	[spmem:s1] =	stream.indirect.scatter.add.f32 [tilespmem:s21], [sflag:$0x2], $0x80, s28, s19, $0xb8;
	[tilespmem:$0x1CA80] =	vst v63  }
0xa8: {  	_ =	swait.ge [sflag:s16], $0x2800  }
0xa9: {  	[sflag:s16] =	ssyncset.done $0x0  }
0xaa: {  	[sflag:s16] =	ssyncadd.s32 $0xFFFFD800  }
0xab: {  	_ =	swait.ge [sflag:s22], $0x2800  }
0xac: {  	[sflag:s22] =	ssyncset.done $0x0  }
0xad: {  	[sflag:s22] =	ssyncadd.s32 $0xFFFFD800  }
0xae: {  	v0 =	vld [tilespmem:s0+$0x100];
	_ =	sdelay $0x4  }
0xaf: {  	v1 =	vand.u32 $0xFFFF, v0;
	v0 =	vshra.s32 v0, $0x10  }
0xb0: {  	[tilespmem:$0x4000] =	vst v1  }
0xb1: {  	[tilespmem:$0x4100] =	vst v0  }
0xb2: {  	v0 =	vld [tilespmem:s0+$0x110];
	_ =	sdelay $0x4  }
0xb3: {  	v1 =	vand.u32 $0xFFFF, v0;
	v0 =	vshra.s32 v0, $0x10  }
0xb4: {  	[tilespmem:$0x4010] =	vst v1  }
0xb5: {  	[tilespmem:$0x4110] =	vst v0  }
0xb6: {  	v0 =	vld [tilespmem:s0+$0x120];
	_ =	sdelay $0x4  }
0xb7: {  	v1 =	vand.u32 $0xFFFF, v0;
	v0 =	vshra.s32 v0, $0x10  }
0xb8: {  	[tilespmem:$0x4020] =	vst v1  }
0xb9: {  	[tilespmem:$0x4120] =	vst v0  }
0xba: {  	v0 =	vld [tilespmem:s0+$0x130];
	_ =	sdelay $0x3  }
.Ltmp4:
0xbb: {  	(pc) =	sbr.rel @p2 .LBB2_8-.Ltmp4, $4  }
0xbc: {  	v1 =	vand.u32 $0xFFFF, v0;
	v0 =	vshra.s32 v0, $0x10  }
0xbd: {  	[tilespmem:$0x4030] =	vst v1  }
0xbe: {  	[tilespmem:$0x4130] =	vst v0  }
0xbf: {  	v0 =	vld [tilespmem:s0+$0x140]  }
0xc0: {  	_ =	sdelay $0x3  }
0xc1: {  	v1 =	vand.u32 $0xFFFF, v0  }
0xc2: {  	v63 =	vshra.s32 v0, $0x10;
	[tilespmem:$0x4040] =	vst v1  }
0xc3: {  	[tilespmem:$0x4140] =	vst v63  }
0xc4: {  	[tilespmem:s21], [sflag:$0x1] =	stream.indirect.gather [hbm4b:s3+s19], $0x80, s20, s19, $0xb8;
	[tilespmem:$0x1CA80] =	vst v63  }
0xc5: {  	_ = 	snop  }
0xc6: {  	[spmem:s1] =	stream.indirect.scatter.add.f32 [tilespmem:s26], [sflag:$0x2], $0x80, s29, s19, $0xb8;
	[tilespmem:$0x1CA80] =	vst v63  }
0xc7: {  	_ =	swait.ge [sflag:s16], $0x2800  }
0xc8: {  	[sflag:s16] =	ssyncset.done $0x0  }
0xc9: {  	[sflag:s16] =	ssyncadd.s32 $0xFFFFD800  }
0xca: {  	_ =	swait.ge [sflag:s22], $0x2800  }
0xcb: {  	[sflag:s22] =	ssyncset.done $0x0  }
0xcc: {  	[sflag:s22] =	ssyncadd.s32 $0xFFFFD800  }
0xcd: {  	[spmem:s1] =	stream.indirect.scatter.add.f32 [tilespmem:s21], [sflag:$0x2], $0x80, s28, s19, $0xb8;
	[tilespmem:$0x1CA80] =	vst v63  }
0xce: {  	_ =	swait.ge [sflag:s16], $0x2800  }
0xcf: {  	[sflag:s16] =	ssyncset.done $0x0  }
0xd0: {  	[sflag:s16] =	ssyncadd.s32 $0xFFFFD800  }
0xd1: {  	[bflag:$0x0] =	sbarrier.arrive $0xFFFF  }
0xd2: {  	[hbm:s12], [sflag:s15] =	dma.local [spmem:s30], $0x2700  }
0xd3: {  	_ =	swait.ge [sflag:s16], $0x2700  }
0xd4: {  	s2 =	sadd.s32 $0x1, s2;
	[sflag:s16] =	ssyncset.done $0x0  }
0xd5: {  	s0 =	sshrl.u32 @!p1 s9, $0x3;
	p2 =	sne.s32 s2, s14;
	[sflag:s16] =	ssyncadd.s32 $0xFFFFD900  }
0xd6: {  	[hbm:s13], [sflag:s15] =	dma.local @!p1 [spmem:s0], $0x100  }
.Ltmp5:
0xd7: {  	_ = 	snop;
	(pc) =	sbr.rel @p2 .LBB2_1-.Ltmp5, $4  }
0xd8: {  	s0 =	simm.s32 @!p1 $0x2  }
0xd9: {  	_ =	swait.ge @!p1 [sflag:s0], $0x100  }
0xda: {  	[sflag:s0] =	ssyncset.done @!p1 $0x0  }
0xdb: {  	[sflag:s0] =	ssyncadd.s32 @!p1 $0xFFFFFF00  }
0xdc: {  	_ =	sfence.sel $0x180000  }
0xdd: {  	[bflag:$0x0] =	sbarrier.arrive $0xFFFF  }
0xde: {  	_ =	strace $0x9000004D  }
0xdf: {  	[bflag:$0x2] =	sbarrier.arrive $0xFFFF  }
0xe0: {  	s0 =	rddreg [dreg:$0x2]  }
0xe1: {  	s0 =	sadd.s32 @!p1 $0x100000, s0  }
0xe2: {  	[sflag:s0] =	ssyncadd.tile.s32 @!p1 $0x1;
	_ =	shalt  }
.Lfunc_end2:
_tile_overlayer_lowered:
.L_overlay_start_2:
0xe3: {  	(tag) =	ssettag $0x2  }
0xe4: {  	s0 =	rddreg [dreg:$0x0];
	s2 =	stileid.u32  }
0xe5: {  	s1 =	rddreg [dreg:$0x1];
	p0 =	sne.s32 s2, $0x0  }
0xe6: {  	s3 =	rddreg [dreg:$0x2];
	[bflag:$0x3] =	sbarrier.arrive $0xFFFF;
	s2 =	simm.s32 @!p0 $0x1C02  }
0xe7: {  	[timem:s3], [sflag:s2] =	dma.local @!p0 [hbm:s0], s1  }
0xe8: {  	s0 =	simm.s32 @!p0 $0x2  }
0xe9: {  	_ =	swait.ge @!p0 [sflag:s0], s1  }
0xea: {  	s1 =	ssub.s32 @!p0 $0x0, s1;
	[sflag:s0] =	ssyncset.done @!p0 $0x0  }
0xeb: {  	[sflag:s0] =	ssyncadd.s32 @!p0 s1  }
0xec: {  	[bflag:$0x3] =	sbarrier.arrive $0xFFFF  }
0xed: {  	_ =	shalt  }

// kernel: kernel.8.cloned.1.call-start
scs
__scs_entry_jumppad:
0x0: {  	(pc) =	sbr.rel $0x88, $3  }
0x1: {  	(tag) =	ssettag $0x0;
	lr =	simm.s32 $0x1  }
0x2: {  	[smem:$0x3F97] =	sst lr;
	_ =	strace $0xD0000000  }
0x3: {  	_ = 	snop  }
0x4: {  	_ = 	snop  }
0x5: {  	_ = 	snop  }
0x6: {  	_ = 	snop  }
0x7: {  	_ = 	snop  }
__scs_overlays_trampoline_lowered:
0x8: {  	[smem:$0x3FA6] =	sst s0  }
0x9: {  	[smem:$0x3FA7] =	sst s1  }
0xa: {  	[smem:$0x3FA8] =	sst s2  }
0xb: {  	[smem:$0x3FA9] =	sst s3  }
0xc: {  	[smem:$0x3FAA] =	sst s4  }
0xd: {  	[smem:$0x3FAB] =	sst s5  }
0xe: {  	[smem:$0x3FAC] =	sst s6  }
0xf: {  	[smem:$0x3FAD] =	sst s7  }
0x10: {  	[smem:$0x3FAE] =	sst s8  }
0x11: {  	[smem:$0x3FAF] =	sst s9;
	s0 =	simm.s32 @!p0 $0x0  }
0x12: {  	s1 =	sld [smem:$0x3F95];
	s0 =	simm.s32 @p0 $0x1  }
0x13: {  	[smem:$0x3FB0] =	sst s0;
	s0 =	simm.s32 @!p1 $0x0  }
0x14: {  	s2 =	sld [smem:$0x3F94];
	s0 =	simm.s32 @p1 $0x1  }
0x15: {  	[smem:$0x3FB1] =	sst s0;
	s0 =	simm.s32 @!p2 $0x0  }
0x16: {  	s3 =	sld [smem:$0x3FDB];
	s0 =	simm.s32 @p2 $0x1  }
0x17: {  	s4 =	simm.s32 $0x1BF5;
	[smem:$0x3FB3] =	sst s0  }
0x18: {  	s0 =	sld [smem:$0x3F96];
	_ =	swait.ge [sflag:s4], $0x0  }
0x19: {  	s7 =	sld [smem:$0x3F97]  }
0x1a: {  	s8 =	sadd.s32 $0xFFFFE003, lr  }
0x1b: {  	s9 =	sadd.s32 $0xFFFFFEF7, lr;
	s5 =	simm.s32 $0xFFFFFFFF;
	p2 =	slt.u32 s8, $0xFFFFF086  }
0x1c: {  	p1 =	slt.u32 s9, $0xF7A;
	s5 =	simm.s32 @!p2 $0x0  }
0x1d: {  	s5 =	simm.s32 @p1 $0x1;
	p0 =	seq.s32 s7, s2  }
0x1e: {  	s7 =	smul.u32 @!p0 $0xF7A, s2;
	p2 =	seq.s32 @!p0 s5, $0x0  }
0x1f: {  	s9 =	smul.u32 $0xF7A, s1;
	s8 =	simm.s32 @!p0 $0x1BF5;
	p2 =	por !p2, p0  }
0x20: {  	[sflag:s8] =	ssyncset.s32 @!p0 $0xFFFFF086;
	s6 =	sadd.s32 @!p0 s3, s7;
	s7 =	simm.s32 @!p0 $0x108  }
0x21: {  	s3 =	sadd.s32 s3, s9;
	s6 =	sadd.s32 @!p0 $0x88, s6;
	s7 =	simm.s32 @p2 $0x1082  }
0x22: {  	[simem:s7], [sflag:s8] =	dma.local @!p0 [hbm:s6], $0xF7A  }
0x23: {  	s9 =	sor.u32 $0xD0000000, s2;
	s6 =	simm.s32 $0x108;
	_ =	swait.ge @!p0 [sflag:s8], $0x0  }
0x24: {  	s3 =	sadd.s32 $0x88, s3;
	s6 =	simm.s32 @!p1 $0x1082;
	[sflag:s4] =	ssyncset.s32 $0xFFFFF086  }
0x25: {  	[simem:s6], [sflag:s4] =	dma.local [hbm:s3], $0xF7A  }
0x26: {  	[smem:$0x3F97] =	sst s1;
	(tag) =	ssettag s2;
	_ =	strace s9  }
0x27: {  	s1 =	sld [smem:$0x3FA7]  }
0x28: {  	s2 =	sld [smem:$0x3FA8]  }
0x29: {  	s4 =	sld [smem:$0x3FAA]  }
0x2a: {  	p0 =	seq.s32 s5, $0x0;
	s5 =	sld [smem:$0x3FAB]  }
0x2b: {  	s6 =	sld [smem:$0x3FAC]  }
0x2c: {  	s7 =	sld [smem:$0x3FAD]  }
0x2d: {  	s3 =	simm.s32 $0x108;
	s8 =	sld [smem:$0x3FAE]  }
0x2e: {  	s3 =	simm.s32 @!p0 $0x1082;
	s9 =	sld [smem:$0x3FAF]  }
0x2f: {  	lr =	sadd.s32 s0, s3;
	s0 =	sld [smem:$0x3FA6]  }
0x30: {  	s3 =	sld [smem:$0x3FA9]  }
0x31: {  	[smem:$0x3FB2] =	sst s10  }
0x32: {  	s10 =	sld [smem:$0x3FB0];
	_ =	sdelay $0x3  }
0x33: {  	p0 =	seq.s32 s10, $0x1;
	s10 =	sld [smem:$0x3FB2];
	_ =	sdelay $0x3  }
0x34: {  	[smem:$0x3FB2] =	sst s10  }
0x35: {  	s10 =	sld [smem:$0x3FB1];
	_ =	sdelay $0x3  }
0x36: {  	p1 =	seq.s32 s10, $0x1;
	s10 =	sld [smem:$0x3FB2];
	_ =	sdelay $0x3  }
0x37: {  	[smem:$0x3FB2] =	sst s10  }
0x38: {  	s10 =	sld [smem:$0x3FB3]  }
0x39: {  	_ = 	snop;
	(pc) =	sbr.ind lr, $3  }
0x3a: {  	_ = 	snop  }
0x3b: {  	_ = 	snop  }
0x3c: {  	p2 =	seq.s32 s10, $0x1;
	s10 =	sld [smem:$0x3FB2]  }
0x3d: {  	_ =	shalt  }
0x3e: {  	_ =	shalt  }
0x3f: {  	_ =	shalt  }
0x40: {  	_ =	shalt  }
0x41: {  	_ =	shalt  }
0x42: {  	_ =	shalt  }
0x43: {  	_ =	shalt  }
0x44: {  	_ =	shalt  }
0x45: {  	_ =	shalt  }
0x46: {  	_ =	shalt  }
0x47: {  	_ =	shalt  }
0x48: {  	_ =	shalt  }
0x49: {  	_ =	shalt  }
0x4a: {  	_ =	shalt  }
0x4b: {  	_ =	shalt  }
0x4c: {  	_ =	shalt  }
0x4d: {  	_ =	shalt  }
0x4e: {  	_ =	shalt  }
0x4f: {  	_ =	shalt  }
0x50: {  	_ =	shalt  }
0x51: {  	_ =	shalt  }
0x52: {  	_ =	shalt  }
0x53: {  	_ =	shalt  }
0x54: {  	_ =	shalt  }
0x55: {  	_ =	shalt  }
0x56: {  	_ =	shalt  }
0x57: {  	_ =	shalt  }
0x58: {  	_ =	shalt  }
0x59: {  	_ =	shalt  }
0x5a: {  	_ =	shalt  }
0x5b: {  	_ =	shalt  }
0x5c: {  	_ =	shalt  }
0x5d: {  	_ =	shalt  }
0x5e: {  	_ =	shalt  }
0x5f: {  	_ =	shalt  }
0x60: {  	_ =	shalt  }
0x61: {  	_ =	shalt  }
0x62: {  	_ =	shalt  }
0x63: {  	_ =	shalt  }
0x64: {  	_ =	shalt  }
0x65: {  	_ =	shalt  }
0x66: {  	_ =	shalt  }
0x67: {  	_ =	shalt  }
0x68: {  	_ =	shalt  }
0x69: {  	_ =	shalt  }
0x6a: {  	_ =	shalt  }
0x6b: {  	_ =	shalt  }
0x6c: {  	_ =	shalt  }
0x6d: {  	_ =	shalt  }
0x6e: {  	_ =	shalt  }
0x6f: {  	_ =	shalt  }
0x70: {  	_ =	shalt  }
0x71: {  	_ =	shalt  }
0x72: {  	_ =	shalt  }
0x73: {  	_ =	shalt  }
0x74: {  	_ =	shalt  }
0x75: {  	_ =	shalt  }
0x76: {  	_ =	shalt  }
0x77: {  	_ =	shalt  }
0x78: {  	_ =	shalt  }
0x79: {  	_ =	shalt  }
0x7a: {  	_ =	shalt  }
0x7b: {  	_ =	shalt  }
0x7c: {  	_ =	shalt  }
0x7d: {  	_ =	shalt  }
0x7e: {  	_ =	shalt  }
0x7f: {  	_ =	shalt  }
0x80: {  	_ =	shalt  }
0x81: {  	_ =	shalt  }
0x82: {  	_ =	shalt  }
0x83: {  	_ =	shalt  }
0x84: {  	_ =	shalt  }
0x85: {  	_ =	shalt  }
0x86: {  	_ =	shalt  }
0x87: {  	_ =	shalt  }
.Lfunc_end0:
.L_simem_size_0:
called_computation_lowered:
.L_overlay_start_0:
0x88: {  	s2 =	sld [smem:$0x3FD9]  }
0x89: {  	s3 =	sld [smem:$0x3FFE];
	_ =	sdelay $0x1  }
0x8a: {  	s1 =	srdreg.scid  }
0x8b: {  	s0 =	sand.u32 $0x1, s1  }
0x8c: {  	s17 =	sshll.u32 s0, $0xA;
	s2 =	sadd.s32 s3, s2  }
0x8d: {  	s2 =	sadd.s32 s2, s17  }
0x8e: {  	[smem:$0x3FBE] =	sst s2  }
0x8f: {  	_ = 	snop  }
0x90: {  	s2 =	sld [smem:$0x3FD0];
	(tm) =	ssettm $0x1  }
0x91: {  	s18 =	sld [smem:$0x3FFB];
	_ =	sdelay $0x3  }
0x92: {  	_ =	strace s18  }
0x93: {  	s3 =	sld [smem:$0x3FFC];
	_ =	sdelay $0x3  }
0x94: {  	_ =	strace s3  }
0x95: {  	s3 =	sld [smem:$0x3FFD];
	_ =	sdelay $0x3  }
0x96: {  	_ =	strace s3  }
0x97: {  	_ =	strace $0x8FFFFFFF  }
0x98: {  	s19 =	sld [smem:$0x3FDB];
	_ =	sdelay $0x1  }
0x99: {  	s4 =	simm.s32 $_scs_section_size  }
0x9a: {  	s5 =	simm.s32 $_size__tile_overlayer_lowered;
	s6 =	simm.s32 $_tile_overlayer_lowered  }
0x9b: {  	s22 =	simm.s32 $0x1BFF;
	s21 =	sshll.u32 s6, $0x1;
	s3 =	sadd.s32 s4, s19  }
0x9c: {  	s7 =	simm.s32 $0x0;
	s20 =	sshll.u32 s5, $0x1;
	s5 =	sadd.s32 s21, s3  }
0x9d: {  	[timem:s7], [sflag:s22] =	dma.local [hbm:s5], s20  }
0x9e: {  	_ =	swait.ge [sflag:s22], s20  }
0x9f: {  	s4 =	ssub.s32 $0x0, s20;
	[sflag:s22] =	ssyncset.done $0x0  }
0xa0: {  	[sflag:s22] =	ssyncadd.s32 s4;
	_ =	sdelay $0x1  }
0xa1: {  	s23 =	simm.s32 $0x1B8B  }
0xa2: {  	_ =	swait.ge [sflag:s23], $0x1  }
0xa3: {  	[sflag:s23] =	ssyncset.done $0x0  }
0xa4: {  	s25 =	simm.s32 $0x1B8E;
	s24 =	sld [smem:$0x3FFE];
	[sflag:s23] =	ssyncadd.s32 $0xFFFFFFFF  }
0xa5: {  	s26 =	simm.s32 $execute0_lowered;
	[smem:$0x3FD2] =	sst s25  }
0xa6: {  	s5 =	sshll.u32 s26, $0x1;
	_ =	strace $0x80000046;
	[dreg:$0x1] =	wrdreg $0xFFFFFFFF  }
0xa7: {  	s28 =	simm.s32 $_size_execute0_lowered;
	s3 =	sadd.s32 s3, s5;
	[dreg:$0x0] =	wrdreg $0x0  }
0xa8: {  	s5 =	sshll.u32 s28, $0x1;
	[dreg:$0x2] =	wrdreg s3  }
0xa9: {  	[dreg:$0x3] =	wrdreg s5  }
0xaa: {  	[dreg:$0x4] =	wrdreg $0xC0  }
0xab: {  	_ =	task [dreg:s7], $0x5FFFF  }
0xac: {  	[dreg:$0x1] =	wrdreg $0xFFFFFFFF  }
0xad: {  	[dreg:$0x0] =	wrdreg $0x60  }
0xae: {  	[dreg:$0x2] =	wrdreg s24  }
0xaf: {  	[dreg:$0x3] =	wrdreg s2  }
0xb0: {  	[dreg:$0x4] =	wrdreg $0x68000  }
0xb1: {  	[dreg:$0x5] =	wrdreg $0x9  }
0xb2: {  	_ =	task.clear_ibuf [dreg:s7], $0x6FFFF;
	_ =	strace $0x90000046  }
0xb3: {  	s29 =	simm.s32 $0x9;
	_ =	strace $0x80000048  }
0xb4: {  	_ =	swait.ge [sflag:s29], $0x1  }
0xb5: {  	[sflag:s29] =	ssyncadd.s32 $0xFFFFFFFF  }
0xb6: {  	_ =	strace $0x90000048  }
0xb7: {  	_ =	sfence  }
0xb8: {  	s30 =	sld [smem:$0x0];
	_ =	sdelay $0x2  }
0xb9: {  	s31 =	sshll.u32 s1, $0xD;
	s1 =	sshrl.u32 s1, $0x2  }
0xba: {  	s3 =	sand.u32 $0x4000, s31;
	s1 =	sadd.s32 s1, s30  }
0xbb: {  	s0 =	sor.u32 s3, s0;
	s1 =	sshll.u32 s1, $0x11  }
0xbc: {  	s0 =	sor.u32 s1, s0  }
0xbd: {  	s0 =	sadd.s32 $0x8F2B, s0  }
0xbe: {  	[sflag:s0] =	ssyncadd.remote.s32 $0x1  }
0xbf: {  	_ =	sfence.sel $0xFFFF  }
0xc0: {  	[dreg:$0x0] =	wrdreg $0xFFFFFFFF;
	(pc) =	sbr.abs _section_cstart, $3  }
0xc1: {  	[dreg:$0x1] =	wrdreg $0xFFFFFFFF  }
0xc2: {  	_ =	task.clear_ibuf [dreg:s7], $0x2FFFF;
	_ =	strace $0x9FFFFFFF  }
0xc3: {  	(tm) =	ssettm $0x7FFFFFFF  }
tec
execute0_lowered:
.L_overlay_start_1:
0x0: {  	(tag) =	ssettag $0x1  }
0x1: {  	s5 =	rddreg [dreg:$0x0]  }
0x2: {  	s1 =	rddreg [dreg:$0x1]  }
0x3: {  	s2 =	rddreg [dreg:$0x2]  }
0x4: {  	s0 =	rddreg [dreg:$0x3]  }
0x5: {  	s3 =	simm.s32 $0x0;
	s4 =	srdreg.scid;
	s10 =	stileid.u32  }
0x6: {  	s17 =	simm.s32 $0x0;
	[smem:$0x7FF] =	sst s3;
	s6 =	sand.u32 $0x1, s4  }
0x7: {  	s8 =	smul.u32 $0x4E000, s10;
	s12 =	sadd.s32 $0x12E00, s5;
	s26 =	sshll.u32 s10, $0x6  }
0x8: {  	s28 =	smul.u32 $0x13800, s10;
	s16 =	sadd.s32 $0x138000, s2;
	s29 =	sshll.u32 s10, $0xC  }
0x9: {  	p0 =	sne.s32 s10, $0x0;
	_ =	strace $0x80000047;
	s4 =	sshll.u32 s6, $0xB  }
0xa: {  	s7 =	ssub.s32 $0x2, s6;
	s6 =	smul.u32 $0x138800, s6;
	s9 =	sadd.s32 s4, s5  }
0xb: {  	s4 =	sadd.s32 $0x12000, s5;
	s11 =	sshrl.u32 s7, $0x1;
	s25 =	sshrl.u32 s8, $0x2  }
0xc: {  	s5 =	sor.u32 $0x1C01, s26;
	s11 =	ssub.s32 s7, s11;
	s13 =	sadd.s32 s25, s2  }
0xd: {  	s8 =	sadd.s32 s29, s9;
	s7 =	sadd.s32 s28, s6;
	s30 =	sshrl.u32 s6, $0x3  }
0xe: {  	s14 =	sadd.s32 $0x6800, s13;
	s15 =	sadd.s32 $0xD000, s13;
	s6 =	sadd.s32 $0x2000, s8  }
0xf: {  	s7 =	sshrl.u32 s7, $0x3;
	s31 =	sadd.s32 s12, s30;
	s9 =	smax.u32 s11, $0x1  }
0x10: {  	s10 =	sshrl.u32 s13, $0x3;
	s11 =	simm.s32 $0x1;
	s7 =	sadd.s32 s12, s7  }
0x11: {  	s8 =	sadd.s32 $0x27000, s31;
	s12 =	sshrl.u32 s14, $0x3;
	s13 =	sshrl.u32 s15, $0x3  }
0x12: {  	s14 =	sshrl.u32 @!p0 s16, $0x3;
	s15 =	simm.s32 $0x4000;
	s16 =	simm.s32 $0x50  }
.LBB2_1:
0x13: {  	[spmem:s10], [sflag:s5] =	dma.local [hbm:s4], $0xD00  }
0x14: {  	_ =	swait.ge [sflag:s11], $0xD00  }
0x15: {  	[sflag:s11] =	ssyncset.done $0x0  }
0x16: {  	[sflag:s11] =	ssyncadd.s32 $0xFFFFF300  }
0x17: {  	[spmem:s12], [sflag:s5] =	dma.local [hbm:s4], $0xD00  }
0x18: {  	_ =	swait.ge [sflag:s11], $0xD00  }
0x19: {  	[sflag:s11] =	ssyncset.done $0x0  }
0x1a: {  	[sflag:s11] =	ssyncadd.s32 $0xFFFFF300  }
0x1b: {  	[spmem:s13], [sflag:s5] =	dma.local [hbm:s4], $0xD00  }
0x1c: {  	_ =	swait.ge [sflag:s11], $0xD00  }
0x1d: {  	[sflag:s11] =	ssyncset.done $0x0  }
0x1e: {  	s18 =	simm.s32 @!p0 $0x1;
	[sflag:s11] =	ssyncadd.s32 $0xFFFFF300  }
0x1f: {  	[spmem:s14], [sflag:s5] =	dma.local @!p0 [hbm:s4], $0x100  }
0x20: {  	_ =	swait.ge @!p0 [sflag:s18], $0x100  }
0x21: {  	[sflag:s18] =	ssyncset.done @!p0 $0x0  }
0x22: {  	[sflag:s18] =	ssyncadd.s32 @!p0 $0xFFFFFF00  }
0x23: {  	[tilespmem:s3], [sflag:$0x1] =	stream.linear.gather [hbm4b:s6+s3], $0x3E80, $0x38;
	[tilespmem:$0x1A080] =	vst v63  }
0x24: {  	_ =	swait.ge [sflag:s11], $0x3E80  }
0x25: {  	[sflag:s11] =	ssyncset.done $0x0  }
0x26: {  	[sflag:s11] =	ssyncadd.s32 $0xFFFFC180  }
0x27: {  	[tilespmem:s15], [sflag:$0x1] =	stream.linear.gather [hbm4b:s1+s3], $0x2800, $0x38;
	[tilespmem:$0x1A080] =	vst v63  }
0x28: {  	_ =	swait.ge [sflag:s11], $0x2800  }
0x29: {  	[sflag:s11] =	ssyncset.done $0x0  }
0x2a: {  	s18 =	simm.s32 $0x0;
	[sflag:s11] =	ssyncadd.s32 $0xFFFFD800  }
0x2b: {  	v3 =	vld [tilespmem:s18+$0x0]  }
0x2c: {  	v2 =	vld [tilespmem:s18+$0x10]  }
0x2d: {  	v1 =	vld [tilespmem:s18+$0x20]  }
0x2e: {  	s19 =	simm.s32 $0x200;
	v0 =	vld [tilespmem:s18+$0x30]  }
.LBB2_2:
0x2f: {  	p1 =	sne.s32 s19, $0xF800;
	v4 =	vld [tilespmem:s18+$0x40]  }
0x30: {  	v3 =	vshra.s32 v3, $0x10  }
.Ltmp0:
0x31: {  	s20 =	sshra.s32 s19, $0x2;
	[tilespmem:s18+$0x0] =	vst v3;
	v2 =	vshra.s32 v2, $0x10;
	(pc) =	sbr.rel @p1 .LBB2_2-.Ltmp0, $4  }
0x32: {  	v3 =	vld [tilespmem:s20+$0x0];
	[tilespmem:s18+$0x10] =	vst v2;
	v1 =	vshra.s32 v1, $0x10  }
0x33: {  	v2 =	vld [tilespmem:s20+$0x10];
	[tilespmem:s18+$0x20] =	vst v1;
	v0 =	vshra.s32 v0, $0x10  }
0x34: {  	v1 =	vld [tilespmem:s20+$0x20];
	[tilespmem:s18+$0x30] =	vst v0;
	v4 =	vshra.s32 v4, $0x10  }
0x35: {  	s19 =	sadd.s32 $0x200, s19;
	v0 =	vld [tilespmem:s20+$0x30];
	[tilespmem:s18+$0x40] =	vst v4;
	s18 =	smov.u32 s20  }
0x36: {  	v4 =	vld [tilespmem:s18+$0x40]  }
0x37: {  	v3 =	vshra.s32 v3, $0x10  }
0x38: {  	[tilespmem:s18+$0x0] =	vst v3;
	v2 =	vshra.s32 v2, $0x10  }
0x39: {  	[tilespmem:s18+$0x10] =	vst v2;
	v1 =	vshra.s32 v1, $0x10  }
0x3a: {  	[tilespmem:s18+$0x20] =	vst v1;
	v0 =	vshra.s32 v0, $0x10  }
0x3b: {  	[tilespmem:s18+$0x30] =	vst v0;
	v63 =	vshra.s32 v4, $0x10  }
0x3c: {  	[tilespmem:s18+$0x40] =	vst v63  }
0x3d: {  	s31 =	simm.s32 $0x0;
	[bflag:$0x0] =	sbarrier.arrive $0xFFFF  }
0x3e: {  	[spmem:s2] =	stream.indirect.scatter.add.f32 [tilespmem:s15], [sflag:$0x1], $0x80, s31, s16, $0xb8;
	[tilespmem:$0x1A080] =	vst v63  }
0x3f: {  	_ =	swait.ge [sflag:s11], $0x2800  }
0x40: {  	s18 =	simm.s32 $0x200;
	[sflag:s11] =	ssyncset.done $0x0  }
.LBB2_4:
0x41: {  	s19 =	sshra.s32 s18, $0x2;
	[sflag:s11] =	ssyncadd.s32 $0xFFFFD800;
	p1 =	sne.s32 s18, $0xF800  }
0x42: {  	[spmem:s2] =	stream.indirect.scatter.add.f32 [tilespmem:s15], [sflag:$0x1], $0x80, s19, s16, $0xb8;
	[tilespmem:$0x1A080] =	vst v63  }
.Ltmp1:
0x43: {  	_ = 	snop;
	(pc) =	sbr.rel @p1 .LBB2_4-.Ltmp1, $4  }
0x44: {  	_ = 	snop  }
0x45: {  	s18 =	sadd.s32 $0x200, s18  }
0x46: {  	_ =	swait.ge [sflag:s11], $0x2800  }
0x47: {  	[sflag:s11] =	ssyncset.done $0x0  }
0x48: {  	[sflag:s11] =	ssyncadd.s32 $0xFFFFD800  }
0x49: {  	[bflag:$0x0] =	sbarrier.arrive $0xFFFF  }
0x4a: {  	[hbm:s7], [sflag:s5] =	dma.local [spmem:s10], $0x2700  }
0x4b: {  	s17 =	sadd.s32 $0x1, s17;
	_ =	swait.ge [sflag:s11], $0x2700  }
0x4c: {  	p1 =	sne.s32 s17, s9;
	[sflag:s11] =	ssyncset.done $0x0  }
.Ltmp2:
0x4d: {  	s18 =	simm.s32 @!p0 $0x1;
	[sflag:s11] =	ssyncadd.s32 $0xFFFFD900;
	(pc) =	sbr.rel @p1 .LBB2_1-.Ltmp2, $4  }
0x4e: {  	[hbm:s8], [sflag:s5] =	dma.local @!p0 [spmem:s14], $0x100  }
0x4f: {  	_ =	swait.ge @!p0 [sflag:s18], $0x100  }
0x50: {  	[sflag:s18] =	ssyncset.done @!p0 $0x0  }
0x51: {  	[sflag:s18] =	ssyncadd.s32 @!p0 $0xFFFFFF00  }
0x52: {  	_ =	sfence.sel $0x180000  }
0x53: {  	[bflag:$0x0] =	sbarrier.arrive $0xFFFF  }
0x54: {  	_ =	strace $0x90000047  }
0x55: {  	s0 =	sadd.s32 @!p0 $0x100000, s0;
	[bflag:$0x2] =	sbarrier.arrive $0xFFFF  }
0x56: {  	[sflag:s0] =	ssyncadd.tile.s32 @!p0 $0x1;
	_ =	shalt  }
.Lfunc_end2:
_tile_overlayer_lowered:
.L_overlay_start_2:
0x57: {  	(tag) =	ssettag $0x2  }
0x58: {  	s0 =	rddreg [dreg:$0x0];
	s2 =	stileid.u32  }
0x59: {  	s1 =	rddreg [dreg:$0x1];
	p0 =	sne.s32 s2, $0x0  }
0x5a: {  	s3 =	rddreg [dreg:$0x2];
	[bflag:$0x3] =	sbarrier.arrive $0xFFFF;
	s2 =	simm.s32 @!p0 $0x1C01  }
0x5b: {  	[timem:s3], [sflag:s2] =	dma.local @!p0 [hbm:s0], s1  }
0x5c: {  	s0 =	simm.s32 @!p0 $0x1  }
0x5d: {  	_ =	swait.ge @!p0 [sflag:s0], s1  }
0x5e: {  	s1 =	ssub.s32 @!p0 $0x0, s1;
	[sflag:s0] =	ssyncset.done @!p0 $0x0  }
0x5f: {  	[sflag:s0] =	ssyncadd.s32 @!p0 s1  }
0x60: {  	[bflag:$0x3] =	sbarrier.arrive $0xFFFF  }
0x61: {  	_ =	shalt  }

</sc_bundles>
